<compile_context>
chip_gen: v7x
topology: tpu7x:2x2x1
jax: 0.10.2.dev20260603
libtpu: 0.0.44.dev20260713+nightly
codegen_flags: <defaults>
</compile_context>

<pallas_src>
import functools

import jax
import jax.numpy as jnp
from jax import lax
from jax.experimental import pallas as pl
from jax.experimental.pallas import tpu as pltpu
from jax.experimental.pallas import tpu_sc as plsc

_N = 10000
_E = 320000
_D = 128
_G = 5
_GP = 8
_LAM = 0.01
_EPS = 1e-5

_NC = 2
_NS = 16
_NW = _NC * _NS
_EPW = _E // _NW
_CH = 128
_NCHUNK = -(-_EPW // _CH)
_NP = 10240
_RPT = _NP // _NS

_MESH = dict(core_axis_name="c", subcore_axis_name="s", num_cores=_NC,
             num_subcores=_NS)



def _sc_deg_body(dst_hbm, out_hbm, idx_v, dbuf, ones_v, z_v, hist_sh):
    c = lax.axis_index("c")
    s = lax.axis_index("s")
    w = c * _NS + s

    def fill_ones(i, carry):
        ones_v[pl.ds(i * 16, 16)] = jnp.full((16,), 1.0, jnp.float32)
        return carry

    lax.fori_loop(0, _CH // 16, fill_ones, 0)

    def fill_z(i, carry):
        z_v[pl.ds(i * 16, 16)] = jnp.zeros((16,), jnp.float32)
        return carry

    lax.fori_loop(0, _RPT // 16, fill_z, 0)

    pltpu.sync_copy(dst_hbm.at[pl.ds(w * _EPW, _EPW)], idx_v)
    pltpu.sync_copy(z_v, hist_sh.at[pl.ds(s * _RPT, _RPT)])
    plsc.subcore_barrier()

    def chunk(j, carry):
        def unpack(k, carry2):
            base = j * _CH + k * 16

            @pl.when(base < _EPW)
            def _():
                dbuf[0, pl.ds(k * 16, 16)] = idx_v[pl.ds(base, 16)]

            @pl.when(base >= _EPW)
            def _():
                dbuf[0, pl.ds(k * 16, 16)] = (
                    _N + k * 16 + lax.iota(jnp.int32, 16))

            return carry2

        lax.fori_loop(0, _CH // 16, unpack, 0)
        pltpu.sync_copy(ones_v, hist_sh.at[dbuf.at[0]], add=True)
        return carry

    lax.fori_loop(0, _NCHUNK, chunk, 0)
    plsc.subcore_barrier()
    pltpu.sync_copy(hist_sh.at[pl.ds(s * _RPT, _RPT)], out_hbm.at[c, s])


def _sc_scatter_body(hs_hbm, comb_hbm, out_hbm, idx_v, sbuf, dbuf, gbuf,
                     acc_sh, gsem, ssem):
    c = lax.axis_index("c")
    s = lax.axis_index("s")
    w = c * _NS + s

    def zrow(r, carry):
        def zcol(k, carry2):
            gbuf[0, r, pl.ds(k * 16, 16)] = jnp.zeros((16,), jnp.float32)
            return carry2

        lax.fori_loop(0, _D // 16, zcol, 0)
        return carry

    lax.fori_loop(0, _CH, zrow, 0)

    def zacc(k, carry):
        pltpu.sync_copy(gbuf.at[0, pl.ds(0, 64)],
                        acc_sh.at[pl.ds(s * _RPT + k * 64, 64)])
        return carry

    lax.fori_loop(0, _RPT // 64, zacc, 0)

    pltpu.sync_copy(comb_hbm.at[pl.ds(w * _EPW, _EPW)], idx_v)
    plsc.subcore_barrier()

    def unpack(j):
        m = lax.rem(j, 2)

        def body(k, carry):
            base = j * _CH + k * 16

            @pl.when(base < _EPW)
            def _():
                v = idx_v[pl.ds(base, 16)]
                sbuf[m, pl.ds(k * 16, 16)] = lax.bitwise_and(
                    v, jnp.full((16,), 0xFFFF, jnp.int32))
                dbuf[m, pl.ds(k * 16, 16)] = lax.shift_right_logical(v, 16)

            @pl.when(base >= _EPW)
            def _():
                pad = k * 16 + lax.iota(jnp.int32, 16)
                sbuf[m, pl.ds(k * 16, 16)] = pad
                dbuf[m, pl.ds(k * 16, 16)] = _N + pad

            return carry

        lax.fori_loop(0, _CH // 16, body, 0)

    def start_gather(j):
        m = lax.rem(j, 2)
        pltpu.async_copy(hs_hbm.at[sbuf.at[m]], gbuf.at[m], gsem.at[m])

    def wait_gather(j):
        m = lax.rem(j, 2)
        pltpu.make_async_copy(hs_hbm.at[sbuf.at[m]], gbuf.at[m],
                              gsem.at[m]).wait()

    def start_scatter(j):
        m = lax.rem(j, 2)
        pltpu.async_copy(gbuf.at[m], acc_sh.at[dbuf.at[m]], ssem.at[m],
                         add=True)

    def wait_scatter(j):
        m = lax.rem(j, 2)
        pltpu.make_async_copy(gbuf.at[m], acc_sh.at[dbuf.at[m]],
                              ssem.at[m]).wait()

    unpack(0)
    start_gather(0)
    unpack(1)
    start_gather(1)
    wait_gather(0)
    start_scatter(0)

    def chunk(j, carry):
        wait_scatter(j - 1)
        unpack(j + 1)
        start_gather(j + 1)
        wait_gather(j)
        start_scatter(j)
        return carry

    lax.fori_loop(1, _NCHUNK - 1, chunk, 0)
    wait_gather(_NCHUNK - 1)
    start_scatter(_NCHUNK - 1)
    wait_scatter(_NCHUNK - 2)
    wait_scatter(_NCHUNK - 1)
    plsc.subcore_barrier()
    pltpu.sync_copy(acc_sh.at[pl.ds(s * _RPT, _RPT)], out_hbm.at[c, s])


@functools.cache
def _sc_kernels():
    mesh = plsc.VectorSubcoreMesh(**_MESH)
    sc_deg = pl.kernel(
        _sc_deg_body,
        out_type=jax.ShapeDtypeStruct((_NC, _NS, _RPT), jnp.float32),
        mesh=mesh,
        scratch_types=[
            pltpu.VMEM((_EPW,), jnp.int32),
            pltpu.VMEM((1, _CH), jnp.int32),
            pltpu.VMEM((_CH,), jnp.float32),
            pltpu.VMEM((_RPT,), jnp.float32),
            pltpu.VMEM_SHARED((_NP,), jnp.float32),
        ],
    )
    sc_scatter = pl.kernel(
        _sc_scatter_body,
        out_type=jax.ShapeDtypeStruct((_NC, _NS, _RPT, _D), jnp.float32),
        mesh=mesh,
        scratch_types=[
            pltpu.VMEM((_EPW,), jnp.int32),
            pltpu.VMEM((2, _CH), jnp.int32),
            pltpu.VMEM((2, _CH), jnp.int32),
            pltpu.VMEM((2, _CH, _D), jnp.float32),
            pltpu.VMEM_SHARED((_NP, _D), jnp.float32),
            pltpu.SemaphoreType.DMA((2,)),
            pltpu.SemaphoreType.DMA((2,)),
        ],
    )
    return sc_deg, sc_scatter



_NB = _NP // _D


def _mask80():
    n = (lax.broadcasted_iota(jnp.int32, (_NB, _D), 0) * _D
         + lax.broadcasted_iota(jnp.int32, (_NB, _D), 1))
    return jnp.where(n < _N, 1.0, 0.0).astype(jnp.float32)


def _rowmul(m, col80):
    return (m.reshape(_NB, _D, _D) * col80[:, :, None]).reshape(_NP, _D)


def _dgn_relu(o, lw, lb, bw, bb):
    logits = jnp.dot(o, lw, preferred_element_type=jnp.float32) + lb[None, :]
    s = jax.nn.softmax(logits, axis=-1)
    cdims = (((0,), (0,)), ((), ()))
    m = lax.dot_general(s, o, cdims,
                        preferred_element_type=jnp.float32) / _N
    q = lax.dot_general(s * s, o * o, cdims,
                        preferred_element_type=jnp.float32) / _N
    var = q - m * m
    wgt = bw * lax.rsqrt(var + _EPS)
    cvec = jnp.sum(m * wgt - bb, axis=0, keepdims=True)
    sw = jnp.dot(s, wgt, preferred_element_type=jnp.float32)
    return jnp.maximum(o + _LAM * (o * sw - cvec), 0.0)


def _conv_out(acc_ref, hs_ref, dinvm, b):
    accsum = acc_ref[0] + acc_ref[1] + hs_ref[...]
    o3 = (accsum.reshape(_NB, _D, _D) * dinvm[:, :, None]
          + _mask80()[:, :, None] * b[None, None, :])
    return o3.reshape(_NP, _D)


def _tc_prea_body(x_ref, wpre_ref, bpre_ref, w1_ref, hw_ref):
    h = jnp.dot(x_ref[...], wpre_ref[...],
                preferred_element_type=jnp.float32) + bpre_ref[...][None, :]
    hw_ref[: _N] = jnp.dot(h, w1_ref[...], preferred_element_type=jnp.float32)
    hw_ref[_N:] = jnp.zeros((_NP - _N, _D), jnp.float32)


def _tc_preb_body(hw_ref, degp_ref, hs_ref, dinv_ref):
    deg = degp_ref[0] + degp_ref[1]
    dinvm = lax.rsqrt(deg + 1.0) * _mask80()
    dinv_ref[...] = dinvm
    hs_ref[...] = _rowmul(hw_ref[...], dinvm)


def _tc_mid_body(acc_ref, hs1_ref, dinv_ref, b1_ref, lw_ref, lb_ref, bw_ref,
                 bb_ref, w2_ref, hs2_ref):
    dinvm = dinv_ref[...]
    o = _conv_out(acc_ref, hs1_ref, dinvm, b1_ref[...])
    h = _dgn_relu(o, lw_ref[...], lb_ref[...], bw_ref[...], bb_ref[...])
    hs2_ref[...] = _rowmul(
        jnp.dot(h, w2_ref[...], preferred_element_type=jnp.float32), dinvm)


def _tc_post_body(acc_ref, hs2_ref, dinv_ref, b2_ref, lw_ref, lb_ref, bw_ref,
                  bb_ref, wjk_ref, bjk_ref, wpost_ref, bpost_ref, out_ref):
    o = _conv_out(acc_ref, hs2_ref, dinv_ref[...], b2_ref[...])
    h = _dgn_relu(o, lw_ref[...], lb_ref[...], bw_ref[...], bb_ref[...])
    t = jnp.dot(h, wjk_ref[...],
                preferred_element_type=jnp.float32) + bjk_ref[...][None, :]
    out_ref[...] = (jnp.dot(t, wpost_ref[...],
                            preferred_element_type=jnp.float32)
                    + bpost_ref[...][None, :])[: _N]


_tc_prea = pl.pallas_call(
    _tc_prea_body,
    out_shape=jax.ShapeDtypeStruct((_NP, _D), jnp.float32),
)

_tc_preb = pl.pallas_call(
    _tc_preb_body,
    out_shape=[jax.ShapeDtypeStruct((_NP, _D), jnp.float32),
               jax.ShapeDtypeStruct((_NB, _D), jnp.float32)],
)

_tc_mid = pl.pallas_call(
    _tc_mid_body,
    out_shape=jax.ShapeDtypeStruct((_NP, _D), jnp.float32),
)

_tc_post = pl.pallas_call(
    _tc_post_body,
    out_shape=jax.ShapeDtypeStruct((_N, _D), jnp.float32),
)



def _pad_group_params(lw, lb, bw, bb):
    lw_p = jnp.pad(lw, ((0, 0), (0, _GP - _G)))
    lb_p = jnp.pad(lb, (0, _GP - _G), constant_values=-1e30)
    bw_p = jnp.pad(bw.reshape(_G, _D), ((0, _GP - _G), (0, 0)))
    bb_p = jnp.pad(bb.reshape(_G, _D), ((0, _GP - _G), (0, 0)))
    return lw_p, lb_p, bw_p, bb_p


def kernel(x, adj, W_pre, b_pre, W1, b1, dgn1_lw, dgn1_lb, dgn1_bw, dgn1_bb,
           W2, b2, dgn2_lw, dgn2_lb, dgn2_bw, dgn2_bb, W_jk, b_jk, W_post,
           b_post):
    src, dst = adj[0], adj[1]
    comb = src + dst * 65536

    lw1, lb1, bw1, bb1 = _pad_group_params(dgn1_lw, dgn1_lb, dgn1_bw, dgn1_bb)
    lw2, lb2, bw2, bb2 = _pad_group_params(dgn2_lw, dgn2_lb, dgn2_bw, dgn2_bb)

    sc_deg, sc_scatter = _sc_kernels()
    degp = sc_deg(dst).reshape(_NC, _NB, _D)
    hw1 = _tc_prea(x, W_pre, b_pre, W1)
    hs1, dinv = _tc_preb(hw1, degp)
    acc1 = sc_scatter(hs1, comb).reshape(_NC, _NP, _D)
    hs2 = _tc_mid(acc1, hs1, dinv, b1, lw1, lb1, bw1, bb1, W2)
    acc2 = sc_scatter(hs2, comb).reshape(_NC, _NP, _D)
    out = _tc_post(acc2, hs2, dinv, b2, lw2, lb2, bw2, bb2, W_jk, b_jk,
                   W_post, b_post)
    return out

# --- scband reference (transcript-rebuilt; emitter-appended) ---
"""Pipeline reference for scband-gnn-28784870817921 (READ-ONLY COPY).

The authoritative reference and input builder live on the scoring server;
editing this copy changes nothing except your own understanding.
"""

import jax, jax.numpy as jnp
import numpy as np

N = 10000
E = 320000
D = 128
G = 5
LAM = 0.01
EPS = 1e-5


def _gcn_conv(x, W, b, src, dst):
    h = x @ W
    n = x.shape[0]
    loop = jnp.arange(n, dtype=src.dtype)
    src2 = jnp.concatenate([src, loop])
    dst2 = jnp.concatenate([dst, loop])
    deg = jnp.zeros((n,), x.dtype).at[dst2].add(1.0)
    dinv = jnp.where(deg > 0, jax.lax.rsqrt(deg), 0.0)
    coef = dinv[src2] * dinv[dst2]
    out = jnp.zeros_like(h).at[dst2].add(coef[:, None] * h[src2])
    return out + b


def _dgn(x, lw, lb, bw, bb):
    # DiffGroupNorm(dim, groups=5), lamda=0.01, BatchNorm1d with batch stats (train mode)
    n = x.shape[0]
    s = jax.nn.softmax(x @ lw + lb, axis=-1)
    out = s[:, :, None] * x[:, None, :]
    flat = out.reshape(n, G * D)
    mean = flat.mean(axis=0)
    var = flat.var(axis=0)
    flat = (flat - mean) / jnp.sqrt(var + EPS) * bw + bb
    out = flat.reshape(n, G, D).sum(axis=1)
    return x + LAM * out


def setup_inputs(seed: int = 0):
    key = jax.random.key(seed)
    ks = jax.random.split(key, 20)
    sc = 1.0 / np.sqrt(D)
    return {
        "x": jax.random.normal(ks[0], (N, D), dtype=jnp.float32),
        "adj": jax.random.randint(ks[1], (2, E), 0, N, dtype=jnp.int32),
        "W_pre": jax.random.normal(ks[2], (D, D), jnp.float32) * sc,
        "b_pre": jnp.zeros((D,), jnp.float32),
        "W1": jax.random.normal(ks[3], (D, D), jnp.float32) * sc,
        "b1": jnp.zeros((D,), jnp.float32),
        "dgn1_lw": jax.random.normal(ks[4], (D, G), jnp.float32) * sc,
        "dgn1_lb": jnp.zeros((G,), jnp.float32),
        "dgn1_bw": jnp.ones((G * D,), jnp.float32),
        "dgn1_bb": jnp.zeros((G * D,), jnp.float32),
        "W2": jax.random.normal(ks[5], (D, D), jnp.float32) * sc,
        "b2": jnp.zeros((D,), jnp.float32),
        "dgn2_lw": jax.random.normal(ks[6], (D, G), jnp.float32) * sc,
        "dgn2_lb": jnp.zeros((G,), jnp.float32),
        "dgn2_bw": jnp.ones((G * D,), jnp.float32),
        "dgn2_bb": jnp.zeros((G * D,), jnp.float32),
        "W_jk": jax.random.normal(ks[7], (D, D), jnp.float32) * sc,
        "b_jk": jnp.zeros((D,), jnp.float32),
        "W_post": jax.random.normal(ks[8], (D, D), jnp.float32) * sc,
        "b_post": jnp.zeros((D,), jnp.float32),
    }


def reference(x, adj, W_pre, b_pre, W1, b1, dgn1_lw, dgn1_lb, dgn1_bw, dgn1_bb, W2, b2, dgn2_lw, dgn2_lb, dgn2_bw, dgn2_bb, W_jk, b_jk, W_post, b_post):
    src, dst = adj[0], adj[1]
    # pre_mp: MLP(num_layers=1) == single Linear (plain_last=True)
    h = x @ W_pre + b_pre
    # GCN BasicGNN, num_layers=2, jk='last': conv -> DiffGroupNorm -> ReLU (dropout is identity in eval)
    h = _gcn_conv(h, W1, b1, src, dst)
    h = _dgn(h, dgn1_lw, dgn1_lb, dgn1_bw, dgn1_bb)
    h = jax.nn.relu(h)
    h = _gcn_conv(h, W2, b2, src, dst)
    h = _dgn(h, dgn2_lw, dgn2_lb, dgn2_bw, dgn2_bb)
    h = jax.nn.relu(h)
    # jk='last' with out_channels set -> final Linear(hidden, out)
    h = h @ W_jk + b_jk
    # post_mp: MLP(num_layers=1) == single Linear
    h = h @ W_post + b_post
    return h

if __name__ == "__main__":
    import jax
    _d = setup_inputs()
    print(jax.jit(kernel)(*tuple(_d.values())))

</pallas_src>

<mosaic_0001>
#map = affine_map<(d0, d1) -> (0, 0)>
#map1 = affine_map<(d0, d1) -> (0)>
#map2 = affine_map<(d0, d1) -> (0, 0, 0, 0)>
module attributes {stable_mosaic.version = 14 : i64} {
  func.func @_sc_scatter_body(%arg0: i32, %arg1: i32, %arg2: memref<10240x128xf32, #tpu.memory_space<hbm>>, %arg3: memref<320000xi32, #tpu.memory_space<hbm>>, %arg4: memref<2x16x640x128xf32, #tpu.memory_space<hbm>>, %arg5: memref<10000xi32, #tpu.memory_space<vmem>>, %arg6: memref<2x128xi32, #tpu.memory_space<vmem>>, %arg7: memref<2x128xi32, #tpu.memory_space<vmem>>, %arg8: memref<2x128x128xf32, #tpu.memory_space<vmem>>, %arg9: memref<10240x128xf32, #tpu.memory_space<vmem_shared>>, %arg10: memref<2x!tpu.dma_semaphore, #tpu.memory_space<semaphore_mem>>, %arg11: memref<2x!tpu.dma_semaphore, #tpu.memory_space<semaphore_mem>>) attributes {dimension_semantics = [#tpu.dimension_semantics<core_parallel>, #tpu.dimension_semantics<subcore_parallel>], iteration_bounds = array<i64: 2, 16>, scalar_prefetch = 0 : i64, scratch_operands = 7 : i64, tpu.core_type = #tpu.core_type<sc_vector_subcore>, window_params = [{transform_indices = #map}, {transform_indices = #map1}, {transform_indices = #map2}]} {
    %mul3A = arith.constant 16 : i32
    %mul3A_0 = arith.muli %arg0, %mul3A : i32
    %add3A = arith.addi %mul3A_0, %arg1 : i32
    %scan3A = arith.constant 0 : i32
    %scan3A_1 = arith.constant 0 : i32
    %scan3A_2 = arith.constant 128 : i32
    %scan3A_3 = arith.addi %scan3A_1, %scan3A_2 : i32
    %scan3A_4 = arith.constant 1 : i32
    scf.for %scan3A_158 = %scan3A_1 to %scan3A_3 step %scan3A_4  : i32 {
      %scan3A_159 = arith.constant 0 : i32
      %scan3A_160 = arith.constant 0 : i32
      %scan3A_161 = arith.constant 8 : i32
      %scan3A_162 = arith.addi %scan3A_160, %scan3A_161 : i32
      %scan3A_163 = arith.constant 1 : i32
      scf.for %scan3A_165 = %scan3A_160 to %scan3A_162 step %scan3A_163  : i32 {
        %broadcast_in_dim3A = arith.constant 0.000000e+00 : f32
        %broadcast_in_dim3A_166 = vector.broadcast %broadcast_in_dim3A : f32 to vector<16xf32>
        %mul3A_167 = arith.constant 16 : i32
        %mul3A_168 = arith.muli %scan3A_165, %mul3A_167 : i32
        %swap3A = arith.constant 0 : i32
        %swap3A_169 = arith.index_cast %swap3A : i32 to index
        %swap3A_170 = arith.index_cast %scan3A_158 : i32 to index
        %swap3A_171 = arith.index_cast %mul3A_168 : i32 to index
        %swap3A_172 = tpu.vector_load %arg8[%swap3A_169, %swap3A_170, %swap3A_171] {strides = array<i32>} : memref<2x128x128xf32, #tpu.memory_space<vmem>>, vector<1x1x16xf32>,
        %swap3A_173 = vector.shape_cast %swap3A_172 : vector<1x1x16xf32> to vector<16xf32>
        %swap3A_174 = vector.shape_cast %broadcast_in_dim3A_166 : vector<16xf32> to vector<1x1x16xf32>
        tpu.vector_store %arg8[%swap3A_169, %swap3A_170, %swap3A_171], %swap3A_174 {strides = array<i32>} : memref<2x128x128xf32, #tpu.memory_space<vmem>>, vector<1x1x16xf32>,
      }
      %scan3A_164 = arith.constant 8 : i32
    }
    %scan3A_5 = arith.constant 128 : i32
    %scan3A_6 = arith.constant 0 : i32
    %scan3A_7 = arith.constant 0 : i32
    %scan3A_8 = arith.constant 10 : i32
    %scan3A_9 = arith.addi %scan3A_7, %scan3A_8 : i32
    %scan3A_10 = arith.constant 1 : i32
    scf.for %scan3A_158 = %scan3A_7 to %scan3A_9 step %scan3A_10  : i32 {
      %mul3A_159 = arith.constant 640 : i32
      %mul3A_160 = arith.muli %arg1, %mul3A_159 : i32
      %mul3A_161 = arith.constant 64 : i32
      %mul3A_162 = arith.muli %scan3A_158, %mul3A_161 : i32
      %add3A_163 = arith.addi %mul3A_160, %mul3A_162 : i32
      %run_scoped3A = arith.constant 0 : i32
      "tpu.region"() ({
        %run_scoped3A_164 = tpu.sem_alloc : memref<!tpu.dma_semaphore, #tpu.memory_space<semaphore_mem>>
        %dma_start3A_165 = arith.constant 0 : i32
        %dma_start3A_166 = arith.constant 0 : i32
        %dma_start3A_167 = tpu.memref_slice %arg8[%run_scoped3A, %dma_start3A_165, %dma_start3A_166] : memref<2x128x128xf32, #tpu.memory_space<vmem>> -> memref<1x64x128xf32, #tpu.memory_space<vmem>>
        %dma_start3A_168 = tpu.memref_squeeze %dma_start3A_167 : memref<1x64x128xf32, #tpu.memory_space<vmem>> -> memref<64x128xf32, #tpu.memory_space<vmem>>
        %dma_start3A_169 = arith.constant 0 : i32
        %dma_start3A_170 = tpu.memref_slice %arg9[%add3A_163, %dma_start3A_169] : memref<10240x128xf32, #tpu.memory_space<vmem_shared>> -> memref<64x128xf32, #tpu.memory_space<vmem_shared>>
        %dma_start3A_171 = arith.constant 0 : i32
        %dma_start3A_172 = tpu.memref_slice %arg9[%add3A_163, %dma_start3A_171] : memref<10240x128xf32, #tpu.memory_space<vmem_shared>> -> memref<64x128xf32, #tpu.memory_space<vmem_shared>>
        %dma_start3A_173 = arith.constant 0 : i32
        %dma_start3A_174 = arith.constant 0 : i32
        %dma_start3A_175 = tpu.memref_slice %arg8[%run_scoped3A, %dma_start3A_173, %dma_start3A_174] : memref<2x128x128xf32, #tpu.memory_space<vmem>> -> memref<1x64x128xf32, #tpu.memory_space<vmem>>
        %dma_start3A_176 = tpu.memref_squeeze %dma_start3A_175 : memref<1x64x128xf32, #tpu.memory_space<vmem>> -> memref<64x128xf32, #tpu.memory_space<vmem>>
        tpu.enqueue_dma source(%dma_start3A_176 : memref<64x128xf32, #tpu.memory_space<vmem>>) target(%dma_start3A_172 : memref<64x128xf32, #tpu.memory_space<vmem_shared>>) target_semaphore(%run_scoped3A_164 : memref<!tpu.dma_semaphore, #tpu.memory_space<semaphore_mem>>)
        %dma_wait3A_177 = arith.constant 0 : i32
        %dma_wait3A_178 = arith.constant 0 : i32
        %dma_wait3A_179 = tpu.memref_slice %arg8[%run_scoped3A, %dma_wait3A_177, %dma_wait3A_178] : memref<2x128x128xf32, #tpu.memory_space<vmem>> -> memref<1x64x128xf32, #tpu.memory_space<vmem>>
        %dma_wait3A_180 = tpu.memref_squeeze %dma_wait3A_179 : memref<1x64x128xf32, #tpu.memory_space<vmem>> -> memref<64x128xf32, #tpu.memory_space<vmem>>
        %dma_wait3A_181 = arith.constant 0 : i32
        %dma_wait3A_182 = tpu.memref_slice %arg9[%add3A_163, %dma_wait3A_181] : memref<10240x128xf32, #tpu.memory_space<vmem_shared>> -> memref<64x128xf32, #tpu.memory_space<vmem_shared>>
        %dma_wait3A_183 = arith.constant 0 : i32
        %dma_wait3A_184 = tpu.memref_slice %arg9[%add3A_163, %dma_wait3A_183] : memref<10240x128xf32, #tpu.memory_space<vmem_shared>> -> memref<64x128xf32, #tpu.memory_space<vmem_shared>>
        %dma_wait3A_185 = arith.constant 0 : i32
        %dma_wait3A_186 = arith.constant 0 : i32
        %dma_wait3A_187 = tpu.memref_slice %arg8[%run_scoped3A, %dma_wait3A_185, %dma_wait3A_186] : memref<2x128x128xf32, #tpu.memory_space<vmem>> -> memref<1x64x128xf32, #tpu.memory_space<vmem>>
        %dma_wait3A_188 = tpu.memref_squeeze %dma_wait3A_187 : memref<1x64x128xf32, #tpu.memory_space<vmem>> -> memref<64x128xf32, #tpu.memory_space<vmem>>
        tpu.wait_dma2 semaphore(%run_scoped3A_164 : memref<!tpu.dma_semaphore, #tpu.memory_space<semaphore_mem>>) src(%dma_wait3A_188 : memref<64x128xf32, #tpu.memory_space<vmem>>) dst(%dma_wait3A_184 : memref<64x128xf32, #tpu.memory_space<vmem_shared>>)
        tpu.yield
      }) : () -> ()
    }
    %scan3A_11 = arith.constant 10 : i32
    %mul3A_12 = arith.constant 10000 : i32
    %mul3A_13 = arith.muli %add3A, %mul3A_12 : i32
    "tpu.region"() ({
      %run_scoped3A = tpu.sem_alloc : memref<!tpu.dma_semaphore, #tpu.memory_space<semaphore_mem>>
      %dma_start3A_158 = tpu.memref_slice %arg3[%mul3A_13] : memref<320000xi32, #tpu.memory_space<hbm>> -> memref<10000xi32, #tpu.memory_space<hbm>>
      %dma_start3A_159 = tpu.memref_slice %arg3[%mul3A_13] : memref<320000xi32, #tpu.memory_space<hbm>> -> memref<10000xi32, #tpu.memory_space<hbm>>
      tpu.enqueue_dma source(%dma_start3A_159 : memref<10000xi32, #tpu.memory_space<hbm>>) target(%arg5 : memref<10000xi32, #tpu.memory_space<vmem>>) target_semaphore(%run_scoped3A : memref<!tpu.dma_semaphore, #tpu.memory_space<semaphore_mem>>)
      %dma_wait3A_160 = tpu.memref_slice %arg3[%mul3A_13] : memref<320000xi32, #tpu.memory_space<hbm>> -> memref<10000xi32, #tpu.memory_space<hbm>>
      %dma_wait3A_161 = tpu.memref_slice %arg3[%mul3A_13] : memref<320000xi32, #tpu.memory_space<hbm>> -> memref<10000xi32, #tpu.memory_space<hbm>>
      tpu.wait_dma2 semaphore(%run_scoped3A : memref<!tpu.dma_semaphore, #tpu.memory_space<semaphore_mem>>) src(%dma_wait3A_161 : memref<10000xi32, #tpu.memory_space<hbm>>) dst(%arg5 : memref<10000xi32, #tpu.memory_space<vmem>>)
      tpu.yield
    }) : () -> ()
    %barrier3A = arith.constant 0 : index
    tpu.barrier barrier_id(%barrier3A)
    %rem3A = arith.constant 0 : i32
    %rem3A_14 = arith.constant 2 : i32
    %rem3A_15 = arith.remsi %rem3A, %rem3A_14 : i32
    %scan3A_16 = arith.constant 0 : i32
    %scan3A_17 = arith.constant 0 : i32
    %scan3A_18 = arith.constant 8 : i32
    %scan3A_19 = arith.addi %scan3A_17, %scan3A_18 : i32
    %scan3A_20 = arith.constant 1 : i32
    scf.for %scan3A_158 = %scan3A_17 to %scan3A_19 step %scan3A_20  : i32 {
      %mul3A_159 = arith.constant 16 : i32
      %mul3A_160 = arith.muli %scan3A_158, %mul3A_159 : i32
      %add3A_161 = arith.constant 0 : i32
      %add3A_162 = arith.addi %add3A_161, %mul3A_160 : i32
      %lt3A = arith.constant 10000 : i32
      %lt3A_163 = arith.cmpi slt, %add3A_162, %lt3A : i32
      %convert_element_type3A = arith.extui %lt3A_163 : i1 to i32
      %cond3A = arith.constant 0 : i32
      %cond3A_164 = arith.cmpi ne, %convert_element_type3A, %cond3A : i32
      scf.if %cond3A_164 {
        %get3A = arith.index_cast %add3A_162 : i32 to index
        %get3A_169 = tpu.vector_load %arg5[%get3A] {strides = array<i32>} : memref<10000xi32, #tpu.memory_space<vmem>>, vector<16xi32>,
        %get3A_170 = vector.shape_cast %get3A_169 : vector<16xi32> to vector<16xi32>
        %broadcast_in_dim3A = arith.constant 65535 : i32
        %broadcast_in_dim3A_171 = vector.broadcast %broadcast_in_dim3A : i32 to vector<16xi32>
        %and3A = arith.andi %get3A_170, %broadcast_in_dim3A_171 : vector<16xi32>
        %mul3A_172 = arith.constant 16 : i32
        %mul3A_173 = arith.muli %scan3A_158, %mul3A_172 : i32
        %swap3A = arith.index_cast %rem3A_15 : i32 to index
        %swap3A_174 = arith.index_cast %mul3A_173 : i32 to index
        %swap3A_175 = tpu.vector_load %arg6[%swap3A, %swap3A_174] {strides = array<i32>} : memref<2x128xi32, #tpu.memory_space<vmem>>, vector<1x16xi32>,
        %swap3A_176 = vector.shape_cast %swap3A_175 : vector<1x16xi32> to vector<16xi32>
        %swap3A_177 = vector.shape_cast %and3A : vector<16xi32> to vector<1x16xi32>
        tpu.vector_store %arg6[%swap3A, %swap3A_174], %swap3A_177 {strides = array<i32>} : memref<2x128xi32, #tpu.memory_space<vmem>>, vector<1x16xi32>,
        %shift_right_logical3A = arith.constant 16 : i32
        %shift_right_logical3A_178 = vector.broadcast %shift_right_logical3A : i32 to vector<16xi32>
        %shift_right_logical3A_179 = arith.shrui %get3A_170, %shift_right_logical3A_178 : vector<16xi32>
        %mul3A_180 = arith.constant 16 : i32
        %mul3A_181 = arith.muli %scan3A_158, %mul3A_180 : i32
        %swap3A_182 = arith.index_cast %rem3A_15 : i32 to index
        %swap3A_183 = arith.index_cast %mul3A_181 : i32 to index
        %swap3A_184 = tpu.vector_load %arg7[%swap3A_182, %swap3A_183] {strides = array<i32>} : memref<2x128xi32, #tpu.memory_space<vmem>>, vector<1x16xi32>,
        %swap3A_185 = vector.shape_cast %swap3A_184 : vector<1x16xi32> to vector<16xi32>
        %swap3A_186 = vector.shape_cast %shift_right_logical3A_179 : vector<16xi32> to vector<1x16xi32>
        tpu.vector_store %arg7[%swap3A_182, %swap3A_183], %swap3A_186 {strides = array<i32>} : memref<2x128xi32, #tpu.memory_space<vmem>>, vector<1x16xi32>,
      } else {
      }
      %ge3A = arith.constant 10000 : i32
      %ge3A_165 = arith.cmpi sge, %add3A_162, %ge3A : i32
      %convert_element_type3A_166 = arith.extui %ge3A_165 : i1 to i32
      %cond3A_167 = arith.constant 0 : i32
      %cond3A_168 = arith.cmpi ne, %convert_element_type3A_166, %cond3A_167 : i32
      scf.if %cond3A_168 {
        %mul3A_169 = arith.constant 16 : i32
        %mul3A_170 = arith.muli %scan3A_158, %mul3A_169 : i32
        %iota3A = tpu.iota {dimensions = array<i32: 0>} : vector<16xi32>
        %add3A_171 = vector.broadcast %mul3A_170 : i32 to vector<16xi32>
        %add3A_172 = arith.addi %add3A_171, %iota3A : vector<16xi32>
        %mul3A_173 = arith.constant 16 : i32
        %mul3A_174 = arith.muli %scan3A_158, %mul3A_173 : i32
        %swap3A = arith.index_cast %rem3A_15 : i32 to index
        %swap3A_175 = arith.index_cast %mul3A_174 : i32 to index
        %swap3A_176 = tpu.vector_load %arg6[%swap3A, %swap3A_175] {strides = array<i32>} : memref<2x128xi32, #tpu.memory_space<vmem>>, vector<1x16xi32>,
        %swap3A_177 = vector.shape_cast %swap3A_176 : vector<1x16xi32> to vector<16xi32>
        %swap3A_178 = vector.shape_cast %add3A_172 : vector<16xi32> to vector<1x16xi32>
        tpu.vector_store %arg6[%swap3A, %swap3A_175], %swap3A_178 {strides = array<i32>} : memref<2x128xi32, #tpu.memory_space<vmem>>, vector<1x16xi32>,
        %add3A_179 = arith.constant 10000 : i32
        %add3A_180 = vector.broadcast %add3A_179 : i32 to vector<16xi32>
        %add3A_181 = arith.addi %add3A_180, %add3A_172 : vector<16xi32>
        %mul3A_182 = arith.constant 16 : i32
        %mul3A_183 = arith.muli %scan3A_158, %mul3A_182 : i32
        %swap3A_184 = arith.index_cast %rem3A_15 : i32 to index
        %swap3A_185 = arith.index_cast %mul3A_183 : i32 to index
        %swap3A_186 = tpu.vector_load %arg7[%swap3A_184, %swap3A_185] {strides = array<i32>} : memref<2x128xi32, #tpu.memory_space<vmem>>, vector<1x16xi32>,
        %swap3A_187 = vector.shape_cast %swap3A_186 : vector<1x16xi32> to vector<16xi32>
        %swap3A_188 = vector.shape_cast %add3A_181 : vector<16xi32> to vector<1x16xi32>
        tpu.vector_store %arg7[%swap3A_184, %swap3A_185], %swap3A_188 {strides = array<i32>} : memref<2x128xi32, #tpu.memory_space<vmem>>, vector<1x16xi32>,
      } else {
      }
    }
    %scan3A_21 = arith.constant 8 : i32
    %rem3A_22 = arith.constant 0 : i32
    %rem3A_23 = arith.constant 2 : i32
    %rem3A_24 = arith.remsi %rem3A_22, %rem3A_23 : i32
    %dma_start3A = arith.constant 0 : i32
    %dma_start3A_25 = arith.constant 0 : i32
    %dma_start3A_26 = tpu.memref_slice %arg8[%rem3A_24, %dma_start3A, %dma_start3A_25] : memref<2x128x128xf32, #tpu.memory_space<vmem>> -> memref<1x128x128xf32, #tpu.memory_space<vmem>>
    %dma_start3A_27 = tpu.memref_squeeze %dma_start3A_26 : memref<1x128x128xf32, #tpu.memory_space<vmem>> -> memref<128x128xf32, #tpu.memory_space<vmem>>
    %dma_start3A_28 = arith.constant 0 : i32
    %dma_start3A_29 = tpu.memref_slice %arg6[%rem3A_24, %dma_start3A_28] : memref<2x128xi32, #tpu.memory_space<vmem>> -> memref<1x128xi32, #tpu.memory_space<vmem>>
    %dma_start3A_30 = tpu.memref_squeeze %dma_start3A_29 : memref<1x128xi32, #tpu.memory_space<vmem>> -> memref<128xi32, #tpu.memory_space<vmem>>
    %dma_start3A_31 = arith.constant 0 : i32
    %dma_start3A_32 = arith.constant 0 : i32
    %dma_start3A_33 = tpu.memref_slice %arg2[%dma_start3A_31, %dma_start3A_32] : memref<10240x128xf32, #tpu.memory_space<hbm>> -> memref<10240x128xf32, #tpu.memory_space<hbm>>
    %dma_start3A_34 = tpu.memref_slice %arg10[%rem3A_24] : memref<2x!tpu.dma_semaphore, #tpu.memory_space<semaphore_mem>> -> memref<1x!tpu.dma_semaphore, #tpu.memory_space<semaphore_mem>>
    %dma_start3A_35 = tpu.memref_squeeze %dma_start3A_34 : memref<1x!tpu.dma_semaphore, #tpu.memory_space<semaphore_mem>> -> memref<!tpu.dma_semaphore, #tpu.memory_space<semaphore_mem>>
    tpu.enqueue_indirect_dma source(%dma_start3A_33 : memref<10240x128xf32, #tpu.memory_space<hbm>>) target(%dma_start3A_27 : memref<128x128xf32, #tpu.memory_space<vmem>>) offsets(%dma_start3A_30 : memref<128xi32, #tpu.memory_space<vmem>>) semaphore(%dma_start3A_35 : memref<!tpu.dma_semaphore, #tpu.memory_space<semaphore_mem>>)
    %rem3A_36 = arith.constant 1 : i32
    %rem3A_37 = arith.constant 2 : i32
    %rem3A_38 = arith.remsi %rem3A_36, %rem3A_37 : i32
    %scan3A_39 = arith.constant 0 : i32
    %scan3A_40 = arith.constant 0 : i32
    %scan3A_41 = arith.constant 8 : i32
    %scan3A_42 = arith.addi %scan3A_40, %scan3A_41 : i32
    %scan3A_43 = arith.constant 1 : i32
    scf.for %scan3A_158 = %scan3A_40 to %scan3A_42 step %scan3A_43  : i32 {
      %mul3A_159 = arith.constant 16 : i32
      %mul3A_160 = arith.muli %scan3A_158, %mul3A_159 : i32
      %add3A_161 = arith.constant 128 : i32
      %add3A_162 = arith.addi %add3A_161, %mul3A_160 : i32
      %lt3A = arith.constant 10000 : i32
      %lt3A_163 = arith.cmpi slt, %add3A_162, %lt3A : i32
      %convert_element_type3A = arith.extui %lt3A_163 : i1 to i32
      %cond3A = arith.constant 0 : i32
      %cond3A_164 = arith.cmpi ne, %convert_element_type3A, %cond3A : i32
      scf.if %cond3A_164 {
        %get3A = arith.index_cast %add3A_162 : i32 to index
        %get3A_169 = tpu.vector_load %arg5[%get3A] {strides = array<i32>} : memref<10000xi32, #tpu.memory_space<vmem>>, vector<16xi32>,
        %get3A_170 = vector.shape_cast %get3A_169 : vector<16xi32> to vector<16xi32>
        %broadcast_in_dim3A = arith.constant 65535 : i32
        %broadcast_in_dim3A_171 = vector.broadcast %broadcast_in_dim3A : i32 to vector<16xi32>
        %and3A = arith.andi %get3A_170, %broadcast_in_dim3A_171 : vector<16xi32>
        %mul3A_172 = arith.constant 16 : i32
        %mul3A_173 = arith.muli %scan3A_158, %mul3A_172 : i32
        %swap3A = arith.index_cast %rem3A_38 : i32 to index
        %swap3A_174 = arith.index_cast %mul3A_173 : i32 to index
        %swap3A_175 = tpu.vector_load %arg6[%swap3A, %swap3A_174] {strides = array<i32>} : memref<2x128xi32, #tpu.memory_space<vmem>>, vector<1x16xi32>,
        %swap3A_176 = vector.shape_cast %swap3A_175 : vector<1x16xi32> to vector<16xi32>
        %swap3A_177 = vector.shape_cast %and3A : vector<16xi32> to vector<1x16xi32>
        tpu.vector_store %arg6[%swap3A, %swap3A_174], %swap3A_177 {strides = array<i32>} : memref<2x128xi32, #tpu.memory_space<vmem>>, vector<1x16xi32>,
        %shift_right_logical3A = arith.constant 16 : i32
        %shift_right_logical3A_178 = vector.broadcast %shift_right_logical3A : i32 to vector<16xi32>
        %shift_right_logical3A_179 = arith.shrui %get3A_170, %shift_right_logical3A_178 : vector<16xi32>
        %mul3A_180 = arith.constant 16 : i32
        %mul3A_181 = arith.muli %scan3A_158, %mul3A_180 : i32
        %swap3A_182 = arith.index_cast %rem3A_38 : i32 to index
        %swap3A_183 = arith.index_cast %mul3A_181 : i32 to index
        %swap3A_184 = tpu.vector_load %arg7[%swap3A_182, %swap3A_183] {strides = array<i32>} : memref<2x128xi32, #tpu.memory_space<vmem>>, vector<1x16xi32>,
        %swap3A_185 = vector.shape_cast %swap3A_184 : vector<1x16xi32> to vector<16xi32>
        %swap3A_186 = vector.shape_cast %shift_right_logical3A_179 : vector<16xi32> to vector<1x16xi32>
        tpu.vector_store %arg7[%swap3A_182, %swap3A_183], %swap3A_186 {strides = array<i32>} : memref<2x128xi32, #tpu.memory_space<vmem>>, vector<1x16xi32>,
      } else {
      }
      %ge3A = arith.constant 10000 : i32
      %ge3A_165 = arith.cmpi sge, %add3A_162, %ge3A : i32
      %convert_element_type3A_166 = arith.extui %ge3A_165 : i1 to i32
      %cond3A_167 = arith.constant 0 : i32
      %cond3A_168 = arith.cmpi ne, %convert_element_type3A_166, %cond3A_167 : i32
      scf.if %cond3A_168 {
        %mul3A_169 = arith.constant 16 : i32
        %mul3A_170 = arith.muli %scan3A_158, %mul3A_169 : i32
        %iota3A = tpu.iota {dimensions = array<i32: 0>} : vector<16xi32>
        %add3A_171 = vector.broadcast %mul3A_170 : i32 to vector<16xi32>
        %add3A_172 = arith.addi %add3A_171, %iota3A : vector<16xi32>
        %mul3A_173 = arith.constant 16 : i32
        %mul3A_174 = arith.muli %scan3A_158, %mul3A_173 : i32
        %swap3A = arith.index_cast %rem3A_38 : i32 to index
        %swap3A_175 = arith.index_cast %mul3A_174 : i32 to index
        %swap3A_176 = tpu.vector_load %arg6[%swap3A, %swap3A_175] {strides = array<i32>} : memref<2x128xi32, #tpu.memory_space<vmem>>, vector<1x16xi32>,
        %swap3A_177 = vector.shape_cast %swap3A_176 : vector<1x16xi32> to vector<16xi32>
        %swap3A_178 = vector.shape_cast %add3A_172 : vector<16xi32> to vector<1x16xi32>
        tpu.vector_store %arg6[%swap3A, %swap3A_175], %swap3A_178 {strides = array<i32>} : memref<2x128xi32, #tpu.memory_space<vmem>>, vector<1x16xi32>,
        %add3A_179 = arith.constant 10000 : i32
        %add3A_180 = vector.broadcast %add3A_179 : i32 to vector<16xi32>
        %add3A_181 = arith.addi %add3A_180, %add3A_172 : vector<16xi32>
        %mul3A_182 = arith.constant 16 : i32
        %mul3A_183 = arith.muli %scan3A_158, %mul3A_182 : i32
        %swap3A_184 = arith.index_cast %rem3A_38 : i32 to index
        %swap3A_185 = arith.index_cast %mul3A_183 : i32 to index
        %swap3A_186 = tpu.vector_load %arg7[%swap3A_184, %swap3A_185] {strides = array<i32>} : memref<2x128xi32, #tpu.memory_space<vmem>>, vector<1x16xi32>,
        %swap3A_187 = vector.shape_cast %swap3A_186 : vector<1x16xi32> to vector<16xi32>
        %swap3A_188 = vector.shape_cast %add3A_181 : vector<16xi32> to vector<1x16xi32>
        tpu.vector_store %arg7[%swap3A_184, %swap3A_185], %swap3A_188 {strides = array<i32>} : memref<2x128xi32, #tpu.memory_space<vmem>>, vector<1x16xi32>,
      } else {
      }
    }
    %scan3A_44 = arith.constant 8 : i32
    %rem3A_45 = arith.constant 1 : i32
    %rem3A_46 = arith.constant 2 : i32
    %rem3A_47 = arith.remsi %rem3A_45, %rem3A_46 : i32
    %dma_start3A_48 = arith.constant 0 : i32
    %dma_start3A_49 = arith.constant 0 : i32
    %dma_start3A_50 = tpu.memref_slice %arg8[%rem3A_47, %dma_start3A_48, %dma_start3A_49] : memref<2x128x128xf32, #tpu.memory_space<vmem>> -> memref<1x128x128xf32, #tpu.memory_space<vmem>>
    %dma_start3A_51 = tpu.memref_squeeze %dma_start3A_50 : memref<1x128x128xf32, #tpu.memory_space<vmem>> -> memref<128x128xf32, #tpu.memory_space<vmem>>
    %dma_start3A_52 = arith.constant 0 : i32
    %dma_start3A_53 = tpu.memref_slice %arg6[%rem3A_47, %dma_start3A_52] : memref<2x128xi32, #tpu.memory_space<vmem>> -> memref<1x128xi32, #tpu.memory_space<vmem>>
    %dma_start3A_54 = tpu.memref_squeeze %dma_start3A_53 : memref<1x128xi32, #tpu.memory_space<vmem>> -> memref<128xi32, #tpu.memory_space<vmem>>
    %dma_start3A_55 = arith.constant 0 : i32
    %dma_start3A_56 = arith.constant 0 : i32
    %dma_start3A_57 = tpu.memref_slice %arg2[%dma_start3A_55, %dma_start3A_56] : memref<10240x128xf32, #tpu.memory_space<hbm>> -> memref<10240x128xf32, #tpu.memory_space<hbm>>
    %dma_start3A_58 = tpu.memref_slice %arg10[%rem3A_47] : memref<2x!tpu.dma_semaphore, #tpu.memory_space<semaphore_mem>> -> memref<1x!tpu.dma_semaphore, #tpu.memory_space<semaphore_mem>>
    %dma_start3A_59 = tpu.memref_squeeze %dma_start3A_58 : memref<1x!tpu.dma_semaphore, #tpu.memory_space<semaphore_mem>> -> memref<!tpu.dma_semaphore, #tpu.memory_space<semaphore_mem>>
    tpu.enqueue_indirect_dma source(%dma_start3A_57 : memref<10240x128xf32, #tpu.memory_space<hbm>>) target(%dma_start3A_51 : memref<128x128xf32, #tpu.memory_space<vmem>>) offsets(%dma_start3A_54 : memref<128xi32, #tpu.memory_space<vmem>>) semaphore(%dma_start3A_59 : memref<!tpu.dma_semaphore, #tpu.memory_space<semaphore_mem>>)
    %rem3A_60 = arith.constant 0 : i32
    %rem3A_61 = arith.constant 2 : i32
    %rem3A_62 = arith.remsi %rem3A_60, %rem3A_61 : i32
    %dma_wait3A = arith.constant 0 : i32
    %dma_wait3A_63 = arith.constant 0 : i32
    %dma_wait3A_64 = tpu.memref_slice %arg8[%rem3A_62, %dma_wait3A, %dma_wait3A_63] : memref<2x128x128xf32, #tpu.memory_space<vmem>> -> memref<1x128x128xf32, #tpu.memory_space<vmem>>
    %dma_wait3A_65 = tpu.memref_squeeze %dma_wait3A_64 : memref<1x128x128xf32, #tpu.memory_space<vmem>> -> memref<128x128xf32, #tpu.memory_space<vmem>>
    %dma_wait3A_66 = arith.constant 0 : i32
    %dma_wait3A_67 = tpu.memref_slice %arg6[%rem3A_62, %dma_wait3A_66] : memref<2x128xi32, #tpu.memory_space<vmem>> -> memref<1x128xi32, #tpu.memory_space<vmem>>
    %dma_wait3A_68 = tpu.memref_squeeze %dma_wait3A_67 : memref<1x128xi32, #tpu.memory_space<vmem>> -> memref<128xi32, #tpu.memory_space<vmem>>
    %dma_wait3A_69 = arith.constant 0 : i32
    %dma_wait3A_70 = arith.constant 0 : i32
    %dma_wait3A_71 = tpu.memref_slice %arg2[%dma_wait3A_69, %dma_wait3A_70] : memref<10240x128xf32, #tpu.memory_space<hbm>> -> memref<10240x128xf32, #tpu.memory_space<hbm>>
    %dma_wait3A_72 = tpu.memref_slice %arg10[%rem3A_62] : memref<2x!tpu.dma_semaphore, #tpu.memory_space<semaphore_mem>> -> memref<1x!tpu.dma_semaphore, #tpu.memory_space<semaphore_mem>>
    %dma_wait3A_73 = tpu.memref_squeeze %dma_wait3A_72 : memref<1x!tpu.dma_semaphore, #tpu.memory_space<semaphore_mem>> -> memref<!tpu.dma_semaphore, #tpu.memory_space<semaphore_mem>>
    tpu.wait_indirect_dma semaphore(%dma_wait3A_73 : memref<!tpu.dma_semaphore, #tpu.memory_space<semaphore_mem>>) src(%dma_wait3A_71 : memref<10240x128xf32, #tpu.memory_space<hbm>>) dst(%dma_wait3A_65 : memref<128x128xf32, #tpu.memory_space<vmem>>)
    %rem3A_74 = arith.constant 0 : i32
    %rem3A_75 = arith.constant 2 : i32
    %rem3A_76 = arith.remsi %rem3A_74, %rem3A_75 : i32
    %dma_start3A_77 = arith.constant 0 : i32
    %dma_start3A_78 = arith.constant 0 : i32
    %dma_start3A_79 = tpu.memref_slice %arg8[%rem3A_76, %dma_start3A_77, %dma_start3A_78] : memref<2x128x128xf32, #tpu.memory_space<vmem>> -> memref<1x128x128xf32, #tpu.memory_space<vmem>>
    %dma_start3A_80 = tpu.memref_squeeze %dma_start3A_79 : memref<1x128x128xf32, #tpu.memory_space<vmem>> -> memref<128x128xf32, #tpu.memory_space<vmem>>
    %dma_start3A_81 = arith.constant 0 : i32
    %dma_start3A_82 = tpu.memref_slice %arg7[%rem3A_76, %dma_start3A_81] : memref<2x128xi32, #tpu.memory_space<vmem>> -> memref<1x128xi32, #tpu.memory_space<vmem>>
    %dma_start3A_83 = tpu.memref_squeeze %dma_start3A_82 : memref<1x128xi32, #tpu.memory_space<vmem>> -> memref<128xi32, #tpu.memory_space<vmem>>
    %dma_start3A_84 = arith.constant 0 : i32
    %dma_start3A_85 = arith.constant 0 : i32
    %dma_start3A_86 = tpu.memref_slice %arg9[%dma_start3A_84, %dma_start3A_85] : memref<10240x128xf32, #tpu.memory_space<vmem_shared>> -> memref<10240x128xf32, #tpu.memory_space<vmem_shared>>
    %dma_start3A_87 = tpu.memref_slice %arg11[%rem3A_76] : memref<2x!tpu.dma_semaphore, #tpu.memory_space<semaphore_mem>> -> memref<1x!tpu.dma_semaphore, #tpu.memory_space<semaphore_mem>>
    %dma_start3A_88 = tpu.memref_squeeze %dma_start3A_87 : memref<1x!tpu.dma_semaphore, #tpu.memory_space<semaphore_mem>> -> memref<!tpu.dma_semaphore, #tpu.memory_space<semaphore_mem>>
    tpu.enqueue_indirect_dma source(%dma_start3A_80 : memref<128x128xf32, #tpu.memory_space<vmem>>) target(%dma_start3A_86 : memref<10240x128xf32, #tpu.memory_space<vmem_shared>>) offsets(%dma_start3A_83 : memref<128xi32, #tpu.memory_space<vmem>>) semaphore(%dma_start3A_88 : memref<!tpu.dma_semaphore, #tpu.memory_space<semaphore_mem>>) {add = true}
    %scan3A_89 = arith.constant 0 : i32
    %scan3A_90 = arith.constant 1 : i32
    %scan3A_91 = arith.constant 77 : i32
    %scan3A_92 = arith.addi %scan3A_90, %scan3A_91 : i32
    %scan3A_93 = arith.constant 1 : i32
    scf.for %scan3A_158 = %scan3A_90 to %scan3A_92 step %scan3A_93  : i32 {
      %sub3A = arith.constant 1 : i32
      %sub3A_159 = arith.subi %scan3A_158, %sub3A : i32
      %rem3A_160 = arith.constant 2 : i32
      %rem3A_161 = arith.remsi %sub3A_159, %rem3A_160 : i32
      %dma_wait3A_162 = arith.constant 0 : i32
      %dma_wait3A_163 = arith.constant 0 : i32
      %dma_wait3A_164 = tpu.memref_slice %arg8[%rem3A_161, %dma_wait3A_162, %dma_wait3A_163] : memref<2x128x128xf32, #tpu.memory_space<vmem>> -> memref<1x128x128xf32, #tpu.memory_space<vmem>>
      %dma_wait3A_165 = tpu.memref_squeeze %dma_wait3A_164 : memref<1x128x128xf32, #tpu.memory_space<vmem>> -> memref<128x128xf32, #tpu.memory_space<vmem>>
      %dma_wait3A_166 = arith.constant 0 : i32
      %dma_wait3A_167 = tpu.memref_slice %arg7[%rem3A_161, %dma_wait3A_166] : memref<2x128xi32, #tpu.memory_space<vmem>> -> memref<1x128xi32, #tpu.memory_space<vmem>>
      %dma_wait3A_168 = tpu.memref_squeeze %dma_wait3A_167 : memref<1x128xi32, #tpu.memory_space<vmem>> -> memref<128xi32, #tpu.memory_space<vmem>>
      %dma_wait3A_169 = arith.constant 0 : i32
      %dma_wait3A_170 = arith.constant 0 : i32
      %dma_wait3A_171 = tpu.memref_slice %arg9[%dma_wait3A_169, %dma_wait3A_170] : memref<10240x128xf32, #tpu.memory_space<vmem_shared>> -> memref<10240x128xf32, #tpu.memory_space<vmem_shared>>
      %dma_wait3A_172 = tpu.memref_slice %arg11[%rem3A_161] : memref<2x!tpu.dma_semaphore, #tpu.memory_space<semaphore_mem>> -> memref<1x!tpu.dma_semaphore, #tpu.memory_space<semaphore_mem>>
      %dma_wait3A_173 = tpu.memref_squeeze %dma_wait3A_172 : memref<1x!tpu.dma_semaphore, #tpu.memory_space<semaphore_mem>> -> memref<!tpu.dma_semaphore, #tpu.memory_space<semaphore_mem>>
      tpu.wait_indirect_dma semaphore(%dma_wait3A_173 : memref<!tpu.dma_semaphore, #tpu.memory_space<semaphore_mem>>) src(%dma_wait3A_165 : memref<128x128xf32, #tpu.memory_space<vmem>>) dst(%dma_wait3A_171 : memref<10240x128xf32, #tpu.memory_space<vmem_shared>>)
      %add3A_174 = arith.constant 1 : i32
      %add3A_175 = arith.addi %scan3A_158, %add3A_174 : i32
      %rem3A_176 = arith.constant 2 : i32
      %rem3A_177 = arith.remsi %add3A_175, %rem3A_176 : i32
      %scan3A_178 = arith.constant 0 : i32
      %scan3A_179 = arith.constant 0 : i32
      %scan3A_180 = arith.constant 8 : i32
      %scan3A_181 = arith.addi %scan3A_179, %scan3A_180 : i32
      %scan3A_182 = arith.constant 1 : i32
      scf.for %scan3A_228 = %scan3A_179 to %scan3A_181 step %scan3A_182  : i32 {
        %mul3A_229 = arith.constant 128 : i32
        %mul3A_230 = arith.muli %add3A_175, %mul3A_229 : i32
        %mul3A_231 = arith.constant 16 : i32
        %mul3A_232 = arith.muli %scan3A_228, %mul3A_231 : i32
        %add3A_233 = arith.addi %mul3A_230, %mul3A_232 : i32
        %lt3A = arith.constant 10000 : i32
        %lt3A_234 = arith.cmpi slt, %add3A_233, %lt3A : i32
        %convert_element_type3A = arith.extui %lt3A_234 : i1 to i32
        %cond3A = arith.constant 0 : i32
        %cond3A_235 = arith.cmpi ne, %convert_element_type3A, %cond3A : i32
        scf.if %cond3A_235 {
          %get3A = arith.index_cast %add3A_233 : i32 to index
          %get3A_240 = tpu.vector_load %arg5[%get3A] {strides = array<i32>} : memref<10000xi32, #tpu.memory_space<vmem>>, vector<16xi32>,
          %get3A_241 = vector.shape_cast %get3A_240 : vector<16xi32> to vector<16xi32>
          %broadcast_in_dim3A = arith.constant 65535 : i32
          %broadcast_in_dim3A_242 = vector.broadcast %broadcast_in_dim3A : i32 to vector<16xi32>
          %and3A = arith.andi %get3A_241, %broadcast_in_dim3A_242 : vector<16xi32>
          %mul3A_243 = arith.constant 16 : i32
          %mul3A_244 = arith.muli %scan3A_228, %mul3A_243 : i32
          %swap3A = arith.index_cast %rem3A_177 : i32 to index
          %swap3A_245 = arith.index_cast %mul3A_244 : i32 to index
          %swap3A_246 = tpu.vector_load %arg6[%swap3A, %swap3A_245] {strides = array<i32>} : memref<2x128xi32, #tpu.memory_space<vmem>>, vector<1x16xi32>,
          %swap3A_247 = vector.shape_cast %swap3A_246 : vector<1x16xi32> to vector<16xi32>
          %swap3A_248 = vector.shape_cast %and3A : vector<16xi32> to vector<1x16xi32>
          tpu.vector_store %arg6[%swap3A, %swap3A_245], %swap3A_248 {strides = array<i32>} : memref<2x128xi32, #tpu.memory_space<vmem>>, vector<1x16xi32>,
          %shift_right_logical3A = arith.constant 16 : i32
          %shift_right_logical3A_249 = vector.broadcast %shift_right_logical3A : i32 to vector<16xi32>
          %shift_right_logical3A_250 = arith.shrui %get3A_241, %shift_right_logical3A_249 : vector<16xi32>
          %mul3A_251 = arith.constant 16 : i32
          %mul3A_252 = arith.muli %scan3A_228, %mul3A_251 : i32
          %swap3A_253 = arith.index_cast %rem3A_177 : i32 to index
          %swap3A_254 = arith.index_cast %mul3A_252 : i32 to index
          %swap3A_255 = tpu.vector_load %arg7[%swap3A_253, %swap3A_254] {strides = array<i32>} : memref<2x128xi32, #tpu.memory_space<vmem>>, vector<1x16xi32>,
          %swap3A_256 = vector.shape_cast %swap3A_255 : vector<1x16xi32> to vector<16xi32>
          %swap3A_257 = vector.shape_cast %shift_right_logical3A_250 : vector<16xi32> to vector<1x16xi32>
          tpu.vector_store %arg7[%swap3A_253, %swap3A_254], %swap3A_257 {strides = array<i32>} : memref<2x128xi32, #tpu.memory_space<vmem>>, vector<1x16xi32>,
        } else {
        }
        %ge3A = arith.constant 10000 : i32
        %ge3A_236 = arith.cmpi sge, %add3A_233, %ge3A : i32
        %convert_element_type3A_237 = arith.extui %ge3A_236 : i1 to i32
        %cond3A_238 = arith.constant 0 : i32
        %cond3A_239 = arith.cmpi ne, %convert_element_type3A_237, %cond3A_238 : i32
        scf.if %cond3A_239 {
          %mul3A_240 = arith.constant 16 : i32
          %mul3A_241 = arith.muli %scan3A_228, %mul3A_240 : i32
          %iota3A = tpu.iota {dimensions = array<i32: 0>} : vector<16xi32>
          %add3A_242 = vector.broadcast %mul3A_241 : i32 to vector<16xi32>
          %add3A_243 = arith.addi %add3A_242, %iota3A : vector<16xi32>
          %mul3A_244 = arith.constant 16 : i32
          %mul3A_245 = arith.muli %scan3A_228, %mul3A_244 : i32
          %swap3A = arith.index_cast %rem3A_177 : i32 to index
          %swap3A_246 = arith.index_cast %mul3A_245 : i32 to index
          %swap3A_247 = tpu.vector_load %arg6[%swap3A, %swap3A_246] {strides = array<i32>} : memref<2x128xi32, #tpu.memory_space<vmem>>, vector<1x16xi32>,
          %swap3A_248 = vector.shape_cast %swap3A_247 : vector<1x16xi32> to vector<16xi32>
          %swap3A_249 = vector.shape_cast %add3A_243 : vector<16xi32> to vector<1x16xi32>
          tpu.vector_store %arg6[%swap3A, %swap3A_246], %swap3A_249 {strides = array<i32>} : memref<2x128xi32, #tpu.memory_space<vmem>>, vector<1x16xi32>,
          %add3A_250 = arith.constant 10000 : i32
          %add3A_251 = vector.broadcast %add3A_250 : i32 to vector<16xi32>
          %add3A_252 = arith.addi %add3A_251, %add3A_243 : vector<16xi32>
          %mul3A_253 = arith.constant 16 : i32
          %mul3A_254 = arith.muli %scan3A_228, %mul3A_253 : i32
          %swap3A_255 = arith.index_cast %rem3A_177 : i32 to index
          %swap3A_256 = arith.index_cast %mul3A_254 : i32 to index
          %swap3A_257 = tpu.vector_load %arg7[%swap3A_255, %swap3A_256] {strides = array<i32>} : memref<2x128xi32, #tpu.memory_space<vmem>>, vector<1x16xi32>,
          %swap3A_258 = vector.shape_cast %swap3A_257 : vector<1x16xi32> to vector<16xi32>
          %swap3A_259 = vector.shape_cast %add3A_252 : vector<16xi32> to vector<1x16xi32>
          tpu.vector_store %arg7[%swap3A_255, %swap3A_256], %swap3A_259 {strides = array<i32>} : memref<2x128xi32, #tpu.memory_space<vmem>>, vector<1x16xi32>,
        } else {
        }
      }
      %scan3A_183 = arith.constant 8 : i32
      %add3A_184 = arith.constant 1 : i32
      %add3A_185 = arith.addi %scan3A_158, %add3A_184 : i32
      %rem3A_186 = arith.constant 2 : i32
      %rem3A_187 = arith.remsi %add3A_185, %rem3A_186 : i32
      %dma_start3A_188 = arith.constant 0 : i32
      %dma_start3A_189 = arith.constant 0 : i32
      %dma_start3A_190 = tpu.memref_slice %arg8[%rem3A_187, %dma_start3A_188, %dma_start3A_189] : memref<2x128x128xf32, #tpu.memory_space<vmem>> -> memref<1x128x128xf32, #tpu.memory_space<vmem>>
      %dma_start3A_191 = tpu.memref_squeeze %dma_start3A_190 : memref<1x128x128xf32, #tpu.memory_space<vmem>> -> memref<128x128xf32, #tpu.memory_space<vmem>>
      %dma_start3A_192 = arith.constant 0 : i32
      %dma_start3A_193 = tpu.memref_slice %arg6[%rem3A_187, %dma_start3A_192] : memref<2x128xi32, #tpu.memory_space<vmem>> -> memref<1x128xi32, #tpu.memory_space<vmem>>
      %dma_start3A_194 = tpu.memref_squeeze %dma_start3A_193 : memref<1x128xi32, #tpu.memory_space<vmem>> -> memref<128xi32, #tpu.memory_space<vmem>>
      %dma_start3A_195 = arith.constant 0 : i32
      %dma_start3A_196 = arith.constant 0 : i32
      %dma_start3A_197 = tpu.memref_slice %arg2[%dma_start3A_195, %dma_start3A_196] : memref<10240x128xf32, #tpu.memory_space<hbm>> -> memref<10240x128xf32, #tpu.memory_space<hbm>>
      %dma_start3A_198 = tpu.memref_slice %arg10[%rem3A_187] : memref<2x!tpu.dma_semaphore, #tpu.memory_space<semaphore_mem>> -> memref<1x!tpu.dma_semaphore, #tpu.memory_space<semaphore_mem>>
      %dma_start3A_199 = tpu.memref_squeeze %dma_start3A_198 : memref<1x!tpu.dma_semaphore, #tpu.memory_space<semaphore_mem>> -> memref<!tpu.dma_semaphore, #tpu.memory_space<semaphore_mem>>
      tpu.enqueue_indirect_dma source(%dma_start3A_197 : memref<10240x128xf32, #tpu.memory_space<hbm>>) target(%dma_start3A_191 : memref<128x128xf32, #tpu.memory_space<vmem>>) offsets(%dma_start3A_194 : memref<128xi32, #tpu.memory_space<vmem>>) semaphore(%dma_start3A_199 : memref<!tpu.dma_semaphore, #tpu.memory_space<semaphore_mem>>)
      %rem3A_200 = arith.constant 2 : i32
      %rem3A_201 = arith.remsi %scan3A_158, %rem3A_200 : i32
      %dma_wait3A_202 = arith.constant 0 : i32
      %dma_wait3A_203 = arith.constant 0 : i32
      %dma_wait3A_204 = tpu.memref_slice %arg8[%rem3A_201, %dma_wait3A_202, %dma_wait3A_203] : memref<2x128x128xf32, #tpu.memory_space<vmem>> -> memref<1x128x128xf32, #tpu.memory_space<vmem>>
      %dma_wait3A_205 = tpu.memref_squeeze %dma_wait3A_204 : memref<1x128x128xf32, #tpu.memory_space<vmem>> -> memref<128x128xf32, #tpu.memory_space<vmem>>
      %dma_wait3A_206 = arith.constant 0 : i32
      %dma_wait3A_207 = tpu.memref_slice %arg6[%rem3A_201, %dma_wait3A_206] : memref<2x128xi32, #tpu.memory_space<vmem>> -> memref<1x128xi32, #tpu.memory_space<vmem>>
      %dma_wait3A_208 = tpu.memref_squeeze %dma_wait3A_207 : memref<1x128xi32, #tpu.memory_space<vmem>> -> memref<128xi32, #tpu.memory_space<vmem>>
      %dma_wait3A_209 = arith.constant 0 : i32
      %dma_wait3A_210 = arith.constant 0 : i32
      %dma_wait3A_211 = tpu.memref_slice %arg2[%dma_wait3A_209, %dma_wait3A_210] : memref<10240x128xf32, #tpu.memory_space<hbm>> -> memref<10240x128xf32, #tpu.memory_space<hbm>>
      %dma_wait3A_212 = tpu.memref_slice %arg10[%rem3A_201] : memref<2x!tpu.dma_semaphore, #tpu.memory_space<semaphore_mem>> -> memref<1x!tpu.dma_semaphore, #tpu.memory_space<semaphore_mem>>
      %dma_wait3A_213 = tpu.memref_squeeze %dma_wait3A_212 : memref<1x!tpu.dma_semaphore, #tpu.memory_space<semaphore_mem>> -> memref<!tpu.dma_semaphore, #tpu.memory_space<semaphore_mem>>
      tpu.wait_indirect_dma semaphore(%dma_wait3A_213 : memref<!tpu.dma_semaphore, #tpu.memory_space<semaphore_mem>>) src(%dma_wait3A_211 : memref<10240x128xf32, #tpu.memory_space<hbm>>) dst(%dma_wait3A_205 : memref<128x128xf32, #tpu.memory_space<vmem>>)
      %rem3A_214 = arith.constant 2 : i32
      %rem3A_215 = arith.remsi %scan3A_158, %rem3A_214 : i32
      %dma_start3A_216 = arith.constant 0 : i32
      %dma_start3A_217 = arith.constant 0 : i32
      %dma_start3A_218 = tpu.memref_slice %arg8[%rem3A_215, %dma_start3A_216, %dma_start3A_217] : memref<2x128x128xf32, #tpu.memory_space<vmem>> -> memref<1x128x128xf32, #tpu.memory_space<vmem>>
      %dma_start3A_219 = tpu.memref_squeeze %dma_start3A_218 : memref<1x128x128xf32, #tpu.memory_space<vmem>> -> memref<128x128xf32, #tpu.memory_space<vmem>>
      %dma_start3A_220 = arith.constant 0 : i32
      %dma_start3A_221 = tpu.memref_slice %arg7[%rem3A_215, %dma_start3A_220] : memref<2x128xi32, #tpu.memory_space<vmem>> -> memref<1x128xi32, #tpu.memory_space<vmem>>
      %dma_start3A_222 = tpu.memref_squeeze %dma_start3A_221 : memref<1x128xi32, #tpu.memory_space<vmem>> -> memref<128xi32, #tpu.memory_space<vmem>>
      %dma_start3A_223 = arith.constant 0 : i32
      %dma_start3A_224 = arith.constant 0 : i32
      %dma_start3A_225 = tpu.memref_slice %arg9[%dma_start3A_223, %dma_start3A_224] : memref<10240x128xf32, #tpu.memory_space<vmem_shared>> -> memref<10240x128xf32, #tpu.memory_space<vmem_shared>>
      %dma_start3A_226 = tpu.memref_slice %arg11[%rem3A_215] : memref<2x!tpu.dma_semaphore, #tpu.memory_space<semaphore_mem>> -> memref<1x!tpu.dma_semaphore, #tpu.memory_space<semaphore_mem>>
      %dma_start3A_227 = tpu.memref_squeeze %dma_start3A_226 : memref<1x!tpu.dma_semaphore, #tpu.memory_space<semaphore_mem>> -> memref<!tpu.dma_semaphore, #tpu.memory_space<semaphore_mem>>
      tpu.enqueue_indirect_dma source(%dma_start3A_219 : memref<128x128xf32, #tpu.memory_space<vmem>>) target(%dma_start3A_225 : memref<10240x128xf32, #tpu.memory_space<vmem_shared>>) offsets(%dma_start3A_222 : memref<128xi32, #tpu.memory_space<vmem>>) semaphore(%dma_start3A_227 : memref<!tpu.dma_semaphore, #tpu.memory_space<semaphore_mem>>) {add = true}
    }
    %scan3A_94 = arith.constant 77 : i32
    %rem3A_95 = arith.constant 78 : i32
    %rem3A_96 = arith.constant 2 : i32
    %rem3A_97 = arith.remsi %rem3A_95, %rem3A_96 : i32
    %dma_wait3A_98 = arith.constant 0 : i32
    %dma_wait3A_99 = arith.constant 0 : i32
    %dma_wait3A_100 = tpu.memref_slice %arg8[%rem3A_97, %dma_wait3A_98, %dma_wait3A_99] : memref<2x128x128xf32, #tpu.memory_space<vmem>> -> memref<1x128x128xf32, #tpu.memory_space<vmem>>
    %dma_wait3A_101 = tpu.memref_squeeze %dma_wait3A_100 : memref<1x128x128xf32, #tpu.memory_space<vmem>> -> memref<128x128xf32, #tpu.memory_space<vmem>>
    %dma_wait3A_102 = arith.constant 0 : i32
    %dma_wait3A_103 = tpu.memref_slice %arg6[%rem3A_97, %dma_wait3A_102] : memref<2x128xi32, #tpu.memory_space<vmem>> -> memref<1x128xi32, #tpu.memory_space<vmem>>
    %dma_wait3A_104 = tpu.memref_squeeze %dma_wait3A_103 : memref<1x128xi32, #tpu.memory_space<vmem>> -> memref<128xi32, #tpu.memory_space<vmem>>
    %dma_wait3A_105 = arith.constant 0 : i32
    %dma_wait3A_106 = arith.constant 0 : i32
    %dma_wait3A_107 = tpu.memref_slice %arg2[%dma_wait3A_105, %dma_wait3A_106] : memref<10240x128xf32, #tpu.memory_space<hbm>> -> memref<10240x128xf32, #tpu.memory_space<hbm>>
    %dma_wait3A_108 = tpu.memref_slice %arg10[%rem3A_97] : memref<2x!tpu.dma_semaphore, #tpu.memory_space<semaphore_mem>> -> memref<1x!tpu.dma_semaphore, #tpu.memory_space<semaphore_mem>>
    %dma_wait3A_109 = tpu.memref_squeeze %dma_wait3A_108 : memref<1x!tpu.dma_semaphore, #tpu.memory_space<semaphore_mem>> -> memref<!tpu.dma_semaphore, #tpu.memory_space<semaphore_mem>>
    tpu.wait_indirect_dma semaphore(%dma_wait3A_109 : memref<!tpu.dma_semaphore, #tpu.memory_space<semaphore_mem>>) src(%dma_wait3A_107 : memref<10240x128xf32, #tpu.memory_space<hbm>>) dst(%dma_wait3A_101 : memref<128x128xf32, #tpu.memory_space<vmem>>)
    %rem3A_110 = arith.constant 78 : i32
    %rem3A_111 = arith.constant 2 : i32
    %rem3A_112 = arith.remsi %rem3A_110, %rem3A_111 : i32
    %dma_start3A_113 = arith.constant 0 : i32
    %dma_start3A_114 = arith.constant 0 : i32
    %dma_start3A_115 = tpu.memref_slice %arg8[%rem3A_112, %dma_start3A_113, %dma_start3A_114] : memref<2x128x128xf32, #tpu.memory_space<vmem>> -> memref<1x128x128xf32, #tpu.memory_space<vmem>>
    %dma_start3A_116 = tpu.memref_squeeze %dma_start3A_115 : memref<1x128x128xf32, #tpu.memory_space<vmem>> -> memref<128x128xf32, #tpu.memory_space<vmem>>
    %dma_start3A_117 = arith.constant 0 : i32
    %dma_start3A_118 = tpu.memref_slice %arg7[%rem3A_112, %dma_start3A_117] : memref<2x128xi32, #tpu.memory_space<vmem>> -> memref<1x128xi32, #tpu.memory_space<vmem>>
    %dma_start3A_119 = tpu.memref_squeeze %dma_start3A_118 : memref<1x128xi32, #tpu.memory_space<vmem>> -> memref<128xi32, #tpu.memory_space<vmem>>
    %dma_start3A_120 = arith.constant 0 : i32
    %dma_start3A_121 = arith.constant 0 : i32
    %dma_start3A_122 = tpu.memref_slice %arg9[%dma_start3A_120, %dma_start3A_121] : memref<10240x128xf32, #tpu.memory_space<vmem_shared>> -> memref<10240x128xf32, #tpu.memory_space<vmem_shared>>
    %dma_start3A_123 = tpu.memref_slice %arg11[%rem3A_112] : memref<2x!tpu.dma_semaphore, #tpu.memory_space<semaphore_mem>> -> memref<1x!tpu.dma_semaphore, #tpu.memory_space<semaphore_mem>>
    %dma_start3A_124 = tpu.memref_squeeze %dma_start3A_123 : memref<1x!tpu.dma_semaphore, #tpu.memory_space<semaphore_mem>> -> memref<!tpu.dma_semaphore, #tpu.memory_space<semaphore_mem>>
    tpu.enqueue_indirect_dma source(%dma_start3A_116 : memref<128x128xf32, #tpu.memory_space<vmem>>) target(%dma_start3A_122 : memref<10240x128xf32, #tpu.memory_space<vmem_shared>>) offsets(%dma_start3A_119 : memref<128xi32, #tpu.memory_space<vmem>>) semaphore(%dma_start3A_124 : memref<!tpu.dma_semaphore, #tpu.memory_space<semaphore_mem>>) {add = true}
    %rem3A_125 = arith.constant 77 : i32
    %rem3A_126 = arith.constant 2 : i32
    %rem3A_127 = arith.remsi %rem3A_125, %rem3A_126 : i32
    %dma_wait3A_128 = arith.constant 0 : i32
    %dma_wait3A_129 = arith.constant 0 : i32
    %dma_wait3A_130 = tpu.memref_slice %arg8[%rem3A_127, %dma_wait3A_128, %dma_wait3A_129] : memref<2x128x128xf32, #tpu.memory_space<vmem>> -> memref<1x128x128xf32, #tpu.memory_space<vmem>>
    %dma_wait3A_131 = tpu.memref_squeeze %dma_wait3A_130 : memref<1x128x128xf32, #tpu.memory_space<vmem>> -> memref<128x128xf32, #tpu.memory_space<vmem>>
    %dma_wait3A_132 = arith.constant 0 : i32
    %dma_wait3A_133 = tpu.memref_slice %arg7[%rem3A_127, %dma_wait3A_132] : memref<2x128xi32, #tpu.memory_space<vmem>> -> memref<1x128xi32, #tpu.memory_space<vmem>>
    %dma_wait3A_134 = tpu.memref_squeeze %dma_wait3A_133 : memref<1x128xi32, #tpu.memory_space<vmem>> -> memref<128xi32, #tpu.memory_space<vmem>>
    %dma_wait3A_135 = arith.constant 0 : i32
    %dma_wait3A_136 = arith.constant 0 : i32
    %dma_wait3A_137 = tpu.memref_slice %arg9[%dma_wait3A_135, %dma_wait3A_136] : memref<10240x128xf32, #tpu.memory_space<vmem_shared>> -> memref<10240x128xf32, #tpu.memory_space<vmem_shared>>
    %dma_wait3A_138 = tpu.memref_slice %arg11[%rem3A_127] : memref<2x!tpu.dma_semaphore, #tpu.memory_space<semaphore_mem>> -> memref<1x!tpu.dma_semaphore, #tpu.memory_space<semaphore_mem>>
    %dma_wait3A_139 = tpu.memref_squeeze %dma_wait3A_138 : memref<1x!tpu.dma_semaphore, #tpu.memory_space<semaphore_mem>> -> memref<!tpu.dma_semaphore, #tpu.memory_space<semaphore_mem>>
    tpu.wait_indirect_dma semaphore(%dma_wait3A_139 : memref<!tpu.dma_semaphore, #tpu.memory_space<semaphore_mem>>) src(%dma_wait3A_131 : memref<128x128xf32, #tpu.memory_space<vmem>>) dst(%dma_wait3A_137 : memref<10240x128xf32, #tpu.memory_space<vmem_shared>>)
    %rem3A_140 = arith.constant 78 : i32
    %rem3A_141 = arith.constant 2 : i32
    %rem3A_142 = arith.remsi %rem3A_140, %rem3A_141 : i32
    %dma_wait3A_143 = arith.constant 0 : i32
    %dma_wait3A_144 = arith.constant 0 : i32
    %dma_wait3A_145 = tpu.memref_slice %arg8[%rem3A_142, %dma_wait3A_143, %dma_wait3A_144] : memref<2x128x128xf32, #tpu.memory_space<vmem>> -> memref<1x128x128xf32, #tpu.memory_space<vmem>>
    %dma_wait3A_146 = tpu.memref_squeeze %dma_wait3A_145 : memref<1x128x128xf32, #tpu.memory_space<vmem>> -> memref<128x128xf32, #tpu.memory_space<vmem>>
    %dma_wait3A_147 = arith.constant 0 : i32
    %dma_wait3A_148 = tpu.memref_slice %arg7[%rem3A_142, %dma_wait3A_147] : memref<2x128xi32, #tpu.memory_space<vmem>> -> memref<1x128xi32, #tpu.memory_space<vmem>>
    %dma_wait3A_149 = tpu.memref_squeeze %dma_wait3A_148 : memref<1x128xi32, #tpu.memory_space<vmem>> -> memref<128xi32, #tpu.memory_space<vmem>>
    %dma_wait3A_150 = arith.constant 0 : i32
    %dma_wait3A_151 = arith.constant 0 : i32
    %dma_wait3A_152 = tpu.memref_slice %arg9[%dma_wait3A_150, %dma_wait3A_151] : memref<10240x128xf32, #tpu.memory_space<vmem_shared>> -> memref<10240x128xf32, #tpu.memory_space<vmem_shared>>
    %dma_wait3A_153 = tpu.memref_slice %arg11[%rem3A_142] : memref<2x!tpu.dma_semaphore, #tpu.memory_space<semaphore_mem>> -> memref<1x!tpu.dma_semaphore, #tpu.memory_space<semaphore_mem>>
    %dma_wait3A_154 = tpu.memref_squeeze %dma_wait3A_153 : memref<1x!tpu.dma_semaphore, #tpu.memory_space<semaphore_mem>> -> memref<!tpu.dma_semaphore, #tpu.memory_space<semaphore_mem>>
    tpu.wait_indirect_dma semaphore(%dma_wait3A_154 : memref<!tpu.dma_semaphore, #tpu.memory_space<semaphore_mem>>) src(%dma_wait3A_146 : memref<128x128xf32, #tpu.memory_space<vmem>>) dst(%dma_wait3A_152 : memref<10240x128xf32, #tpu.memory_space<vmem_shared>>)
    %barrier3A_155 = arith.constant 0 : index
    tpu.barrier barrier_id(%barrier3A_155)
    %mul3A_156 = arith.constant 640 : i32
    %mul3A_157 = arith.muli %arg1, %mul3A_156 : i32
    "tpu.region"() ({
      %run_scoped3A = tpu.sem_alloc : memref<!tpu.dma_semaphore, #tpu.memory_space<semaphore_mem>>
      %dma_start3A_158 = arith.constant 0 : i32
      %dma_start3A_159 = arith.constant 0 : i32
      %dma_start3A_160 = tpu.memref_slice %arg4[%arg0, %arg1, %dma_start3A_158, %dma_start3A_159] : memref<2x16x640x128xf32, #tpu.memory_space<hbm>> -> memref<1x1x640x128xf32, #tpu.memory_space<hbm>>
      %dma_start3A_161 = tpu.memref_squeeze %dma_start3A_160 : memref<1x1x640x128xf32, #tpu.memory_space<hbm>> -> memref<640x128xf32, #tpu.memory_space<hbm>>
      %dma_start3A_162 = arith.constant 0 : i32
      %dma_start3A_163 = tpu.memref_slice %arg9[%mul3A_157, %dma_start3A_162] : memref<10240x128xf32, #tpu.memory_space<vmem_shared>> -> memref<640x128xf32, #tpu.memory_space<vmem_shared>>
      tpu.enqueue_dma source(%dma_start3A_163 : memref<640x128xf32, #tpu.memory_space<vmem_shared>>) target(%dma_start3A_161 : memref<640x128xf32, #tpu.memory_space<hbm>>) target_semaphore(%run_scoped3A : memref<!tpu.dma_semaphore, #tpu.memory_space<semaphore_mem>>)
      %dma_wait3A_164 = arith.constant 0 : i32
      %dma_wait3A_165 = arith.constant 0 : i32
      %dma_wait3A_166 = tpu.memref_slice %arg4[%arg0, %arg1, %dma_wait3A_164, %dma_wait3A_165] : memref<2x16x640x128xf32, #tpu.memory_space<hbm>> -> memref<1x1x640x128xf32, #tpu.memory_space<hbm>>
      %dma_wait3A_167 = tpu.memref_squeeze %dma_wait3A_166 : memref<1x1x640x128xf32, #tpu.memory_space<hbm>> -> memref<640x128xf32, #tpu.memory_space<hbm>>
      %dma_wait3A_168 = arith.constant 0 : i32
      %dma_wait3A_169 = tpu.memref_slice %arg9[%mul3A_157, %dma_wait3A_168] : memref<10240x128xf32, #tpu.memory_space<vmem_shared>> -> memref<640x128xf32, #tpu.memory_space<vmem_shared>>
      tpu.wait_dma2 semaphore(%run_scoped3A : memref<!tpu.dma_semaphore, #tpu.memory_space<semaphore_mem>>) src(%dma_wait3A_169 : memref<640x128xf32, #tpu.memory_space<vmem_shared>>) dst(%dma_wait3A_167 : memref<640x128xf32, #tpu.memory_space<hbm>>)
      tpu.yield
    }) : () -> ()
    return
  }
}

#map = affine_map<(d0, d1) -> (0)>
#map1 = affine_map<(d0, d1) -> (0, 0, 0)>
module attributes {stable_mosaic.version = 14 : i64} {
  func.func @_sc_deg_body(%arg0: i32, %arg1: i32, %arg2: memref<320000xi32, #tpu.memory_space<hbm>>, %arg3: memref<2x16x640xf32, #tpu.memory_space<hbm>>, %arg4: memref<10000xi32, #tpu.memory_space<vmem>>, %arg5: memref<1x128xi32, #tpu.memory_space<vmem>>, %arg6: memref<128xf32, #tpu.memory_space<vmem>>, %arg7: memref<640xf32, #tpu.memory_space<vmem>>, %arg8: memref<10240xf32, #tpu.memory_space<vmem_shared>>) attributes {dimension_semantics = [#tpu.dimension_semantics<core_parallel>, #tpu.dimension_semantics<subcore_parallel>], iteration_bounds = array<i64: 2, 16>, scalar_prefetch = 0 : i64, scratch_operands = 5 : i64, tpu.core_type = #tpu.core_type<sc_vector_subcore>, window_params = [{transform_indices = #map}, {transform_indices = #map1}]} {
    %mul3A = arith.constant 16 : i32
    %mul3A_0 = arith.muli %arg0, %mul3A : i32
    %add3A = arith.addi %mul3A_0, %arg1 : i32
    %scan3A = arith.constant 0 : i32
    %scan3A_1 = arith.constant 0 : i32
    %scan3A_2 = arith.constant 8 : i32
    %scan3A_3 = arith.addi %scan3A_1, %scan3A_2 : i32
    %scan3A_4 = arith.constant 1 : i32
    scf.for %scan3A_25 = %scan3A_1 to %scan3A_3 step %scan3A_4  : i32 {
      %broadcast_in_dim3A = arith.constant 1.000000e+00 : f32
      %broadcast_in_dim3A_26 = vector.broadcast %broadcast_in_dim3A : f32 to vector<16xf32>
      %mul3A_27 = arith.constant 16 : i32
      %mul3A_28 = arith.muli %scan3A_25, %mul3A_27 : i32
      %swap3A = arith.index_cast %mul3A_28 : i32 to index
      %swap3A_29 = tpu.vector_load %arg6[%swap3A] {strides = array<i32>} : memref<128xf32, #tpu.memory_space<vmem>>, vector<16xf32>,
      %swap3A_30 = vector.shape_cast %swap3A_29 : vector<16xf32> to vector<16xf32>
      %swap3A_31 = vector.shape_cast %broadcast_in_dim3A_26 : vector<16xf32> to vector<16xf32>
      tpu.vector_store %arg6[%swap3A], %swap3A_31 {strides = array<i32>} : memref<128xf32, #tpu.memory_space<vmem>>, vector<16xf32>,
    }
    %scan3A_5 = arith.constant 8 : i32
    %scan3A_6 = arith.constant 0 : i32
    %scan3A_7 = arith.constant 0 : i32
    %scan3A_8 = arith.constant 40 : i32
    %scan3A_9 = arith.addi %scan3A_7, %scan3A_8 : i32
    %scan3A_10 = arith.constant 1 : i32
    scf.for %scan3A_25 = %scan3A_7 to %scan3A_9 step %scan3A_10  : i32 {
      %broadcast_in_dim3A = arith.constant 0.000000e+00 : f32
      %broadcast_in_dim3A_26 = vector.broadcast %broadcast_in_dim3A : f32 to vector<16xf32>
      %mul3A_27 = arith.constant 16 : i32
      %mul3A_28 = arith.muli %scan3A_25, %mul3A_27 : i32
      %swap3A = arith.index_cast %mul3A_28 : i32 to index
      %swap3A_29 = tpu.vector_load %arg7[%swap3A] {strides = array<i32>} : memref<640xf32, #tpu.memory_space<vmem>>, vector<16xf32>,
      %swap3A_30 = vector.shape_cast %swap3A_29 : vector<16xf32> to vector<16xf32>
      %swap3A_31 = vector.shape_cast %broadcast_in_dim3A_26 : vector<16xf32> to vector<16xf32>
      tpu.vector_store %arg7[%swap3A], %swap3A_31 {strides = array<i32>} : memref<640xf32, #tpu.memory_space<vmem>>, vector<16xf32>,
    }
    %scan3A_11 = arith.constant 40 : i32
    %mul3A_12 = arith.constant 10000 : i32
    %mul3A_13 = arith.muli %add3A, %mul3A_12 : i32
    "tpu.region"() ({
      %run_scoped3A = tpu.sem_alloc : memref<!tpu.dma_semaphore, #tpu.memory_space<semaphore_mem>>
      %dma_start3A = tpu.memref_slice %arg2[%mul3A_13] : memref<320000xi32, #tpu.memory_space<hbm>> -> memref<10000xi32, #tpu.memory_space<hbm>>
      %dma_start3A_25 = tpu.memref_slice %arg2[%mul3A_13] : memref<320000xi32, #tpu.memory_space<hbm>> -> memref<10000xi32, #tpu.memory_space<hbm>>
      tpu.enqueue_dma source(%dma_start3A_25 : memref<10000xi32, #tpu.memory_space<hbm>>) target(%arg4 : memref<10000xi32, #tpu.memory_space<vmem>>) target_semaphore(%run_scoped3A : memref<!tpu.dma_semaphore, #tpu.memory_space<semaphore_mem>>)
      %dma_wait3A = tpu.memref_slice %arg2[%mul3A_13] : memref<320000xi32, #tpu.memory_space<hbm>> -> memref<10000xi32, #tpu.memory_space<hbm>>
      %dma_wait3A_26 = tpu.memref_slice %arg2[%mul3A_13] : memref<320000xi32, #tpu.memory_space<hbm>> -> memref<10000xi32, #tpu.memory_space<hbm>>
      tpu.wait_dma2 semaphore(%run_scoped3A : memref<!tpu.dma_semaphore, #tpu.memory_space<semaphore_mem>>) src(%dma_wait3A_26 : memref<10000xi32, #tpu.memory_space<hbm>>) dst(%arg4 : memref<10000xi32, #tpu.memory_space<vmem>>)
      tpu.yield
    }) : () -> ()
    %mul3A_14 = arith.constant 640 : i32
    %mul3A_15 = arith.muli %arg1, %mul3A_14 : i32
    "tpu.region"() ({
      %run_scoped3A = tpu.sem_alloc : memref<!tpu.dma_semaphore, #tpu.memory_space<semaphore_mem>>
      %dma_start3A = tpu.memref_slice %arg8[%mul3A_15] : memref<10240xf32, #tpu.memory_space<vmem_shared>> -> memref<640xf32, #tpu.memory_space<vmem_shared>>
      %dma_start3A_25 = tpu.memref_slice %arg8[%mul3A_15] : memref<10240xf32, #tpu.memory_space<vmem_shared>> -> memref<640xf32, #tpu.memory_space<vmem_shared>>
      tpu.enqueue_dma source(%arg7 : memref<640xf32, #tpu.memory_space<vmem>>) target(%dma_start3A_25 : memref<640xf32, #tpu.memory_space<vmem_shared>>) target_semaphore(%run_scoped3A : memref<!tpu.dma_semaphore, #tpu.memory_space<semaphore_mem>>)
      %dma_wait3A = tpu.memref_slice %arg8[%mul3A_15] : memref<10240xf32, #tpu.memory_space<vmem_shared>> -> memref<640xf32, #tpu.memory_space<vmem_shared>>
      %dma_wait3A_26 = tpu.memref_slice %arg8[%mul3A_15] : memref<10240xf32, #tpu.memory_space<vmem_shared>> -> memref<640xf32, #tpu.memory_space<vmem_shared>>
      tpu.wait_dma2 semaphore(%run_scoped3A : memref<!tpu.dma_semaphore, #tpu.memory_space<semaphore_mem>>) src(%arg7 : memref<640xf32, #tpu.memory_space<vmem>>) dst(%dma_wait3A_26 : memref<640xf32, #tpu.memory_space<vmem_shared>>)
      tpu.yield
    }) : () -> ()
    %barrier3A = arith.constant 0 : index
    tpu.barrier barrier_id(%barrier3A)
    %scan3A_16 = arith.constant 0 : i32
    %scan3A_17 = arith.constant 0 : i32
    %scan3A_18 = arith.constant 79 : i32
    %scan3A_19 = arith.addi %scan3A_17, %scan3A_18 : i32
    %scan3A_20 = arith.constant 1 : i32
    scf.for %scan3A_25 = %scan3A_17 to %scan3A_19 step %scan3A_20  : i32 {
      %scan3A_26 = arith.constant 0 : i32
      %scan3A_27 = arith.constant 0 : i32
      %scan3A_28 = arith.constant 8 : i32
      %scan3A_29 = arith.addi %scan3A_27, %scan3A_28 : i32
      %scan3A_30 = arith.constant 1 : i32
      scf.for %scan3A_32 = %scan3A_27 to %scan3A_29 step %scan3A_30  : i32 {
        %mul3A_33 = arith.constant 128 : i32
        %mul3A_34 = arith.muli %scan3A_25, %mul3A_33 : i32
        %mul3A_35 = arith.constant 16 : i32
        %mul3A_36 = arith.muli %scan3A_32, %mul3A_35 : i32
        %add3A_37 = arith.addi %mul3A_34, %mul3A_36 : i32
        %lt3A = arith.constant 10000 : i32
        %lt3A_38 = arith.cmpi slt, %add3A_37, %lt3A : i32
        %convert_element_type3A = arith.extui %lt3A_38 : i1 to i32
        %cond3A = arith.constant 0 : i32
        %cond3A_39 = arith.cmpi ne, %convert_element_type3A, %cond3A : i32
        scf.if %cond3A_39 {
          %get3A = arith.index_cast %add3A_37 : i32 to index
          %get3A_44 = tpu.vector_load %arg4[%get3A] {strides = array<i32>} : memref<10000xi32, #tpu.memory_space<vmem>>, vector<16xi32>,
          %get3A_45 = vector.shape_cast %get3A_44 : vector<16xi32> to vector<16xi32>
          %mul3A_46 = arith.constant 16 : i32
          %mul3A_47 = arith.muli %scan3A_32, %mul3A_46 : i32
          %swap3A = arith.constant 0 : i32
          %swap3A_48 = arith.index_cast %swap3A : i32 to index
          %swap3A_49 = arith.index_cast %mul3A_47 : i32 to index
          %swap3A_50 = tpu.vector_load %arg5[%swap3A_48, %swap3A_49] {strides = array<i32>} : memref<1x128xi32, #tpu.memory_space<vmem>>, vector<1x16xi32>,
          %swap3A_51 = vector.shape_cast %swap3A_50 : vector<1x16xi32> to vector<16xi32>
          %swap3A_52 = vector.shape_cast %get3A_45 : vector<16xi32> to vector<1x16xi32>
          tpu.vector_store %arg5[%swap3A_48, %swap3A_49], %swap3A_52 {strides = array<i32>} : memref<1x128xi32, #tpu.memory_space<vmem>>, vector<1x16xi32>,
        } else {
        }
        %ge3A = arith.constant 10000 : i32
        %ge3A_40 = arith.cmpi sge, %add3A_37, %ge3A : i32
        %convert_element_type3A_41 = arith.extui %ge3A_40 : i1 to i32
        %cond3A_42 = arith.constant 0 : i32
        %cond3A_43 = arith.cmpi ne, %convert_element_type3A_41, %cond3A_42 : i32
        scf.if %cond3A_43 {
          %mul3A_44 = arith.constant 16 : i32
          %mul3A_45 = arith.muli %scan3A_32, %mul3A_44 : i32
          %add3A_46 = arith.constant 10000 : i32
          %add3A_47 = arith.addi %add3A_46, %mul3A_45 : i32
          %iota3A = tpu.iota {dimensions = array<i32: 0>} : vector<16xi32>
          %add3A_48 = vector.broadcast %add3A_47 : i32 to vector<16xi32>
          %add3A_49 = arith.addi %add3A_48, %iota3A : vector<16xi32>
          %mul3A_50 = arith.constant 16 : i32
          %mul3A_51 = arith.muli %scan3A_32, %mul3A_50 : i32
          %swap3A = arith.constant 0 : i32
          %swap3A_52 = arith.index_cast %swap3A : i32 to index
          %swap3A_53 = arith.index_cast %mul3A_51 : i32 to index
          %swap3A_54 = tpu.vector_load %arg5[%swap3A_52, %swap3A_53] {strides = array<i32>} : memref<1x128xi32, #tpu.memory_space<vmem>>, vector<1x16xi32>,
          %swap3A_55 = vector.shape_cast %swap3A_54 : vector<1x16xi32> to vector<16xi32>
          %swap3A_56 = vector.shape_cast %add3A_49 : vector<16xi32> to vector<1x16xi32>
          tpu.vector_store %arg5[%swap3A_52, %swap3A_53], %swap3A_56 {strides = array<i32>} : memref<1x128xi32, #tpu.memory_space<vmem>>, vector<1x16xi32>,
        } else {
        }
      }
      %scan3A_31 = arith.constant 8 : i32
      %run_scoped3A = arith.constant 0 : i32
      "tpu.region"() ({
        %run_scoped3A_32 = tpu.sem_alloc : memref<!tpu.dma_semaphore, #tpu.memory_space<semaphore_mem>>
        %dma_start3A = arith.constant 0 : i32
        %dma_start3A_33 = tpu.memref_slice %arg5[%run_scoped3A, %dma_start3A] : memref<1x128xi32, #tpu.memory_space<vmem>> -> memref<1x128xi32, #tpu.memory_space<vmem>>
        %dma_start3A_34 = tpu.memref_squeeze %dma_start3A_33 : memref<1x128xi32, #tpu.memory_space<vmem>> -> memref<128xi32, #tpu.memory_space<vmem>>
        %dma_start3A_35 = arith.constant 0 : i32
        %dma_start3A_36 = tpu.memref_slice %arg8[%dma_start3A_35] : memref<10240xf32, #tpu.memory_space<vmem_shared>> -> memref<10240xf32, #tpu.memory_space<vmem_shared>>
        tpu.enqueue_indirect_dma source(%arg6 : memref<128xf32, #tpu.memory_space<vmem>>) target(%dma_start3A_36 : memref<10240xf32, #tpu.memory_space<vmem_shared>>) offsets(%dma_start3A_34 : memref<128xi32, #tpu.memory_space<vmem>>) semaphore(%run_scoped3A_32 : memref<!tpu.dma_semaphore, #tpu.memory_space<semaphore_mem>>) {add = true}
        %dma_wait3A = arith.constant 0 : i32
        %dma_wait3A_37 = tpu.memref_slice %arg5[%run_scoped3A, %dma_wait3A] : memref<1x128xi32, #tpu.memory_space<vmem>> -> memref<1x128xi32, #tpu.memory_space<vmem>>
        %dma_wait3A_38 = tpu.memref_squeeze %dma_wait3A_37 : memref<1x128xi32, #tpu.memory_space<vmem>> -> memref<128xi32, #tpu.memory_space<vmem>>
        %dma_wait3A_39 = arith.constant 0 : i32
        %dma_wait3A_40 = tpu.memref_slice %arg8[%dma_wait3A_39] : memref<10240xf32, #tpu.memory_space<vmem_shared>> -> memref<10240xf32, #tpu.memory_space<vmem_shared>>
        tpu.wait_indirect_dma semaphore(%run_scoped3A_32 : memref<!tpu.dma_semaphore, #tpu.memory_space<semaphore_mem>>) src(%arg6 : memref<128xf32, #tpu.memory_space<vmem>>) dst(%dma_wait3A_40 : memref<10240xf32, #tpu.memory_space<vmem_shared>>)
        tpu.yield
      }) : () -> ()
    }
    %scan3A_21 = arith.constant 79 : i32
    %barrier3A_22 = arith.constant 0 : index
    tpu.barrier barrier_id(%barrier3A_22)
    %mul3A_23 = arith.constant 640 : i32
    %mul3A_24 = arith.muli %arg1, %mul3A_23 : i32
    "tpu.region"() ({
      %run_scoped3A = tpu.sem_alloc : memref<!tpu.dma_semaphore, #tpu.memory_space<semaphore_mem>>
      %dma_start3A = arith.constant 0 : i32
      %dma_start3A_25 = tpu.memref_slice %arg3[%arg0, %arg1, %dma_start3A] : memref<2x16x640xf32, #tpu.memory_space<hbm>> -> memref<1x1x640xf32, #tpu.memory_space<hbm>>
      %dma_start3A_26 = tpu.memref_squeeze %dma_start3A_25 : memref<1x1x640xf32, #tpu.memory_space<hbm>> -> memref<640xf32, #tpu.memory_space<hbm>>
      %dma_start3A_27 = tpu.memref_slice %arg8[%mul3A_24] : memref<10240xf32, #tpu.memory_space<vmem_shared>> -> memref<640xf32, #tpu.memory_space<vmem_shared>>
      tpu.enqueue_dma source(%dma_start3A_27 : memref<640xf32, #tpu.memory_space<vmem_shared>>) target(%dma_start3A_26 : memref<640xf32, #tpu.memory_space<hbm>>) target_semaphore(%run_scoped3A : memref<!tpu.dma_semaphore, #tpu.memory_space<semaphore_mem>>)
      %dma_wait3A = arith.constant 0 : i32
      %dma_wait3A_28 = tpu.memref_slice %arg3[%arg0, %arg1, %dma_wait3A] : memref<2x16x640xf32, #tpu.memory_space<hbm>> -> memref<1x1x640xf32, #tpu.memory_space<hbm>>
      %dma_wait3A_29 = tpu.memref_squeeze %dma_wait3A_28 : memref<1x1x640xf32, #tpu.memory_space<hbm>> -> memref<640xf32, #tpu.memory_space<hbm>>
      %dma_wait3A_30 = tpu.memref_slice %arg8[%mul3A_24] : memref<10240xf32, #tpu.memory_space<vmem_shared>> -> memref<640xf32, #tpu.memory_space<vmem_shared>>
      tpu.wait_dma2 semaphore(%run_scoped3A : memref<!tpu.dma_semaphore, #tpu.memory_space<semaphore_mem>>) src(%dma_wait3A_30 : memref<640xf32, #tpu.memory_space<vmem_shared>>) dst(%dma_wait3A_29 : memref<640xf32, #tpu.memory_space<hbm>>)
      tpu.yield
    }) : () -> ()
    return
  }
}

#map = affine_map<(d0, d1) -> (0, 0)>
#map1 = affine_map<(d0, d1) -> (0)>
#map2 = affine_map<(d0, d1) -> (0, 0, 0, 0)>
module attributes {stable_mosaic.version = 14 : i64} {
  func.func @_sc_scatter_body(%arg0: i32, %arg1: i32, %arg2: memref<10240x128xf32, #tpu.memory_space<hbm>>, %arg3: memref<320000xi32, #tpu.memory_space<hbm>>, %arg4: memref<2x16x640x128xf32, #tpu.memory_space<hbm>>, %arg5: memref<10000xi32, #tpu.memory_space<vmem>>, %arg6: memref<2x128xi32, #tpu.memory_space<vmem>>, %arg7: memref<2x128xi32, #tpu.memory_space<vmem>>, %arg8: memref<2x128x128xf32, #tpu.memory_space<vmem>>, %arg9: memref<10240x128xf32, #tpu.memory_space<vmem_shared>>, %arg10: memref<2x!tpu.dma_semaphore, #tpu.memory_space<semaphore_mem>>, %arg11: memref<2x!tpu.dma_semaphore, #tpu.memory_space<semaphore_mem>>) attributes {dimension_semantics = [#tpu.dimension_semantics<core_parallel>, #tpu.dimension_semantics<subcore_parallel>], iteration_bounds = array<i64: 2, 16>, scalar_prefetch = 0 : i64, scratch_operands = 7 : i64, tpu.core_type = #tpu.core_type<sc_vector_subcore>, window_params = [{transform_indices = #map}, {transform_indices = #map1}, {transform_indices = #map2}]} {
    %mul3A = arith.constant 16 : i32
    %mul3A_0 = arith.muli %arg0, %mul3A : i32
    %add3A = arith.addi %mul3A_0, %arg1 : i32
    %scan3A = arith.constant 0 : i32
    %scan3A_1 = arith.constant 0 : i32
    %scan3A_2 = arith.constant 128 : i32
    %scan3A_3 = arith.addi %scan3A_1, %scan3A_2 : i32
    %scan3A_4 = arith.constant 1 : i32
    scf.for %scan3A_158 = %scan3A_1 to %scan3A_3 step %scan3A_4  : i32 {
      %scan3A_159 = arith.constant 0 : i32
      %scan3A_160 = arith.constant 0 : i32
      %scan3A_161 = arith.constant 8 : i32
      %scan3A_162 = arith.addi %scan3A_160, %scan3A_161 : i32
      %scan3A_163 = arith.constant 1 : i32
      scf.for %scan3A_165 = %scan3A_160 to %scan3A_162 step %scan3A_163  : i32 {
        %broadcast_in_dim3A = arith.constant 0.000000e+00 : f32
        %broadcast_in_dim3A_166 = vector.broadcast %broadcast_in_dim3A : f32 to vector<16xf32>
        %mul3A_167 = arith.constant 16 : i32
        %mul3A_168 = arith.muli %scan3A_165, %mul3A_167 : i32
        %swap3A = arith.constant 0 : i32
        %swap3A_169 = arith.index_cast %swap3A : i32 to index
        %swap3A_170 = arith.index_cast %scan3A_158 : i32 to index
        %swap3A_171 = arith.index_cast %mul3A_168 : i32 to index
        %swap3A_172 = tpu.vector_load %arg8[%swap3A_169, %swap3A_170, %swap3A_171] {strides = array<i32>} : memref<2x128x128xf32, #tpu.memory_space<vmem>>, vector<1x1x16xf32>,
        %swap3A_173 = vector.shape_cast %swap3A_172 : vector<1x1x16xf32> to vector<16xf32>
        %swap3A_174 = vector.shape_cast %broadcast_in_dim3A_166 : vector<16xf32> to vector<1x1x16xf32>
        tpu.vector_store %arg8[%swap3A_169, %swap3A_170, %swap3A_171], %swap3A_174 {strides = array<i32>} : memref<2x128x128xf32, #tpu.memory_space<vmem>>, vector<1x1x16xf32>,
      }
      %scan3A_164 = arith.constant 8 : i32
    }
    %scan3A_5 = arith.constant 128 : i32
    %scan3A_6 = arith.constant 0 : i32
    %scan3A_7 = arith.constant 0 : i32
    %scan3A_8 = arith.constant 10 : i32
    %scan3A_9 = arith.addi %scan3A_7, %scan3A_8 : i32
    %scan3A_10 = arith.constant 1 : i32
    scf.for %scan3A_158 = %scan3A_7 to %scan3A_9 step %scan3A_10  : i32 {
      %mul3A_159 = arith.constant 640 : i32
      %mul3A_160 = arith.muli %arg1, %mul3A_159 : i32
      %mul3A_161 = arith.constant 64 : i32
      %mul3A_162 = arith.muli %scan3A_158, %mul3A_161 : i32
      %add3A_163 = arith.addi %mul3A_160, %mul3A_162 : i32
      %run_scoped3A = arith.constant 0 : i32
      "tpu.region"() ({
        %run_scoped3A_164 = tpu.sem_alloc : memref<!tpu.dma_semaphore, #tpu.memory_space<semaphore_mem>>
        %dma_start3A_165 = arith.constant 0 : i32
        %dma_start3A_166 = arith.constant 0 : i32
        %dma_start3A_167 = tpu.memref_slice %arg8[%run_scoped3A, %dma_start3A_165, %dma_start3A_166] : memref<2x128x128xf32, #tpu.memory_space<vmem>> -> memref<1x64x128xf32, #tpu.memory_space<vmem>>
        %dma_start3A_168 = tpu.memref_squeeze %dma_start3A_167 : memref<1x64x128xf32, #tpu.memory_space<vmem>> -> memref<64x128xf32, #tpu.memory_space<vmem>>
        %dma_start3A_169 = arith.constant 0 : i32
        %dma_start3A_170 = tpu.memref_slice %arg9[%add3A_163, %dma_start3A_169] : memref<10240x128xf32, #tpu.memory_space<vmem_shared>> -> memref<64x128xf32, #tpu.memory_space<vmem_shared>>
        %dma_start3A_171 = arith.constant 0 : i32
        %dma_start3A_172 = tpu.memref_slice %arg9[%add3A_163, %dma_start3A_171] : memref<10240x128xf32, #tpu.memory_space<vmem_shared>> -> memref<64x128xf32, #tpu.memory_space<vmem_shared>>
        %dma_start3A_173 = arith.constant 0 : i32
        %dma_start3A_174 = arith.constant 0 : i32
        %dma_start3A_175 = tpu.memref_slice %arg8[%run_scoped3A, %dma_start3A_173, %dma_start3A_174] : memref<2x128x128xf32, #tpu.memory_space<vmem>> -> memref<1x64x128xf32, #tpu.memory_space<vmem>>
        %dma_start3A_176 = tpu.memref_squeeze %dma_start3A_175 : memref<1x64x128xf32, #tpu.memory_space<vmem>> -> memref<64x128xf32, #tpu.memory_space<vmem>>
        tpu.enqueue_dma source(%dma_start3A_176 : memref<64x128xf32, #tpu.memory_space<vmem>>) target(%dma_start3A_172 : memref<64x128xf32, #tpu.memory_space<vmem_shared>>) target_semaphore(%run_scoped3A_164 : memref<!tpu.dma_semaphore, #tpu.memory_space<semaphore_mem>>)
        %dma_wait3A_177 = arith.constant 0 : i32
        %dma_wait3A_178 = arith.constant 0 : i32
        %dma_wait3A_179 = tpu.memref_slice %arg8[%run_scoped3A, %dma_wait3A_177, %dma_wait3A_178] : memref<2x128x128xf32, #tpu.memory_space<vmem>> -> memref<1x64x128xf32, #tpu.memory_space<vmem>>
        %dma_wait3A_180 = tpu.memref_squeeze %dma_wait3A_179 : memref<1x64x128xf32, #tpu.memory_space<vmem>> -> memref<64x128xf32, #tpu.memory_space<vmem>>
        %dma_wait3A_181 = arith.constant 0 : i32
        %dma_wait3A_182 = tpu.memref_slice %arg9[%add3A_163, %dma_wait3A_181] : memref<10240x128xf32, #tpu.memory_space<vmem_shared>> -> memref<64x128xf32, #tpu.memory_space<vmem_shared>>
        %dma_wait3A_183 = arith.constant 0 : i32
        %dma_wait3A_184 = tpu.memref_slice %arg9[%add3A_163, %dma_wait3A_183] : memref<10240x128xf32, #tpu.memory_space<vmem_shared>> -> memref<64x128xf32, #tpu.memory_space<vmem_shared>>
        %dma_wait3A_185 = arith.constant 0 : i32
        %dma_wait3A_186 = arith.constant 0 : i32
        %dma_wait3A_187 = tpu.memref_slice %arg8[%run_scoped3A, %dma_wait3A_185, %dma_wait3A_186] : memref<2x128x128xf32, #tpu.memory_space<vmem>> -> memref<1x64x128xf32, #tpu.memory_space<vmem>>
        %dma_wait3A_188 = tpu.memref_squeeze %dma_wait3A_187 : memref<1x64x128xf32, #tpu.memory_space<vmem>> -> memref<64x128xf32, #tpu.memory_space<vmem>>
        tpu.wait_dma2 semaphore(%run_scoped3A_164 : memref<!tpu.dma_semaphore, #tpu.memory_space<semaphore_mem>>) src(%dma_wait3A_188 : memref<64x128xf32, #tpu.memory_space<vmem>>) dst(%dma_wait3A_184 : memref<64x128xf32, #tpu.memory_space<vmem_shared>>)
        tpu.yield
      }) : () -> ()
    }
    %scan3A_11 = arith.constant 10 : i32
    %mul3A_12 = arith.constant 10000 : i32
    %mul3A_13 = arith.muli %add3A, %mul3A_12 : i32
    "tpu.region"() ({
      %run_scoped3A = tpu.sem_alloc : memref<!tpu.dma_semaphore, #tpu.memory_space<semaphore_mem>>
      %dma_start3A_158 = tpu.memref_slice %arg3[%mul3A_13] : memref<320000xi32, #tpu.memory_space<hbm>> -> memref<10000xi32, #tpu.memory_space<hbm>>
      %dma_start3A_159 = tpu.memref_slice %arg3[%mul3A_13] : memref<320000xi32, #tpu.memory_space<hbm>> -> memref<10000xi32, #tpu.memory_space<hbm>>
      tpu.enqueue_dma source(%dma_start3A_159 : memref<10000xi32, #tpu.memory_space<hbm>>) target(%arg5 : memref<10000xi32, #tpu.memory_space<vmem>>) target_semaphore(%run_scoped3A : memref<!tpu.dma_semaphore, #tpu.memory_space<semaphore_mem>>)
      %dma_wait3A_160 = tpu.memref_slice %arg3[%mul3A_13] : memref<320000xi32, #tpu.memory_space<hbm>> -> memref<10000xi32, #tpu.memory_space<hbm>>
      %dma_wait3A_161 = tpu.memref_slice %arg3[%mul3A_13] : memref<320000xi32, #tpu.memory_space<hbm>> -> memref<10000xi32, #tpu.memory_space<hbm>>
      tpu.wait_dma2 semaphore(%run_scoped3A : memref<!tpu.dma_semaphore, #tpu.memory_space<semaphore_mem>>) src(%dma_wait3A_161 : memref<10000xi32, #tpu.memory_space<hbm>>) dst(%arg5 : memref<10000xi32, #tpu.memory_space<vmem>>)
      tpu.yield
    }) : () -> ()
    %barrier3A = arith.constant 0 : index
    tpu.barrier barrier_id(%barrier3A)
    %rem3A = arith.constant 0 : i32
    %rem3A_14 = arith.constant 2 : i32
    %rem3A_15 = arith.remsi %rem3A, %rem3A_14 : i32
    %scan3A_16 = arith.constant 0 : i32
    %scan3A_17 = arith.constant 0 : i32
    %scan3A_18 = arith.constant 8 : i32
    %scan3A_19 = arith.addi %scan3A_17, %scan3A_18 : i32
    %scan3A_20 = arith.constant 1 : i32
    scf.for %scan3A_158 = %scan3A_17 to %scan3A_19 step %scan3A_20  : i32 {
      %mul3A_159 = arith.constant 16 : i32
      %mul3A_160 = arith.muli %scan3A_158, %mul3A_159 : i32
      %add3A_161 = arith.constant 0 : i32
      %add3A_162 = arith.addi %add3A_161, %mul3A_160 : i32
      %lt3A = arith.constant 10000 : i32
      %lt3A_163 = arith.cmpi slt, %add3A_162, %lt3A : i32
      %convert_element_type3A = arith.extui %lt3A_163 : i1 to i32
      %cond3A = arith.constant 0 : i32
      %cond3A_164 = arith.cmpi ne, %convert_element_type3A, %cond3A : i32
      scf.if %cond3A_164 {
        %get3A = arith.index_cast %add3A_162 : i32 to index
        %get3A_169 = tpu.vector_load %arg5[%get3A] {strides = array<i32>} : memref<10000xi32, #tpu.memory_space<vmem>>, vector<16xi32>,
        %get3A_170 = vector.shape_cast %get3A_169 : vector<16xi32> to vector<16xi32>
        %broadcast_in_dim3A = arith.constant 65535 : i32
        %broadcast_in_dim3A_171 = vector.broadcast %broadcast_in_dim3A : i32 to vector<16xi32>
        %and3A = arith.andi %get3A_170, %broadcast_in_dim3A_171 : vector<16xi32>
        %mul3A_172 = arith.constant 16 : i32
        %mul3A_173 = arith.muli %scan3A_158, %mul3A_172 : i32
        %swap3A = arith.index_cast %rem3A_15 : i32 to index
        %swap3A_174 = arith.index_cast %mul3A_173 : i32 to index
        %swap3A_175 = tpu.vector_load %arg6[%swap3A, %swap3A_174] {strides = array<i32>} : memref<2x128xi32, #tpu.memory_space<vmem>>, vector<1x16xi32>,
        %swap3A_176 = vector.shape_cast %swap3A_175 : vector<1x16xi32> to vector<16xi32>
        %swap3A_177 = vector.shape_cast %and3A : vector<16xi32> to vector<1x16xi32>
        tpu.vector_store %arg6[%swap3A, %swap3A_174], %swap3A_177 {strides = array<i32>} : memref<2x128xi32, #tpu.memory_space<vmem>>, vector<1x16xi32>,
        %shift_right_logical3A = arith.constant 16 : i32
        %shift_right_logical3A_178 = vector.broadcast %shift_right_logical3A : i32 to vector<16xi32>
        %shift_right_logical3A_179 = arith.shrui %get3A_170, %shift_right_logical3A_178 : vector<16xi32>
        %mul3A_180 = arith.constant 16 : i32
        %mul3A_181 = arith.muli %scan3A_158, %mul3A_180 : i32
        %swap3A_182 = arith.index_cast %rem3A_15 : i32 to index
        %swap3A_183 = arith.index_cast %mul3A_181 : i32 to index
        %swap3A_184 = tpu.vector_load %arg7[%swap3A_182, %swap3A_183] {strides = array<i32>} : memref<2x128xi32, #tpu.memory_space<vmem>>, vector<1x16xi32>,
        %swap3A_185 = vector.shape_cast %swap3A_184 : vector<1x16xi32> to vector<16xi32>
        %swap3A_186 = vector.shape_cast %shift_right_logical3A_179 : vector<16xi32> to vector<1x16xi32>
        tpu.vector_store %arg7[%swap3A_182, %swap3A_183], %swap3A_186 {strides = array<i32>} : memref<2x128xi32, #tpu.memory_space<vmem>>, vector<1x16xi32>,
      } else {
      }
      %ge3A = arith.constant 10000 : i32
      %ge3A_165 = arith.cmpi sge, %add3A_162, %ge3A : i32
      %convert_element_type3A_166 = arith.extui %ge3A_165 : i1 to i32
      %cond3A_167 = arith.constant 0 : i32
      %cond3A_168 = arith.cmpi ne, %convert_element_type3A_166, %cond3A_167 : i32
      scf.if %cond3A_168 {
        %mul3A_169 = arith.constant 16 : i32
        %mul3A_170 = arith.muli %scan3A_158, %mul3A_169 : i32
        %iota3A = tpu.iota {dimensions = array<i32: 0>} : vector<16xi32>
        %add3A_171 = vector.broadcast %mul3A_170 : i32 to vector<16xi32>
        %add3A_172 = arith.addi %add3A_171, %iota3A : vector<16xi32>
        %mul3A_173 = arith.constant 16 : i32
        %mul3A_174 = arith.muli %scan3A_158, %mul3A_173 : i32
        %swap3A = arith.index_cast %rem3A_15 : i32 to index
        %swap3A_175 = arith.index_cast %mul3A_174 : i32 to index
        %swap3A_176 = tpu.vector_load %arg6[%swap3A, %swap3A_175] {strides = array<i32>} : memref<2x128xi32, #tpu.memory_space<vmem>>, vector<1x16xi32>,
        %swap3A_177 = vector.shape_cast %swap3A_176 : vector<1x16xi32> to vector<16xi32>
        %swap3A_178 = vector.shape_cast %add3A_172 : vector<16xi32> to vector<1x16xi32>
        tpu.vector_store %arg6[%swap3A, %swap3A_175], %swap3A_178 {strides = array<i32>} : memref<2x128xi32, #tpu.memory_space<vmem>>, vector<1x16xi32>,
        %add3A_179 = arith.constant 10000 : i32
        %add3A_180 = vector.broadcast %add3A_179 : i32 to vector<16xi32>
        %add3A_181 = arith.addi %add3A_180, %add3A_172 : vector<16xi32>
        %mul3A_182 = arith.constant 16 : i32
        %mul3A_183 = arith.muli %scan3A_158, %mul3A_182 : i32
        %swap3A_184 = arith.index_cast %rem3A_15 : i32 to index
        %swap3A_185 = arith.index_cast %mul3A_183 : i32 to index
        %swap3A_186 = tpu.vector_load %arg7[%swap3A_184, %swap3A_185] {strides = array<i32>} : memref<2x128xi32, #tpu.memory_space<vmem>>, vector<1x16xi32>,
        %swap3A_187 = vector.shape_cast %swap3A_186 : vector<1x16xi32> to vector<16xi32>
        %swap3A_188 = vector.shape_cast %add3A_181 : vector<16xi32> to vector<1x16xi32>
        tpu.vector_store %arg7[%swap3A_184, %swap3A_185], %swap3A_188 {strides = array<i32>} : memref<2x128xi32, #tpu.memory_space<vmem>>, vector<1x16xi32>,
      } else {
      }
    }
    %scan3A_21 = arith.constant 8 : i32
    %rem3A_22 = arith.constant 0 : i32
    %rem3A_23 = arith.constant 2 : i32
    %rem3A_24 = arith.remsi %rem3A_22, %rem3A_23 : i32
    %dma_start3A = arith.constant 0 : i32
    %dma_start3A_25 = arith.constant 0 : i32
    %dma_start3A_26 = tpu.memref_slice %arg8[%rem3A_24, %dma_start3A, %dma_start3A_25] : memref<2x128x128xf32, #tpu.memory_space<vmem>> -> memref<1x128x128xf32, #tpu.memory_space<vmem>>
    %dma_start3A_27 = tpu.memref_squeeze %dma_start3A_26 : memref<1x128x128xf32, #tpu.memory_space<vmem>> -> memref<128x128xf32, #tpu.memory_space<vmem>>
    %dma_start3A_28 = arith.constant 0 : i32
    %dma_start3A_29 = tpu.memref_slice %arg6[%rem3A_24, %dma_start3A_28] : memref<2x128xi32, #tpu.memory_space<vmem>> -> memref<1x128xi32, #tpu.memory_space<vmem>>
    %dma_start3A_30 = tpu.memref_squeeze %dma_start3A_29 : memref<1x128xi32, #tpu.memory_space<vmem>> -> memref<128xi32, #tpu.memory_space<vmem>>
    %dma_start3A_31 = arith.constant 0 : i32
    %dma_start3A_32 = arith.constant 0 : i32
    %dma_start3A_33 = tpu.memref_slice %arg2[%dma_start3A_31, %dma_start3A_32] : memref<10240x128xf32, #tpu.memory_space<hbm>> -> memref<10240x128xf32, #tpu.memory_space<hbm>>
    %dma_start3A_34 = tpu.memref_slice %arg10[%rem3A_24] : memref<2x!tpu.dma_semaphore, #tpu.memory_space<semaphore_mem>> -> memref<1x!tpu.dma_semaphore, #tpu.memory_space<semaphore_mem>>
    %dma_start3A_35 = tpu.memref_squeeze %dma_start3A_34 : memref<1x!tpu.dma_semaphore, #tpu.memory_space<semaphore_mem>> -> memref<!tpu.dma_semaphore, #tpu.memory_space<semaphore_mem>>
    tpu.enqueue_indirect_dma source(%dma_start3A_33 : memref<10240x128xf32, #tpu.memory_space<hbm>>) target(%dma_start3A_27 : memref<128x128xf32, #tpu.memory_space<vmem>>) offsets(%dma_start3A_30 : memref<128xi32, #tpu.memory_space<vmem>>) semaphore(%dma_start3A_35 : memref<!tpu.dma_semaphore, #tpu.memory_space<semaphore_mem>>)
    %rem3A_36 = arith.constant 1 : i32
    %rem3A_37 = arith.constant 2 : i32
    %rem3A_38 = arith.remsi %rem3A_36, %rem3A_37 : i32
    %scan3A_39 = arith.constant 0 : i32
    %scan3A_40 = arith.constant 0 : i32
    %scan3A_41 = arith.constant 8 : i32
    %scan3A_42 = arith.addi %scan3A_40, %scan3A_41 : i32
    %scan3A_43 = arith.constant 1 : i32
    scf.for %scan3A_158 = %scan3A_40 to %scan3A_42 step %scan3A_43  : i32 {
      %mul3A_159 = arith.constant 16 : i32
      %mul3A_160 = arith.muli %scan3A_158, %mul3A_159 : i32
      %add3A_161 = arith.constant 128 : i32
      %add3A_162 = arith.addi %add3A_161, %mul3A_160 : i32
      %lt3A = arith.constant 10000 : i32
      %lt3A_163 = arith.cmpi slt, %add3A_162, %lt3A : i32
      %convert_element_type3A = arith.extui %lt3A_163 : i1 to i32
      %cond3A = arith.constant 0 : i32
      %cond3A_164 = arith.cmpi ne, %convert_element_type3A, %cond3A : i32
      scf.if %cond3A_164 {
        %get3A = arith.index_cast %add3A_162 : i32 to index
        %get3A_169 = tpu.vector_load %arg5[%get3A] {strides = array<i32>} : memref<10000xi32, #tpu.memory_space<vmem>>, vector<16xi32>,
        %get3A_170 = vector.shape_cast %get3A_169 : vector<16xi32> to vector<16xi32>
        %broadcast_in_dim3A = arith.constant 65535 : i32
        %broadcast_in_dim3A_171 = vector.broadcast %broadcast_in_dim3A : i32 to vector<16xi32>
        %and3A = arith.andi %get3A_170, %broadcast_in_dim3A_171 : vector<16xi32>
        %mul3A_172 = arith.constant 16 : i32
        %mul3A_173 = arith.muli %scan3A_158, %mul3A_172 : i32
        %swap3A = arith.index_cast %rem3A_38 : i32 to index
        %swap3A_174 = arith.index_cast %mul3A_173 : i32 to index
        %swap3A_175 = tpu.vector_load %arg6[%swap3A, %swap3A_174] {strides = array<i32>} : memref<2x128xi32, #tpu.memory_space<vmem>>, vector<1x16xi32>,
        %swap3A_176 = vector.shape_cast %swap3A_175 : vector<1x16xi32> to vector<16xi32>
        %swap3A_177 = vector.shape_cast %and3A : vector<16xi32> to vector<1x16xi32>
        tpu.vector_store %arg6[%swap3A, %swap3A_174], %swap3A_177 {strides = array<i32>} : memref<2x128xi32, #tpu.memory_space<vmem>>, vector<1x16xi32>,
        %shift_right_logical3A = arith.constant 16 : i32
        %shift_right_logical3A_178 = vector.broadcast %shift_right_logical3A : i32 to vector<16xi32>
        %shift_right_logical3A_179 = arith.shrui %get3A_170, %shift_right_logical3A_178 : vector<16xi32>
        %mul3A_180 = arith.constant 16 : i32
        %mul3A_181 = arith.muli %scan3A_158, %mul3A_180 : i32
        %swap3A_182 = arith.index_cast %rem3A_38 : i32 to index
        %swap3A_183 = arith.index_cast %mul3A_181 : i32 to index
        %swap3A_184 = tpu.vector_load %arg7[%swap3A_182, %swap3A_183] {strides = array<i32>} : memref<2x128xi32, #tpu.memory_space<vmem>>, vector<1x16xi32>,
        %swap3A_185 = vector.shape_cast %swap3A_184 : vector<1x16xi32> to vector<16xi32>
        %swap3A_186 = vector.shape_cast %shift_right_logical3A_179 : vector<16xi32> to vector<1x16xi32>
        tpu.vector_store %arg7[%swap3A_182, %swap3A_183], %swap3A_186 {strides = array<i32>} : memref<2x128xi32, #tpu.memory_space<vmem>>, vector<1x16xi32>,
      } else {
      }
      %ge3A = arith.constant 10000 : i32
      %ge3A_165 = arith.cmpi sge, %add3A_162, %ge3A : i32
      %convert_element_type3A_166 = arith.extui %ge3A_165 : i1 to i32
      %cond3A_167 = arith.constant 0 : i32
      %cond3A_168 = arith.cmpi ne, %convert_element_type3A_166, %cond3A_167 : i32
      scf.if %cond3A_168 {
        %mul3A_169 = arith.constant 16 : i32
        %mul3A_170 = arith.muli %scan3A_158, %mul3A_169 : i32
        %iota3A = tpu.iota {dimensions = array<i32: 0>} : vector<16xi32>
        %add3A_171 = vector.broadcast %mul3A_170 : i32 to vector<16xi32>
        %add3A_172 = arith.addi %add3A_171, %iota3A : vector<16xi32>
        %mul3A_173 = arith.constant 16 : i32
        %mul3A_174 = arith.muli %scan3A_158, %mul3A_173 : i32
        %swap3A = arith.index_cast %rem3A_38 : i32 to index
        %swap3A_175 = arith.index_cast %mul3A_174 : i32 to index
        %swap3A_176 = tpu.vector_load %arg6[%swap3A, %swap3A_175] {strides = array<i32>} : memref<2x128xi32, #tpu.memory_space<vmem>>, vector<1x16xi32>,
        %swap3A_177 = vector.shape_cast %swap3A_176 : vector<1x16xi32> to vector<16xi32>
        %swap3A_178 = vector.shape_cast %add3A_172 : vector<16xi32> to vector<1x16xi32>
        tpu.vector_store %arg6[%swap3A, %swap3A_175], %swap3A_178 {strides = array<i32>} : memref<2x128xi32, #tpu.memory_space<vmem>>, vector<1x16xi32>,
        %add3A_179 = arith.constant 10000 : i32
        %add3A_180 = vector.broadcast %add3A_179 : i32 to vector<16xi32>
        %add3A_181 = arith.addi %add3A_180, %add3A_172 : vector<16xi32>
        %mul3A_182 = arith.constant 16 : i32
        %mul3A_183 = arith.muli %scan3A_158, %mul3A_182 : i32
        %swap3A_184 = arith.index_cast %rem3A_38 : i32 to index
        %swap3A_185 = arith.index_cast %mul3A_183 : i32 to index
        %swap3A_186 = tpu.vector_load %arg7[%swap3A_184, %swap3A_185] {strides = array<i32>} : memref<2x128xi32, #tpu.memory_space<vmem>>, vector<1x16xi32>,
        %swap3A_187 = vector.shape_cast %swap3A_186 : vector<1x16xi32> to vector<16xi32>
        %swap3A_188 = vector.shape_cast %add3A_181 : vector<16xi32> to vector<1x16xi32>
        tpu.vector_store %arg7[%swap3A_184, %swap3A_185], %swap3A_188 {strides = array<i32>} : memref<2x128xi32, #tpu.memory_space<vmem>>, vector<1x16xi32>,
      } else {
      }
    }
    %scan3A_44 = arith.constant 8 : i32
    %rem3A_45 = arith.constant 1 : i32
    %rem3A_46 = arith.constant 2 : i32
    %rem3A_47 = arith.remsi %rem3A_45, %rem3A_46 : i32
    %dma_start3A_48 = arith.constant 0 : i32
    %dma_start3A_49 = arith.constant 0 : i32
    %dma_start3A_50 = tpu.memref_slice %arg8[%rem3A_47, %dma_start3A_48, %dma_start3A_49] : memref<2x128x128xf32, #tpu.memory_space<vmem>> -> memref<1x128x128xf32, #tpu.memory_space<vmem>>
    %dma_start3A_51 = tpu.memref_squeeze %dma_start3A_50 : memref<1x128x128xf32, #tpu.memory_space<vmem>> -> memref<128x128xf32, #tpu.memory_space<vmem>>
    %dma_start3A_52 = arith.constant 0 : i32
    %dma_start3A_53 = tpu.memref_slice %arg6[%rem3A_47, %dma_start3A_52] : memref<2x128xi32, #tpu.memory_space<vmem>> -> memref<1x128xi32, #tpu.memory_space<vmem>>
    %dma_start3A_54 = tpu.memref_squeeze %dma_start3A_53 : memref<1x128xi32, #tpu.memory_space<vmem>> -> memref<128xi32, #tpu.memory_space<vmem>>
    %dma_start3A_55 = arith.constant 0 : i32
    %dma_start3A_56 = arith.constant 0 : i32
    %dma_start3A_57 = tpu.memref_slice %arg2[%dma_start3A_55, %dma_start3A_56] : memref<10240x128xf32, #tpu.memory_space<hbm>> -> memref<10240x128xf32, #tpu.memory_space<hbm>>
    %dma_start3A_58 = tpu.memref_slice %arg10[%rem3A_47] : memref<2x!tpu.dma_semaphore, #tpu.memory_space<semaphore_mem>> -> memref<1x!tpu.dma_semaphore, #tpu.memory_space<semaphore_mem>>
    %dma_start3A_59 = tpu.memref_squeeze %dma_start3A_58 : memref<1x!tpu.dma_semaphore, #tpu.memory_space<semaphore_mem>> -> memref<!tpu.dma_semaphore, #tpu.memory_space<semaphore_mem>>
    tpu.enqueue_indirect_dma source(%dma_start3A_57 : memref<10240x128xf32, #tpu.memory_space<hbm>>) target(%dma_start3A_51 : memref<128x128xf32, #tpu.memory_space<vmem>>) offsets(%dma_start3A_54 : memref<128xi32, #tpu.memory_space<vmem>>) semaphore(%dma_start3A_59 : memref<!tpu.dma_semaphore, #tpu.memory_space<semaphore_mem>>)
    %rem3A_60 = arith.constant 0 : i32
    %rem3A_61 = arith.constant 2 : i32
    %rem3A_62 = arith.remsi %rem3A_60, %rem3A_61 : i32
    %dma_wait3A = arith.constant 0 : i32
    %dma_wait3A_63 = arith.constant 0 : i32
    %dma_wait3A_64 = tpu.memref_slice %arg8[%rem3A_62, %dma_wait3A, %dma_wait3A_63] : memref<2x128x128xf32, #tpu.memory_space<vmem>> -> memref<1x128x128xf32, #tpu.memory_space<vmem>>
    %dma_wait3A_65 = tpu.memref_squeeze %dma_wait3A_64 : memref<1x128x128xf32, #tpu.memory_space<vmem>> -> memref<128x128xf32, #tpu.memory_space<vmem>>
    %dma_wait3A_66 = arith.constant 0 : i32
    %dma_wait3A_67 = tpu.memref_slice %arg6[%rem3A_62, %dma_wait3A_66] : memref<2x128xi32, #tpu.memory_space<vmem>> -> memref<1x128xi32, #tpu.memory_space<vmem>>
    %dma_wait3A_68 = tpu.memref_squeeze %dma_wait3A_67 : memref<1x128xi32, #tpu.memory_space<vmem>> -> memref<128xi32, #tpu.memory_space<vmem>>
    %dma_wait3A_69 = arith.constant 0 : i32
    %dma_wait3A_70 = arith.constant 0 : i32
    %dma_wait3A_71 = tpu.memref_slice %arg2[%dma_wait3A_69, %dma_wait3A_70] : memref<10240x128xf32, #tpu.memory_space<hbm>> -> memref<10240x128xf32, #tpu.memory_space<hbm>>
    %dma_wait3A_72 = tpu.memref_slice %arg10[%rem3A_62] : memref<2x!tpu.dma_semaphore, #tpu.memory_space<semaphore_mem>> -> memref<1x!tpu.dma_semaphore, #tpu.memory_space<semaphore_mem>>
    %dma_wait3A_73 = tpu.memref_squeeze %dma_wait3A_72 : memref<1x!tpu.dma_semaphore, #tpu.memory_space<semaphore_mem>> -> memref<!tpu.dma_semaphore, #tpu.memory_space<semaphore_mem>>
    tpu.wait_indirect_dma semaphore(%dma_wait3A_73 : memref<!tpu.dma_semaphore, #tpu.memory_space<semaphore_mem>>) src(%dma_wait3A_71 : memref<10240x128xf32, #tpu.memory_space<hbm>>) dst(%dma_wait3A_65 : memref<128x128xf32, #tpu.memory_space<vmem>>)
    %rem3A_74 = arith.constant 0 : i32
    %rem3A_75 = arith.constant 2 : i32
    %rem3A_76 = arith.remsi %rem3A_74, %rem3A_75 : i32
    %dma_start3A_77 = arith.constant 0 : i32
    %dma_start3A_78 = arith.constant 0 : i32
    %dma_start3A_79 = tpu.memref_slice %arg8[%rem3A_76, %dma_start3A_77, %dma_start3A_78] : memref<2x128x128xf32, #tpu.memory_space<vmem>> -> memref<1x128x128xf32, #tpu.memory_space<vmem>>
    %dma_start3A_80 = tpu.memref_squeeze %dma_start3A_79 : memref<1x128x128xf32, #tpu.memory_space<vmem>> -> memref<128x128xf32, #tpu.memory_space<vmem>>
    %dma_start3A_81 = arith.constant 0 : i32
    %dma_start3A_82 = tpu.memref_slice %arg7[%rem3A_76, %dma_start3A_81] : memref<2x128xi32, #tpu.memory_space<vmem>> -> memref<1x128xi32, #tpu.memory_space<vmem>>
    %dma_start3A_83 = tpu.memref_squeeze %dma_start3A_82 : memref<1x128xi32, #tpu.memory_space<vmem>> -> memref<128xi32, #tpu.memory_space<vmem>>
    %dma_start3A_84 = arith.constant 0 : i32
    %dma_start3A_85 = arith.constant 0 : i32
    %dma_start3A_86 = tpu.memref_slice %arg9[%dma_start3A_84, %dma_start3A_85] : memref<10240x128xf32, #tpu.memory_space<vmem_shared>> -> memref<10240x128xf32, #tpu.memory_space<vmem_shared>>
    %dma_start3A_87 = tpu.memref_slice %arg11[%rem3A_76] : memref<2x!tpu.dma_semaphore, #tpu.memory_space<semaphore_mem>> -> memref<1x!tpu.dma_semaphore, #tpu.memory_space<semaphore_mem>>
    %dma_start3A_88 = tpu.memref_squeeze %dma_start3A_87 : memref<1x!tpu.dma_semaphore, #tpu.memory_space<semaphore_mem>> -> memref<!tpu.dma_semaphore, #tpu.memory_space<semaphore_mem>>
    tpu.enqueue_indirect_dma source(%dma_start3A_80 : memref<128x128xf32, #tpu.memory_space<vmem>>) target(%dma_start3A_86 : memref<10240x128xf32, #tpu.memory_space<vmem_shared>>) offsets(%dma_start3A_83 : memref<128xi32, #tpu.memory_space<vmem>>) semaphore(%dma_start3A_88 : memref<!tpu.dma_semaphore, #tpu.memory_space<semaphore_mem>>) {add = true}
    %scan3A_89 = arith.constant 0 : i32
    %scan3A_90 = arith.constant 1 : i32
    %scan3A_91 = arith.constant 77 : i32
    %scan3A_92 = arith.addi %scan3A_90, %scan3A_91 : i32
    %scan3A_93 = arith.constant 1 : i32
    scf.for %scan3A_158 = %scan3A_90 to %scan3A_92 step %scan3A_93  : i32 {
      %sub3A = arith.constant 1 : i32
      %sub3A_159 = arith.subi %scan3A_158, %sub3A : i32
      %rem3A_160 = arith.constant 2 : i32
      %rem3A_161 = arith.remsi %sub3A_159, %rem3A_160 : i32
      %dma_wait3A_162 = arith.constant 0 : i32
      %dma_wait3A_163 = arith.constant 0 : i32
      %dma_wait3A_164 = tpu.memref_slice %arg8[%rem3A_161, %dma_wait3A_162, %dma_wait3A_163] : memref<2x128x128xf32, #tpu.memory_space<vmem>> -> memref<1x128x128xf32, #tpu.memory_space<vmem>>
      %dma_wait3A_165 = tpu.memref_squeeze %dma_wait3A_164 : memref<1x128x128xf32, #tpu.memory_space<vmem>> -> memref<128x128xf32, #tpu.memory_space<vmem>>
      %dma_wait3A_166 = arith.constant 0 : i32
      %dma_wait3A_167 = tpu.memref_slice %arg7[%rem3A_161, %dma_wait3A_166] : memref<2x128xi32, #tpu.memory_space<vmem>> -> memref<1x128xi32, #tpu.memory_space<vmem>>
      %dma_wait3A_168 = tpu.memref_squeeze %dma_wait3A_167 : memref<1x128xi32, #tpu.memory_space<vmem>> -> memref<128xi32, #tpu.memory_space<vmem>>
      %dma_wait3A_169 = arith.constant 0 : i32
      %dma_wait3A_170 = arith.constant 0 : i32
      %dma_wait3A_171 = tpu.memref_slice %arg9[%dma_wait3A_169, %dma_wait3A_170] : memref<10240x128xf32, #tpu.memory_space<vmem_shared>> -> memref<10240x128xf32, #tpu.memory_space<vmem_shared>>
      %dma_wait3A_172 = tpu.memref_slice %arg11[%rem3A_161] : memref<2x!tpu.dma_semaphore, #tpu.memory_space<semaphore_mem>> -> memref<1x!tpu.dma_semaphore, #tpu.memory_space<semaphore_mem>>
      %dma_wait3A_173 = tpu.memref_squeeze %dma_wait3A_172 : memref<1x!tpu.dma_semaphore, #tpu.memory_space<semaphore_mem>> -> memref<!tpu.dma_semaphore, #tpu.memory_space<semaphore_mem>>
      tpu.wait_indirect_dma semaphore(%dma_wait3A_173 : memref<!tpu.dma_semaphore, #tpu.memory_space<semaphore_mem>>) src(%dma_wait3A_165 : memref<128x128xf32, #tpu.memory_space<vmem>>) dst(%dma_wait3A_171 : memref<10240x128xf32, #tpu.memory_space<vmem_shared>>)
      %add3A_174 = arith.constant 1 : i32
      %add3A_175 = arith.addi %scan3A_158, %add3A_174 : i32
      %rem3A_176 = arith.constant 2 : i32
      %rem3A_177 = arith.remsi %add3A_175, %rem3A_176 : i32
      %scan3A_178 = arith.constant 0 : i32
      %scan3A_179 = arith.constant 0 : i32
      %scan3A_180 = arith.constant 8 : i32
      %scan3A_181 = arith.addi %scan3A_179, %scan3A_180 : i32
      %scan3A_182 = arith.constant 1 : i32
      scf.for %scan3A_228 = %scan3A_179 to %scan3A_181 step %scan3A_182  : i32 {
        %mul3A_229 = arith.constant 128 : i32
        %mul3A_230 = arith.muli %add3A_175, %mul3A_229 : i32
        %mul3A_231 = arith.constant 16 : i32
        %mul3A_232 = arith.muli %scan3A_228, %mul3A_231 : i32
        %add3A_233 = arith.addi %mul3A_230, %mul3A_232 : i32
        %lt3A = arith.constant 10000 : i32
        %lt3A_234 = arith.cmpi slt, %add3A_233, %lt3A : i32
        %convert_element_type3A = arith.extui %lt3A_234 : i1 to i32
        %cond3A = arith.constant 0 : i32
        %cond3A_235 = arith.cmpi ne, %convert_element_type3A, %cond3A : i32
        scf.if %cond3A_235 {
          %get3A = arith.index_cast %add3A_233 : i32 to index
          %get3A_240 = tpu.vector_load %arg5[%get3A] {strides = array<i32>} : memref<10000xi32, #tpu.memory_space<vmem>>, vector<16xi32>,
          %get3A_241 = vector.shape_cast %get3A_240 : vector<16xi32> to vector<16xi32>
          %broadcast_in_dim3A = arith.constant 65535 : i32
          %broadcast_in_dim3A_242 = vector.broadcast %broadcast_in_dim3A : i32 to vector<16xi32>
          %and3A = arith.andi %get3A_241, %broadcast_in_dim3A_242 : vector<16xi32>
          %mul3A_243 = arith.constant 16 : i32
          %mul3A_244 = arith.muli %scan3A_228, %mul3A_243 : i32
          %swap3A = arith.index_cast %rem3A_177 : i32 to index
          %swap3A_245 = arith.index_cast %mul3A_244 : i32 to index
          %swap3A_246 = tpu.vector_load %arg6[%swap3A, %swap3A_245] {strides = array<i32>} : memref<2x128xi32, #tpu.memory_space<vmem>>, vector<1x16xi32>,
          %swap3A_247 = vector.shape_cast %swap3A_246 : vector<1x16xi32> to vector<16xi32>
          %swap3A_248 = vector.shape_cast %and3A : vector<16xi32> to vector<1x16xi32>
          tpu.vector_store %arg6[%swap3A, %swap3A_245], %swap3A_248 {strides = array<i32>} : memref<2x128xi32, #tpu.memory_space<vmem>>, vector<1x16xi32>,
          %shift_right_logical3A = arith.constant 16 : i32
          %shift_right_logical3A_249 = vector.broadcast %shift_right_logical3A : i32 to vector<16xi32>
          %shift_right_logical3A_250 = arith.shrui %get3A_241, %shift_right_logical3A_249 : vector<16xi32>
          %mul3A_251 = arith.constant 16 : i32
          %mul3A_252 = arith.muli %scan3A_228, %mul3A_251 : i32
          %swap3A_253 = arith.index_cast %rem3A_177 : i32 to index
          %swap3A_254 = arith.index_cast %mul3A_252 : i32 to index
          %swap3A_255 = tpu.vector_load %arg7[%swap3A_253, %swap3A_254] {strides = array<i32>} : memref<2x128xi32, #tpu.memory_space<vmem>>, vector<1x16xi32>,
          %swap3A_256 = vector.shape_cast %swap3A_255 : vector<1x16xi32> to vector<16xi32>
          %swap3A_257 = vector.shape_cast %shift_right_logical3A_250 : vector<16xi32> to vector<1x16xi32>
          tpu.vector_store %arg7[%swap3A_253, %swap3A_254], %swap3A_257 {strides = array<i32>} : memref<2x128xi32, #tpu.memory_space<vmem>>, vector<1x16xi32>,
        } else {
        }
        %ge3A = arith.constant 10000 : i32
        %ge3A_236 = arith.cmpi sge, %add3A_233, %ge3A : i32
        %convert_element_type3A_237 = arith.extui %ge3A_236 : i1 to i32
        %cond3A_238 = arith.constant 0 : i32
        %cond3A_239 = arith.cmpi ne, %convert_element_type3A_237, %cond3A_238 : i32
        scf.if %cond3A_239 {
          %mul3A_240 = arith.constant 16 : i32
          %mul3A_241 = arith.muli %scan3A_228, %mul3A_240 : i32
          %iota3A = tpu.iota {dimensions = array<i32: 0>} : vector<16xi32>
          %add3A_242 = vector.broadcast %mul3A_241 : i32 to vector<16xi32>
          %add3A_243 = arith.addi %add3A_242, %iota3A : vector<16xi32>
          %mul3A_244 = arith.constant 16 : i32
          %mul3A_245 = arith.muli %scan3A_228, %mul3A_244 : i32
          %swap3A = arith.index_cast %rem3A_177 : i32 to index
          %swap3A_246 = arith.index_cast %mul3A_245 : i32 to index
          %swap3A_247 = tpu.vector_load %arg6[%swap3A, %swap3A_246] {strides = array<i32>} : memref<2x128xi32, #tpu.memory_space<vmem>>, vector<1x16xi32>,
          %swap3A_248 = vector.shape_cast %swap3A_247 : vector<1x16xi32> to vector<16xi32>
          %swap3A_249 = vector.shape_cast %add3A_243 : vector<16xi32> to vector<1x16xi32>
          tpu.vector_store %arg6[%swap3A, %swap3A_246], %swap3A_249 {strides = array<i32>} : memref<2x128xi32, #tpu.memory_space<vmem>>, vector<1x16xi32>,
          %add3A_250 = arith.constant 10000 : i32
          %add3A_251 = vector.broadcast %add3A_250 : i32 to vector<16xi32>
          %add3A_252 = arith.addi %add3A_251, %add3A_243 : vector<16xi32>
          %mul3A_253 = arith.constant 16 : i32
          %mul3A_254 = arith.muli %scan3A_228, %mul3A_253 : i32
          %swap3A_255 = arith.index_cast %rem3A_177 : i32 to index
          %swap3A_256 = arith.index_cast %mul3A_254 : i32 to index
          %swap3A_257 = tpu.vector_load %arg7[%swap3A_255, %swap3A_256] {strides = array<i32>} : memref<2x128xi32, #tpu.memory_space<vmem>>, vector<1x16xi32>,
          %swap3A_258 = vector.shape_cast %swap3A_257 : vector<1x16xi32> to vector<16xi32>
          %swap3A_259 = vector.shape_cast %add3A_252 : vector<16xi32> to vector<1x16xi32>
          tpu.vector_store %arg7[%swap3A_255, %swap3A_256], %swap3A_259 {strides = array<i32>} : memref<2x128xi32, #tpu.memory_space<vmem>>, vector<1x16xi32>,
        } else {
        }
      }
      %scan3A_183 = arith.constant 8 : i32
      %add3A_184 = arith.constant 1 : i32
      %add3A_185 = arith.addi %scan3A_158, %add3A_184 : i32
      %rem3A_186 = arith.constant 2 : i32
      %rem3A_187 = arith.remsi %add3A_185, %rem3A_186 : i32
      %dma_start3A_188 = arith.constant 0 : i32
      %dma_start3A_189 = arith.constant 0 : i32
      %dma_start3A_190 = tpu.memref_slice %arg8[%rem3A_187, %dma_start3A_188, %dma_start3A_189] : memref<2x128x128xf32, #tpu.memory_space<vmem>> -> memref<1x128x128xf32, #tpu.memory_space<vmem>>
      %dma_start3A_191 = tpu.memref_squeeze %dma_start3A_190 : memref<1x128x128xf32, #tpu.memory_space<vmem>> -> memref<128x128xf32, #tpu.memory_space<vmem>>
      %dma_start3A_192 = arith.constant 0 : i32
      %dma_start3A_193 = tpu.memref_slice %arg6[%rem3A_187, %dma_start3A_192] : memref<2x128xi32, #tpu.memory_space<vmem>> -> memref<1x128xi32, #tpu.memory_space<vmem>>
      %dma_start3A_194 = tpu.memref_squeeze %dma_start3A_193 : memref<1x128xi32, #tpu.memory_space<vmem>> -> memref<128xi32, #tpu.memory_space<vmem>>
      %dma_start3A_195 = arith.constant 0 : i32
      %dma_start3A_196 = arith.constant 0 : i32
      %dma_start3A_197 = tpu.memref_slice %arg2[%dma_start3A_195, %dma_start3A_196] : memref<10240x128xf32, #tpu.memory_space<hbm>> -> memref<10240x128xf32, #tpu.memory_space<hbm>>
      %dma_start3A_198 = tpu.memref_slice %arg10[%rem3A_187] : memref<2x!tpu.dma_semaphore, #tpu.memory_space<semaphore_mem>> -> memref<1x!tpu.dma_semaphore, #tpu.memory_space<semaphore_mem>>
      %dma_start3A_199 = tpu.memref_squeeze %dma_start3A_198 : memref<1x!tpu.dma_semaphore, #tpu.memory_space<semaphore_mem>> -> memref<!tpu.dma_semaphore, #tpu.memory_space<semaphore_mem>>
      tpu.enqueue_indirect_dma source(%dma_start3A_197 : memref<10240x128xf32, #tpu.memory_space<hbm>>) target(%dma_start3A_191 : memref<128x128xf32, #tpu.memory_space<vmem>>) offsets(%dma_start3A_194 : memref<128xi32, #tpu.memory_space<vmem>>) semaphore(%dma_start3A_199 : memref<!tpu.dma_semaphore, #tpu.memory_space<semaphore_mem>>)
      %rem3A_200 = arith.constant 2 : i32
      %rem3A_201 = arith.remsi %scan3A_158, %rem3A_200 : i32
      %dma_wait3A_202 = arith.constant 0 : i32
      %dma_wait3A_203 = arith.constant 0 : i32
      %dma_wait3A_204 = tpu.memref_slice %arg8[%rem3A_201, %dma_wait3A_202, %dma_wait3A_203] : memref<2x128x128xf32, #tpu.memory_space<vmem>> -> memref<1x128x128xf32, #tpu.memory_space<vmem>>
      %dma_wait3A_205 = tpu.memref_squeeze %dma_wait3A_204 : memref<1x128x128xf32, #tpu.memory_space<vmem>> -> memref<128x128xf32, #tpu.memory_space<vmem>>
      %dma_wait3A_206 = arith.constant 0 : i32
      %dma_wait3A_207 = tpu.memref_slice %arg6[%rem3A_201, %dma_wait3A_206] : memref<2x128xi32, #tpu.memory_space<vmem>> -> memref<1x128xi32, #tpu.memory_space<vmem>>
      %dma_wait3A_208 = tpu.memref_squeeze %dma_wait3A_207 : memref<1x128xi32, #tpu.memory_space<vmem>> -> memref<128xi32, #tpu.memory_space<vmem>>
      %dma_wait3A_209 = arith.constant 0 : i32
      %dma_wait3A_210 = arith.constant 0 : i32
      %dma_wait3A_211 = tpu.memref_slice %arg2[%dma_wait3A_209, %dma_wait3A_210] : memref<10240x128xf32, #tpu.memory_space<hbm>> -> memref<10240x128xf32, #tpu.memory_space<hbm>>
      %dma_wait3A_212 = tpu.memref_slice %arg10[%rem3A_201] : memref<2x!tpu.dma_semaphore, #tpu.memory_space<semaphore_mem>> -> memref<1x!tpu.dma_semaphore, #tpu.memory_space<semaphore_mem>>
      %dma_wait3A_213 = tpu.memref_squeeze %dma_wait3A_212 : memref<1x!tpu.dma_semaphore, #tpu.memory_space<semaphore_mem>> -> memref<!tpu.dma_semaphore, #tpu.memory_space<semaphore_mem>>
      tpu.wait_indirect_dma semaphore(%dma_wait3A_213 : memref<!tpu.dma_semaphore, #tpu.memory_space<semaphore_mem>>) src(%dma_wait3A_211 : memref<10240x128xf32, #tpu.memory_space<hbm>>) dst(%dma_wait3A_205 : memref<128x128xf32, #tpu.memory_space<vmem>>)
      %rem3A_214 = arith.constant 2 : i32
      %rem3A_215 = arith.remsi %scan3A_158, %rem3A_214 : i32
      %dma_start3A_216 = arith.constant 0 : i32
      %dma_start3A_217 = arith.constant 0 : i32
      %dma_start3A_218 = tpu.memref_slice %arg8[%rem3A_215, %dma_start3A_216, %dma_start3A_217] : memref<2x128x128xf32, #tpu.memory_space<vmem>> -> memref<1x128x128xf32, #tpu.memory_space<vmem>>
      %dma_start3A_219 = tpu.memref_squeeze %dma_start3A_218 : memref<1x128x128xf32, #tpu.memory_space<vmem>> -> memref<128x128xf32, #tpu.memory_space<vmem>>
      %dma_start3A_220 = arith.constant 0 : i32
      %dma_start3A_221 = tpu.memref_slice %arg7[%rem3A_215, %dma_start3A_220] : memref<2x128xi32, #tpu.memory_space<vmem>> -> memref<1x128xi32, #tpu.memory_space<vmem>>
      %dma_start3A_222 = tpu.memref_squeeze %dma_start3A_221 : memref<1x128xi32, #tpu.memory_space<vmem>> -> memref<128xi32, #tpu.memory_space<vmem>>
      %dma_start3A_223 = arith.constant 0 : i32
      %dma_start3A_224 = arith.constant 0 : i32
      %dma_start3A_225 = tpu.memref_slice %arg9[%dma_start3A_223, %dma_start3A_224] : memref<10240x128xf32, #tpu.memory_space<vmem_shared>> -> memref<10240x128xf32, #tpu.memory_space<vmem_shared>>
      %dma_start3A_226 = tpu.memref_slice %arg11[%rem3A_215] : memref<2x!tpu.dma_semaphore, #tpu.memory_space<semaphore_mem>> -> memref<1x!tpu.dma_semaphore, #tpu.memory_space<semaphore_mem>>
      %dma_start3A_227 = tpu.memref_squeeze %dma_start3A_226 : memref<1x!tpu.dma_semaphore, #tpu.memory_space<semaphore_mem>> -> memref<!tpu.dma_semaphore, #tpu.memory_space<semaphore_mem>>
      tpu.enqueue_indirect_dma source(%dma_start3A_219 : memref<128x128xf32, #tpu.memory_space<vmem>>) target(%dma_start3A_225 : memref<10240x128xf32, #tpu.memory_space<vmem_shared>>) offsets(%dma_start3A_222 : memref<128xi32, #tpu.memory_space<vmem>>) semaphore(%dma_start3A_227 : memref<!tpu.dma_semaphore, #tpu.memory_space<semaphore_mem>>) {add = true}
    }
    %scan3A_94 = arith.constant 77 : i32
    %rem3A_95 = arith.constant 78 : i32
    %rem3A_96 = arith.constant 2 : i32
    %rem3A_97 = arith.remsi %rem3A_95, %rem3A_96 : i32
    %dma_wait3A_98 = arith.constant 0 : i32
    %dma_wait3A_99 = arith.constant 0 : i32
    %dma_wait3A_100 = tpu.memref_slice %arg8[%rem3A_97, %dma_wait3A_98, %dma_wait3A_99] : memref<2x128x128xf32, #tpu.memory_space<vmem>> -> memref<1x128x128xf32, #tpu.memory_space<vmem>>
    %dma_wait3A_101 = tpu.memref_squeeze %dma_wait3A_100 : memref<1x128x128xf32, #tpu.memory_space<vmem>> -> memref<128x128xf32, #tpu.memory_space<vmem>>
    %dma_wait3A_102 = arith.constant 0 : i32
    %dma_wait3A_103 = tpu.memref_slice %arg6[%rem3A_97, %dma_wait3A_102] : memref<2x128xi32, #tpu.memory_space<vmem>> -> memref<1x128xi32, #tpu.memory_space<vmem>>
    %dma_wait3A_104 = tpu.memref_squeeze %dma_wait3A_103 : memref<1x128xi32, #tpu.memory_space<vmem>> -> memref<128xi32, #tpu.memory_space<vmem>>
    %dma_wait3A_105 = arith.constant 0 : i32
    %dma_wait3A_106 = arith.constant 0 : i32
    %dma_wait3A_107 = tpu.memref_slice %arg2[%dma_wait3A_105, %dma_wait3A_106] : memref<10240x128xf32, #tpu.memory_space<hbm>> -> memref<10240x128xf32, #tpu.memory_space<hbm>>
    %dma_wait3A_108 = tpu.memref_slice %arg10[%rem3A_97] : memref<2x!tpu.dma_semaphore, #tpu.memory_space<semaphore_mem>> -> memref<1x!tpu.dma_semaphore, #tpu.memory_space<semaphore_mem>>
    %dma_wait3A_109 = tpu.memref_squeeze %dma_wait3A_108 : memref<1x!tpu.dma_semaphore, #tpu.memory_space<semaphore_mem>> -> memref<!tpu.dma_semaphore, #tpu.memory_space<semaphore_mem>>
    tpu.wait_indirect_dma semaphore(%dma_wait3A_109 : memref<!tpu.dma_semaphore, #tpu.memory_space<semaphore_mem>>) src(%dma_wait3A_107 : memref<10240x128xf32, #tpu.memory_space<hbm>>) dst(%dma_wait3A_101 : memref<128x128xf32, #tpu.memory_space<vmem>>)
    %rem3A_110 = arith.constant 78 : i32
    %rem3A_111 = arith.constant 2 : i32
    %rem3A_112 = arith.remsi %rem3A_110, %rem3A_111 : i32
    %dma_start3A_113 = arith.constant 0 : i32
    %dma_start3A_114 = arith.constant 0 : i32
    %dma_start3A_115 = tpu.memref_slice %arg8[%rem3A_112, %dma_start3A_113, %dma_start3A_114] : memref<2x128x128xf32, #tpu.memory_space<vmem>> -> memref<1x128x128xf32, #tpu.memory_space<vmem>>
    %dma_start3A_116 = tpu.memref_squeeze %dma_start3A_115 : memref<1x128x128xf32, #tpu.memory_space<vmem>> -> memref<128x128xf32, #tpu.memory_space<vmem>>
    %dma_start3A_117 = arith.constant 0 : i32
    %dma_start3A_118 = tpu.memref_slice %arg7[%rem3A_112, %dma_start3A_117] : memref<2x128xi32, #tpu.memory_space<vmem>> -> memref<1x128xi32, #tpu.memory_space<vmem>>
    %dma_start3A_119 = tpu.memref_squeeze %dma_start3A_118 : memref<1x128xi32, #tpu.memory_space<vmem>> -> memref<128xi32, #tpu.memory_space<vmem>>
    %dma_start3A_120 = arith.constant 0 : i32
    %dma_start3A_121 = arith.constant 0 : i32
    %dma_start3A_122 = tpu.memref_slice %arg9[%dma_start3A_120, %dma_start3A_121] : memref<10240x128xf32, #tpu.memory_space<vmem_shared>> -> memref<10240x128xf32, #tpu.memory_space<vmem_shared>>
    %dma_start3A_123 = tpu.memref_slice %arg11[%rem3A_112] : memref<2x!tpu.dma_semaphore, #tpu.memory_space<semaphore_mem>> -> memref<1x!tpu.dma_semaphore, #tpu.memory_space<semaphore_mem>>
    %dma_start3A_124 = tpu.memref_squeeze %dma_start3A_123 : memref<1x!tpu.dma_semaphore, #tpu.memory_space<semaphore_mem>> -> memref<!tpu.dma_semaphore, #tpu.memory_space<semaphore_mem>>
    tpu.enqueue_indirect_dma source(%dma_start3A_116 : memref<128x128xf32, #tpu.memory_space<vmem>>) target(%dma_start3A_122 : memref<10240x128xf32, #tpu.memory_space<vmem_shared>>) offsets(%dma_start3A_119 : memref<128xi32, #tpu.memory_space<vmem>>) semaphore(%dma_start3A_124 : memref<!tpu.dma_semaphore, #tpu.memory_space<semaphore_mem>>) {add = true}
    %rem3A_125 = arith.constant 77 : i32
    %rem3A_126 = arith.constant 2 : i32
    %rem3A_127 = arith.remsi %rem3A_125, %rem3A_126 : i32
    %dma_wait3A_128 = arith.constant 0 : i32
    %dma_wait3A_129 = arith.constant 0 : i32
    %dma_wait3A_130 = tpu.memref_slice %arg8[%rem3A_127, %dma_wait3A_128, %dma_wait3A_129] : memref<2x128x128xf32, #tpu.memory_space<vmem>> -> memref<1x128x128xf32, #tpu.memory_space<vmem>>
    %dma_wait3A_131 = tpu.memref_squeeze %dma_wait3A_130 : memref<1x128x128xf32, #tpu.memory_space<vmem>> -> memref<128x128xf32, #tpu.memory_space<vmem>>
    %dma_wait3A_132 = arith.constant 0 : i32
    %dma_wait3A_133 = tpu.memref_slice %arg7[%rem3A_127, %dma_wait3A_132] : memref<2x128xi32, #tpu.memory_space<vmem>> -> memref<1x128xi32, #tpu.memory_space<vmem>>
    %dma_wait3A_134 = tpu.memref_squeeze %dma_wait3A_133 : memref<1x128xi32, #tpu.memory_space<vmem>> -> memref<128xi32, #tpu.memory_space<vmem>>
    %dma_wait3A_135 = arith.constant 0 : i32
    %dma_wait3A_136 = arith.constant 0 : i32
    %dma_wait3A_137 = tpu.memref_slice %arg9[%dma_wait3A_135, %dma_wait3A_136] : memref<10240x128xf32, #tpu.memory_space<vmem_shared>> -> memref<10240x128xf32, #tpu.memory_space<vmem_shared>>
    %dma_wait3A_138 = tpu.memref_slice %arg11[%rem3A_127] : memref<2x!tpu.dma_semaphore, #tpu.memory_space<semaphore_mem>> -> memref<1x!tpu.dma_semaphore, #tpu.memory_space<semaphore_mem>>
    %dma_wait3A_139 = tpu.memref_squeeze %dma_wait3A_138 : memref<1x!tpu.dma_semaphore, #tpu.memory_space<semaphore_mem>> -> memref<!tpu.dma_semaphore, #tpu.memory_space<semaphore_mem>>
    tpu.wait_indirect_dma semaphore(%dma_wait3A_139 : memref<!tpu.dma_semaphore, #tpu.memory_space<semaphore_mem>>) src(%dma_wait3A_131 : memref<128x128xf32, #tpu.memory_space<vmem>>) dst(%dma_wait3A_137 : memref<10240x128xf32, #tpu.memory_space<vmem_shared>>)
    %rem3A_140 = arith.constant 78 : i32
    %rem3A_141 = arith.constant 2 : i32
    %rem3A_142 = arith.remsi %rem3A_140, %rem3A_141 : i32
    %dma_wait3A_143 = arith.constant 0 : i32
    %dma_wait3A_144 = arith.constant 0 : i32
    %dma_wait3A_145 = tpu.memref_slice %arg8[%rem3A_142, %dma_wait3A_143, %dma_wait3A_144] : memref<2x128x128xf32, #tpu.memory_space<vmem>> -> memref<1x128x128xf32, #tpu.memory_space<vmem>>
    %dma_wait3A_146 = tpu.memref_squeeze %dma_wait3A_145 : memref<1x128x128xf32, #tpu.memory_space<vmem>> -> memref<128x128xf32, #tpu.memory_space<vmem>>
    %dma_wait3A_147 = arith.constant 0 : i32
    %dma_wait3A_148 = tpu.memref_slice %arg7[%rem3A_142, %dma_wait3A_147] : memref<2x128xi32, #tpu.memory_space<vmem>> -> memref<1x128xi32, #tpu.memory_space<vmem>>
    %dma_wait3A_149 = tpu.memref_squeeze %dma_wait3A_148 : memref<1x128xi32, #tpu.memory_space<vmem>> -> memref<128xi32, #tpu.memory_space<vmem>>
    %dma_wait3A_150 = arith.constant 0 : i32
    %dma_wait3A_151 = arith.constant 0 : i32
    %dma_wait3A_152 = tpu.memref_slice %arg9[%dma_wait3A_150, %dma_wait3A_151] : memref<10240x128xf32, #tpu.memory_space<vmem_shared>> -> memref<10240x128xf32, #tpu.memory_space<vmem_shared>>
    %dma_wait3A_153 = tpu.memref_slice %arg11[%rem3A_142] : memref<2x!tpu.dma_semaphore, #tpu.memory_space<semaphore_mem>> -> memref<1x!tpu.dma_semaphore, #tpu.memory_space<semaphore_mem>>
    %dma_wait3A_154 = tpu.memref_squeeze %dma_wait3A_153 : memref<1x!tpu.dma_semaphore, #tpu.memory_space<semaphore_mem>> -> memref<!tpu.dma_semaphore, #tpu.memory_space<semaphore_mem>>
    tpu.wait_indirect_dma semaphore(%dma_wait3A_154 : memref<!tpu.dma_semaphore, #tpu.memory_space<semaphore_mem>>) src(%dma_wait3A_146 : memref<128x128xf32, #tpu.memory_space<vmem>>) dst(%dma_wait3A_152 : memref<10240x128xf32, #tpu.memory_space<vmem_shared>>)
    %barrier3A_155 = arith.constant 0 : index
    tpu.barrier barrier_id(%barrier3A_155)
    %mul3A_156 = arith.constant 640 : i32
    %mul3A_157 = arith.muli %arg1, %mul3A_156 : i32
    "tpu.region"() ({
      %run_scoped3A = tpu.sem_alloc : memref<!tpu.dma_semaphore, #tpu.memory_space<semaphore_mem>>
      %dma_start3A_158 = arith.constant 0 : i32
      %dma_start3A_159 = arith.constant 0 : i32
      %dma_start3A_160 = tpu.memref_slice %arg4[%arg0, %arg1, %dma_start3A_158, %dma_start3A_159] : memref<2x16x640x128xf32, #tpu.memory_space<hbm>> -> memref<1x1x640x128xf32, #tpu.memory_space<hbm>>
      %dma_start3A_161 = tpu.memref_squeeze %dma_start3A_160 : memref<1x1x640x128xf32, #tpu.memory_space<hbm>> -> memref<640x128xf32, #tpu.memory_space<hbm>>
      %dma_start3A_162 = arith.constant 0 : i32
      %dma_start3A_163 = tpu.memref_slice %arg9[%mul3A_157, %dma_start3A_162] : memref<10240x128xf32, #tpu.memory_space<vmem_shared>> -> memref<640x128xf32, #tpu.memory_space<vmem_shared>>
      tpu.enqueue_dma source(%dma_start3A_163 : memref<640x128xf32, #tpu.memory_space<vmem_shared>>) target(%dma_start3A_161 : memref<640x128xf32, #tpu.memory_space<hbm>>) target_semaphore(%run_scoped3A : memref<!tpu.dma_semaphore, #tpu.memory_space<semaphore_mem>>)
      %dma_wait3A_164 = arith.constant 0 : i32
      %dma_wait3A_165 = arith.constant 0 : i32
      %dma_wait3A_166 = tpu.memref_slice %arg4[%arg0, %arg1, %dma_wait3A_164, %dma_wait3A_165] : memref<2x16x640x128xf32, #tpu.memory_space<hbm>> -> memref<1x1x640x128xf32, #tpu.memory_space<hbm>>
      %dma_wait3A_167 = tpu.memref_squeeze %dma_wait3A_166 : memref<1x1x640x128xf32, #tpu.memory_space<hbm>> -> memref<640x128xf32, #tpu.memory_space<hbm>>
      %dma_wait3A_168 = arith.constant 0 : i32
      %dma_wait3A_169 = tpu.memref_slice %arg9[%mul3A_157, %dma_wait3A_168] : memref<10240x128xf32, #tpu.memory_space<vmem_shared>> -> memref<640x128xf32, #tpu.memory_space<vmem_shared>>
      tpu.wait_dma2 semaphore(%run_scoped3A : memref<!tpu.dma_semaphore, #tpu.memory_space<semaphore_mem>>) src(%dma_wait3A_169 : memref<640x128xf32, #tpu.memory_space<vmem_shared>>) dst(%dma_wait3A_167 : memref<640x128xf32, #tpu.memory_space<hbm>>)
      tpu.yield
    }) : () -> ()
    return
  }
}

module attributes {stable_mosaic.version = 14 : i64} {
  func.func @_tc_prea_body(%arg0: memref<10000x128xf32, #tpu.memory_space<vmem>>, %arg1: memref<128x128xf32, #tpu.memory_space<vmem>>, %arg2: memref<128xf32, #tpu.memory_space<vmem>>, %arg3: memref<128x128xf32, #tpu.memory_space<vmem>>, %arg4: memref<10240x128xf32, #tpu.memory_space<vmem>>) attributes {dimension_semantics = [], scalar_prefetch = 0 : i64, scratch_operands = 0 : i64, tpu.core_type = #tpu.core_type<tc>} {
    %get3A = arith.constant 0 : index
    %get3A_0 = arith.constant 0 : index
    %get3A_1 = vector.load %arg0[%get3A, %get3A_0] : memref<10000x128xf32, #tpu.memory_space<vmem>>, vector<10000x128xf32>
    %get3A_2 = arith.constant 0 : index
    %get3A_3 = arith.constant 0 : index
    %get3A_4 = vector.load %arg1[%get3A_2, %get3A_3] : memref<128x128xf32, #tpu.memory_space<vmem>>, vector<128x128xf32>
    %dot_general3A = arith.constant dense<0.000000e+00> : vector<10000x128xf32>
    %dot_general3A_5 = tpu.matmul %get3A_1, %get3A_4, %dot_general3A {dimension_numbers = #tpu.dot_dimension_numbers<[1], [0], [0], [1], [0, 0, 1, 1], [], []>, transpose_lhs_hint = false} : vector<10000x128xf32>, vector<128x128xf32>, vector<10000x128xf32> -> vector<10000x128xf32>
    %get3A_6 = arith.constant 0 : index
    %get3A_7 = vector.load %arg2[%get3A_6] : memref<128xf32, #tpu.memory_space<vmem>>, vector<128xf32>
    %broadcast_in_dim3A = vector.shape_cast %get3A_7 : vector<128xf32> to vector<1x128xf32>
    %add3A = vector.broadcast %broadcast_in_dim3A : vector<1x128xf32> to vector<10000x128xf32>
    %add3A_8 = arith.addf %dot_general3A_5, %add3A : vector<10000x128xf32>
    %get3A_9 = arith.constant 0 : index
    %get3A_10 = arith.constant 0 : index
    %get3A_11 = vector.load %arg3[%get3A_9, %get3A_10] : memref<128x128xf32, #tpu.memory_space<vmem>>, vector<128x128xf32>
    %dot_general3A_12 = arith.constant dense<0.000000e+00> : vector<10000x128xf32>
    %dot_general3A_13 = tpu.matmul %add3A_8, %get3A_11, %dot_general3A_12 {dimension_numbers = #tpu.dot_dimension_numbers<[1], [0], [0], [1], [0, 0, 1, 1], [], []>, transpose_lhs_hint = false} : vector<10000x128xf32>, vector<128x128xf32>, vector<10000x128xf32> -> vector<10000x128xf32>
    %swap3A = arith.constant 0 : index
    %swap3A_14 = arith.constant 0 : index
    %swap3A_15 = vector.load %arg4[%swap3A, %swap3A_14] : memref<10240x128xf32, #tpu.memory_space<vmem>>, vector<10000x128xf32>
    tpu.vector_store %arg4[%swap3A, %swap3A_14], %dot_general3A_13 {strides = array<i32>} : memref<10240x128xf32, #tpu.memory_space<vmem>>, vector<10000x128xf32>,
    %broadcast_in_dim3A_16 = arith.constant 0.000000e+00 : f32
    %broadcast_in_dim3A_17 = vector.broadcast %broadcast_in_dim3A_16 : f32 to vector<240x128xf32>
    %swap3A_18 = arith.constant 10000 : index
    %swap3A_19 = arith.constant 0 : index
    %swap3A_20 = vector.load %arg4[%swap3A_18, %swap3A_19] : memref<10240x128xf32, #tpu.memory_space<vmem>>, vector<240x128xf32>
    tpu.vector_store %arg4[%swap3A_18, %swap3A_19], %broadcast_in_dim3A_17 {strides = array<i32>} : memref<10240x128xf32, #tpu.memory_space<vmem>>, vector<240x128xf32>,
    return
  }
}

module attributes {stable_mosaic.version = 14 : i64} {
  func.func @_tc_preb_body(%arg0: memref<10240x128xf32, #tpu.memory_space<vmem>>, %arg1: memref<2x80x128xf32, #tpu.memory_space<vmem>>, %arg2: memref<10240x128xf32, #tpu.memory_space<vmem>>, %arg3: memref<80x128xf32, #tpu.memory_space<vmem>>) attributes {dimension_semantics = [], scalar_prefetch = 0 : i64, scratch_operands = 0 : i64, tpu.core_type = #tpu.core_type<tc>} {
    %get3A = arith.constant 0 : index
    %get3A_0 = arith.constant 0 : index
    %get3A_1 = arith.constant 0 : index
    %get3A_2 = vector.load %arg1[%get3A, %get3A_0, %get3A_1] : memref<2x80x128xf32, #tpu.memory_space<vmem>>, vector<1x80x128xf32>
    %get3A_3 = vector.shape_cast %get3A_2 : vector<1x80x128xf32> to vector<80x128xf32>
    %get3A_4 = arith.constant 1 : index
    %get3A_5 = arith.constant 0 : index
    %get3A_6 = arith.constant 0 : index
    %get3A_7 = vector.load %arg1[%get3A_4, %get3A_5, %get3A_6] : memref<2x80x128xf32, #tpu.memory_space<vmem>>, vector<1x80x128xf32>
    %get3A_8 = vector.shape_cast %get3A_7 : vector<1x80x128xf32> to vector<80x128xf32>
    %add3A = arith.addf %get3A_3, %get3A_8 : vector<80x128xf32>
    %add3A_9 = arith.constant 1.000000e+00 : f32
    %add3A_10 = vector.broadcast %add3A_9 : f32 to vector<80x128xf32>
    %add3A_11 = arith.addf %add3A, %add3A_10 : vector<80x128xf32>
    %rsqrt3A = math.rsqrt %add3A_11 : vector<80x128xf32>
    %iota3A = tpu.iota {dimensions = array<i32: 0>} : vector<80x128xi32>
    %mul3A = arith.constant 128 : i32
    %mul3A_12 = vector.broadcast %mul3A : i32 to vector<80x128xi32>
    %mul3A_13 = arith.muli %iota3A, %mul3A_12 : vector<80x128xi32>
    %iota3A_14 = tpu.iota {dimensions = array<i32: 1>} : vector<80x128xi32>
    %add3A_15 = arith.addi %mul3A_13, %iota3A_14 : vector<80x128xi32>
    %lt3A = arith.constant 10000 : i32
    %lt3A_16 = vector.broadcast %lt3A : i32 to vector<80x128xi32>
    %lt3A_17 = arith.cmpi slt, %add3A_15, %lt3A_16 : vector<80x128xi32>
    %jit3A = arith.constant 1.000000e+00 : f32
    %jit3A_18 = arith.constant 0.000000e+00 : f32
    %broadcast_in_dim3A = vector.broadcast %jit3A : f32 to vector<80x128xf32>
    %broadcast_in_dim3A_19 = vector.broadcast %jit3A_18 : f32 to vector<80x128xf32>
    %select_n3A = arith.select %lt3A_17, %broadcast_in_dim3A, %broadcast_in_dim3A_19 : vector<80x128xi1>, vector<80x128xf32>
    %mul3A_20 = arith.mulf %rsqrt3A, %select_n3A : vector<80x128xf32>
    %swap3A = arith.constant 0 : index
    %swap3A_21 = arith.constant 0 : index
    %swap3A_22 = vector.load %arg3[%swap3A, %swap3A_21] : memref<80x128xf32, #tpu.memory_space<vmem>>, vector<80x128xf32>
    tpu.vector_store %arg3[%swap3A, %swap3A_21], %mul3A_20 {strides = array<i32>} : memref<80x128xf32, #tpu.memory_space<vmem>>, vector<80x128xf32>,
    %get3A_23 = arith.constant 0 : index
    %get3A_24 = arith.constant 0 : index
    %get3A_25 = vector.load %arg0[%get3A_23, %get3A_24] : memref<10240x128xf32, #tpu.memory_space<vmem>>, vector<10240x128xf32>
    %reshape3A = vector.shape_cast %get3A_25 : vector<10240x128xf32> to vector<80x128x128xf32>
    %broadcast_in_dim3A_26 = vector.shape_cast %mul3A_20 : vector<80x128xf32> to vector<80x128x1xf32>
    %mul3A_27 = vector.broadcast %broadcast_in_dim3A_26 : vector<80x128x1xf32> to vector<80x128x128xf32>
    %mul3A_28 = arith.mulf %reshape3A, %mul3A_27 : vector<80x128x128xf32>
    %reshape3A_29 = vector.shape_cast %mul3A_28 : vector<80x128x128xf32> to vector<10240x128xf32>
    %swap3A_30 = arith.constant 0 : index
    %swap3A_31 = arith.constant 0 : index
    %swap3A_32 = vector.load %arg2[%swap3A_30, %swap3A_31] : memref<10240x128xf32, #tpu.memory_space<vmem>>, vector<10240x128xf32>
    tpu.vector_store %arg2[%swap3A_30, %swap3A_31], %reshape3A_29 {strides = array<i32>} : memref<10240x128xf32, #tpu.memory_space<vmem>>, vector<10240x128xf32>,
    return
  }
}

module attributes {stable_mosaic.version = 14 : i64} {
  func.func @_tc_mid_body(%arg0: memref<2x10240x128xf32, #tpu.memory_space<vmem>>, %arg1: memref<10240x128xf32, #tpu.memory_space<vmem>>, %arg2: memref<80x128xf32, #tpu.memory_space<vmem>>, %arg3: memref<128xf32, #tpu.memory_space<vmem>>, %arg4: memref<128x8xf32, #tpu.memory_space<vmem>>, %arg5: memref<8xf32, #tpu.memory_space<vmem>>, %arg6: memref<8x128xf32, #tpu.memory_space<vmem>>, %arg7: memref<8x128xf32, #tpu.memory_space<vmem>>, %arg8: memref<128x128xf32, #tpu.memory_space<vmem>>, %arg9: memref<10240x128xf32, #tpu.memory_space<vmem>>) attributes {dimension_semantics = [], scalar_prefetch = 0 : i64, scratch_operands = 0 : i64, tpu.core_type = #tpu.core_type<tc>} {
    %get3A = arith.constant 0 : index
    %get3A_0 = arith.constant 0 : index
    %get3A_1 = vector.load %arg2[%get3A, %get3A_0] : memref<80x128xf32, #tpu.memory_space<vmem>>, vector<80x128xf32>
    %get3A_2 = arith.constant 0 : index
    %get3A_3 = vector.load %arg3[%get3A_2] : memref<128xf32, #tpu.memory_space<vmem>>, vector<128xf32>
    %get3A_4 = arith.constant 0 : index
    %get3A_5 = arith.constant 0 : index
    %get3A_6 = arith.constant 0 : index
    %get3A_7 = vector.load %arg0[%get3A_4, %get3A_5, %get3A_6] : memref<2x10240x128xf32, #tpu.memory_space<vmem>>, vector<1x10240x128xf32>
    %get3A_8 = vector.shape_cast %get3A_7 : vector<1x10240x128xf32> to vector<10240x128xf32>
    %get3A_9 = arith.constant 1 : index
    %get3A_10 = arith.constant 0 : index
    %get3A_11 = arith.constant 0 : index
    %get3A_12 = vector.load %arg0[%get3A_9, %get3A_10, %get3A_11] : memref<2x10240x128xf32, #tpu.memory_space<vmem>>, vector<1x10240x128xf32>
    %get3A_13 = vector.shape_cast %get3A_12 : vector<1x10240x128xf32> to vector<10240x128xf32>
    %add3A = arith.addf %get3A_8, %get3A_13 : vector<10240x128xf32>
    %get3A_14 = arith.constant 0 : index
    %get3A_15 = arith.constant 0 : index
    %get3A_16 = vector.load %arg1[%get3A_14, %get3A_15] : memref<10240x128xf32, #tpu.memory_space<vmem>>, vector<10240x128xf32>
    %add3A_17 = arith.addf %add3A, %get3A_16 : vector<10240x128xf32>
    %reshape3A = vector.shape_cast %add3A_17 : vector<10240x128xf32> to vector<80x128x128xf32>
    %broadcast_in_dim3A = vector.shape_cast %get3A_1 : vector<80x128xf32> to vector<80x128x1xf32>
    %mul3A = vector.broadcast %broadcast_in_dim3A : vector<80x128x1xf32> to vector<80x128x128xf32>
    %mul3A_18 = arith.mulf %reshape3A, %mul3A : vector<80x128x128xf32>
    %iota3A = tpu.iota {dimensions = array<i32: 0>} : vector<80x128xi32>
    %mul3A_19 = arith.constant 128 : i32
    %mul3A_20 = vector.broadcast %mul3A_19 : i32 to vector<80x128xi32>
    %mul3A_21 = arith.muli %iota3A, %mul3A_20 : vector<80x128xi32>
    %iota3A_22 = tpu.iota {dimensions = array<i32: 1>} : vector<80x128xi32>
    %add3A_23 = arith.addi %mul3A_21, %iota3A_22 : vector<80x128xi32>
    %lt3A = arith.constant 10000 : i32
    %lt3A_24 = vector.broadcast %lt3A : i32 to vector<80x128xi32>
    %lt3A_25 = arith.cmpi slt, %add3A_23, %lt3A_24 : vector<80x128xi32>
    %jit3A = arith.constant 1.000000e+00 : f32
    %jit3A_26 = arith.constant 0.000000e+00 : f32
    %broadcast_in_dim3A_27 = vector.broadcast %jit3A : f32 to vector<80x128xf32>
    %broadcast_in_dim3A_28 = vector.broadcast %jit3A_26 : f32 to vector<80x128xf32>
    %select_n3A = arith.select %lt3A_25, %broadcast_in_dim3A_27, %broadcast_in_dim3A_28 : vector<80x128xi1>, vector<80x128xf32>
    %broadcast_in_dim3A_29 = vector.shape_cast %select_n3A : vector<80x128xf32> to vector<80x128x1xf32>
    %broadcast_in_dim3A_30 = vector.shape_cast %get3A_3 : vector<128xf32> to vector<1x1x128xf32>
    %mul3A_31 = vector.broadcast %broadcast_in_dim3A_29 : vector<80x128x1xf32> to vector<80x128x128xf32>
    %mul3A_32 = vector.broadcast %broadcast_in_dim3A_30 : vector<1x1x128xf32> to vector<80x128x128xf32>
    %mul3A_33 = arith.mulf %mul3A_31, %mul3A_32 : vector<80x128x128xf32>
    %add3A_34 = arith.addf %mul3A_18, %mul3A_33 : vector<80x128x128xf32>
    %reshape3A_35 = vector.shape_cast %add3A_34 : vector<80x128x128xf32> to vector<10240x128xf32>
    %get3A_36 = arith.constant 0 : index
    %get3A_37 = arith.constant 0 : index
    %get3A_38 = vector.load %arg4[%get3A_36, %get3A_37] : memref<128x8xf32, #tpu.memory_space<vmem>>, vector<128x8xf32>
    %get3A_39 = arith.constant 0 : index
    %get3A_40 = vector.load %arg5[%get3A_39] : memref<8xf32, #tpu.memory_space<vmem>>, vector<8xf32>
    %get3A_41 = arith.constant 0 : index
    %get3A_42 = arith.constant 0 : index
    %get3A_43 = vector.load %arg6[%get3A_41, %get3A_42] : memref<8x128xf32, #tpu.memory_space<vmem>>, vector<8x128xf32>
    %get3A_44 = arith.constant 0 : index
    %get3A_45 = arith.constant 0 : index
    %get3A_46 = vector.load %arg7[%get3A_44, %get3A_45] : memref<8x128xf32, #tpu.memory_space<vmem>>, vector<8x128xf32>
    %dot_general3A = arith.constant dense<0.000000e+00> : vector<10240x8xf32>
    %dot_general3A_47 = tpu.matmul %reshape3A_35, %get3A_38, %dot_general3A {dimension_numbers = #tpu.dot_dimension_numbers<[1], [0], [0], [1], [0, 0, 1, 1], [], []>, transpose_lhs_hint = false} : vector<10240x128xf32>, vector<128x8xf32>, vector<10240x8xf32> -> vector<10240x8xf32>
    %broadcast_in_dim3A_48 = vector.shape_cast %get3A_40 : vector<8xf32> to vector<1x8xf32>
    %add3A_49 = vector.broadcast %broadcast_in_dim3A_48 : vector<1x8xf32> to vector<10240x8xf32>
    %add3A_50 = arith.addf %dot_general3A_47, %add3A_49 : vector<10240x8xf32>
    %reduce_max3A = arith.constant dense<0xFF800000> : vector<10240xf32>
    %reduce_max3A_51 = vector.multi_reduction <maximumf>, %add3A_50, %reduce_max3A [1] : vector<10240x8xf32> to vector<10240xf32>
    %max3A = arith.constant 0xFF800000 : f32
    %max3A_52 = vector.broadcast %max3A : f32 to vector<10240xf32>
    %max3A_53 = arith.maximumf %max3A_52, %reduce_max3A_51 : vector<10240xf32>
    %broadcast_in_dim3A_54 = vector.shape_cast %max3A_53 : vector<10240xf32> to vector<10240x1xf32>
    %sub3A = vector.broadcast %broadcast_in_dim3A_54 : vector<10240x1xf32> to vector<10240x8xf32>
    %sub3A_55 = arith.subf %add3A_50, %sub3A : vector<10240x8xf32>
    %exp3A = math.exp %sub3A_55 : vector<10240x8xf32>
    %reduce_sum3A = arith.constant dense<0.000000e+00> : vector<10240xf32>
    %reduce_sum3A_56 = vector.multi_reduction <add>, %exp3A, %reduce_sum3A [1] : vector<10240x8xf32> to vector<10240xf32>
    %broadcast_in_dim3A_57 = vector.shape_cast %reduce_sum3A_56 : vector<10240xf32> to vector<10240x1xf32>
    %div3A = vector.broadcast %broadcast_in_dim3A_57 : vector<10240x1xf32> to vector<10240x8xf32>
    %div3A_58 = arith.divf %exp3A, %div3A : vector<10240x8xf32>
    %dot_general3A_59 = arith.constant dense<0.000000e+00> : vector<8x128xf32>
    %dot_general3A_60 = tpu.matmul %div3A_58, %reshape3A_35, %dot_general3A_59 {dimension_numbers = #tpu.dot_dimension_numbers<[0], [0], [1], [1], [0, 1, 1, 1], [], []>, transpose_lhs_hint = false} : vector<10240x8xf32>, vector<10240x128xf32>, vector<8x128xf32> -> vector<8x128xf32>
    %div3A_61 = arith.constant 1.000000e+04 : f32
    %div3A_62 = vector.broadcast %div3A_61 : f32 to vector<8x128xf32>
    %div3A_63 = arith.divf %dot_general3A_60, %div3A_62 : vector<8x128xf32>
    %mul3A_64 = arith.mulf %div3A_58, %div3A_58 : vector<10240x8xf32>
    %mul3A_65 = arith.mulf %reshape3A_35, %reshape3A_35 : vector<10240x128xf32>
    %dot_general3A_66 = arith.constant dense<0.000000e+00> : vector<8x128xf32>
    %dot_general3A_67 = tpu.matmul %mul3A_64, %mul3A_65, %dot_general3A_66 {dimension_numbers = #tpu.dot_dimension_numbers<[0], [0], [1], [1], [0, 1, 1, 1], [], []>, transpose_lhs_hint = false} : vector<10240x8xf32>, vector<10240x128xf32>, vector<8x128xf32> -> vector<8x128xf32>
    %div3A_68 = arith.constant 1.000000e+04 : f32
    %div3A_69 = vector.broadcast %div3A_68 : f32 to vector<8x128xf32>
    %div3A_70 = arith.divf %dot_general3A_67, %div3A_69 : vector<8x128xf32>
    %mul3A_71 = arith.mulf %div3A_63, %div3A_63 : vector<8x128xf32>
    %sub3A_72 = arith.subf %div3A_70, %mul3A_71 : vector<8x128xf32>
    %add3A_73 = arith.constant 9.99999974E-6 : f32
    %add3A_74 = vector.broadcast %add3A_73 : f32 to vector<8x128xf32>
    %add3A_75 = arith.addf %sub3A_72, %add3A_74 : vector<8x128xf32>
    %rsqrt3A = math.rsqrt %add3A_75 : vector<8x128xf32>
    %mul3A_76 = arith.mulf %get3A_43, %rsqrt3A : vector<8x128xf32>
    %mul3A_77 = arith.mulf %div3A_63, %mul3A_76 : vector<8x128xf32>
    %sub3A_78 = arith.subf %mul3A_77, %get3A_46 : vector<8x128xf32>
    %reduce_sum3A_79 = arith.constant dense<0.000000e+00> : vector<128xf32>
    %reduce_sum3A_80 = vector.multi_reduction <add>, %sub3A_78, %reduce_sum3A_79 [0] : vector<8x128xf32> to vector<128xf32>
    %broadcast_in_dim3A_81 = vector.shape_cast %reduce_sum3A_80 : vector<128xf32> to vector<1x128xf32>
    %dot_general3A_82 = arith.constant dense<0.000000e+00> : vector<10240x128xf32>
    %dot_general3A_83 = tpu.matmul %div3A_58, %mul3A_76, %dot_general3A_82 {dimension_numbers = #tpu.dot_dimension_numbers<[1], [0], [0], [1], [0, 0, 1, 1], [], []>, transpose_lhs_hint = false} : vector<10240x8xf32>, vector<8x128xf32>, vector<10240x128xf32> -> vector<10240x128xf32>
    %mul3A_84 = arith.mulf %reshape3A_35, %dot_general3A_83 : vector<10240x128xf32>
    %sub3A_85 = vector.broadcast %broadcast_in_dim3A_81 : vector<1x128xf32> to vector<10240x128xf32>
    %sub3A_86 = arith.subf %mul3A_84, %sub3A_85 : vector<10240x128xf32>
    %mul3A_87 = arith.constant 0.00999999977 : f32
    %mul3A_88 = vector.broadcast %mul3A_87 : f32 to vector<10240x128xf32>
    %mul3A_89 = arith.mulf %mul3A_88, %sub3A_86 : vector<10240x128xf32>
    %add3A_90 = arith.addf %reshape3A_35, %mul3A_89 : vector<10240x128xf32>
    %max3A_91 = arith.constant 0.000000e+00 : f32
    %max3A_92 = vector.broadcast %max3A_91 : f32 to vector<10240x128xf32>
    %max3A_93 = arith.maximumf %add3A_90, %max3A_92 : vector<10240x128xf32>
    %get3A_94 = arith.constant 0 : index
    %get3A_95 = arith.constant 0 : index
    %get3A_96 = vector.load %arg8[%get3A_94, %get3A_95] : memref<128x128xf32, #tpu.memory_space<vmem>>, vector<128x128xf32>
    %dot_general3A_97 = arith.constant dense<0.000000e+00> : vector<10240x128xf32>
    %dot_general3A_98 = tpu.matmul %max3A_93, %get3A_96, %dot_general3A_97 {dimension_numbers = #tpu.dot_dimension_numbers<[1], [0], [0], [1], [0, 0, 1, 1], [], []>, transpose_lhs_hint = false} : vector<10240x128xf32>, vector<128x128xf32>, vector<10240x128xf32> -> vector<10240x128xf32>
    %reshape3A_99 = vector.shape_cast %dot_general3A_98 : vector<10240x128xf32> to vector<80x128x128xf32>
    %broadcast_in_dim3A_100 = vector.shape_cast %get3A_1 : vector<80x128xf32> to vector<80x128x1xf32>
    %mul3A_101 = vector.broadcast %broadcast_in_dim3A_100 : vector<80x128x1xf32> to vector<80x128x128xf32>
    %mul3A_102 = arith.mulf %reshape3A_99, %mul3A_101 : vector<80x128x128xf32>
    %reshape3A_103 = vector.shape_cast %mul3A_102 : vector<80x128x128xf32> to vector<10240x128xf32>
    %swap3A = arith.constant 0 : index
    %swap3A_104 = arith.constant 0 : index
    %swap3A_105 = vector.load %arg9[%swap3A, %swap3A_104] : memref<10240x128xf32, #tpu.memory_space<vmem>>, vector<10240x128xf32>
    tpu.vector_store %arg9[%swap3A, %swap3A_104], %reshape3A_103 {strides = array<i32>} : memref<10240x128xf32, #tpu.memory_space<vmem>>, vector<10240x128xf32>,
    return
  }
}

module attributes {stable_mosaic.version = 14 : i64} {
  func.func @_tc_post_body(%arg0: memref<2x10240x128xf32, #tpu.memory_space<vmem>>, %arg1: memref<10240x128xf32, #tpu.memory_space<vmem>>, %arg2: memref<80x128xf32, #tpu.memory_space<vmem>>, %arg3: memref<128xf32, #tpu.memory_space<vmem>>, %arg4: memref<128x8xf32, #tpu.memory_space<vmem>>, %arg5: memref<8xf32, #tpu.memory_space<vmem>>, %arg6: memref<8x128xf32, #tpu.memory_space<vmem>>, %arg7: memref<8x128xf32, #tpu.memory_space<vmem>>, %arg8: memref<128x128xf32, #tpu.memory_space<vmem>>, %arg9: memref<128xf32, #tpu.memory_space<vmem>>, %arg10: memref<128x128xf32, #tpu.memory_space<vmem>>, %arg11: memref<128xf32, #tpu.memory_space<vmem>>, %arg12: memref<10000x128xf32, #tpu.memory_space<vmem>>) attributes {dimension_semantics = [], scalar_prefetch = 0 : i64, scratch_operands = 0 : i64, tpu.core_type = #tpu.core_type<tc>} {
    %get3A = arith.constant 0 : index
    %get3A_0 = arith.constant 0 : index
    %get3A_1 = vector.load %arg2[%get3A, %get3A_0] : memref<80x128xf32, #tpu.memory_space<vmem>>, vector<80x128xf32>
    %get3A_2 = arith.constant 0 : index
    %get3A_3 = vector.load %arg3[%get3A_2] : memref<128xf32, #tpu.memory_space<vmem>>, vector<128xf32>
    %get3A_4 = arith.constant 0 : index
    %get3A_5 = arith.constant 0 : index
    %get3A_6 = arith.constant 0 : index
    %get3A_7 = vector.load %arg0[%get3A_4, %get3A_5, %get3A_6] : memref<2x10240x128xf32, #tpu.memory_space<vmem>>, vector<1x10240x128xf32>
    %get3A_8 = vector.shape_cast %get3A_7 : vector<1x10240x128xf32> to vector<10240x128xf32>
    %get3A_9 = arith.constant 1 : index
    %get3A_10 = arith.constant 0 : index
    %get3A_11 = arith.constant 0 : index
    %get3A_12 = vector.load %arg0[%get3A_9, %get3A_10, %get3A_11] : memref<2x10240x128xf32, #tpu.memory_space<vmem>>, vector<1x10240x128xf32>
    %get3A_13 = vector.shape_cast %get3A_12 : vector<1x10240x128xf32> to vector<10240x128xf32>
    %add3A = arith.addf %get3A_8, %get3A_13 : vector<10240x128xf32>
    %get3A_14 = arith.constant 0 : index
    %get3A_15 = arith.constant 0 : index
    %get3A_16 = vector.load %arg1[%get3A_14, %get3A_15] : memref<10240x128xf32, #tpu.memory_space<vmem>>, vector<10240x128xf32>
    %add3A_17 = arith.addf %add3A, %get3A_16 : vector<10240x128xf32>
    %reshape3A = vector.shape_cast %add3A_17 : vector<10240x128xf32> to vector<80x128x128xf32>
    %broadcast_in_dim3A = vector.shape_cast %get3A_1 : vector<80x128xf32> to vector<80x128x1xf32>
    %mul3A = vector.broadcast %broadcast_in_dim3A : vector<80x128x1xf32> to vector<80x128x128xf32>
    %mul3A_18 = arith.mulf %reshape3A, %mul3A : vector<80x128x128xf32>
    %iota3A = tpu.iota {dimensions = array<i32: 0>} : vector<80x128xi32>
    %mul3A_19 = arith.constant 128 : i32
    %mul3A_20 = vector.broadcast %mul3A_19 : i32 to vector<80x128xi32>
    %mul3A_21 = arith.muli %iota3A, %mul3A_20 : vector<80x128xi32>
    %iota3A_22 = tpu.iota {dimensions = array<i32: 1>} : vector<80x128xi32>
    %add3A_23 = arith.addi %mul3A_21, %iota3A_22 : vector<80x128xi32>
    %lt3A = arith.constant 10000 : i32
    %lt3A_24 = vector.broadcast %lt3A : i32 to vector<80x128xi32>
    %lt3A_25 = arith.cmpi slt, %add3A_23, %lt3A_24 : vector<80x128xi32>
    %jit3A = arith.constant 1.000000e+00 : f32
    %jit3A_26 = arith.constant 0.000000e+00 : f32
    %broadcast_in_dim3A_27 = vector.broadcast %jit3A : f32 to vector<80x128xf32>
    %broadcast_in_dim3A_28 = vector.broadcast %jit3A_26 : f32 to vector<80x128xf32>
    %select_n3A = arith.select %lt3A_25, %broadcast_in_dim3A_27, %broadcast_in_dim3A_28 : vector<80x128xi1>, vector<80x128xf32>
    %broadcast_in_dim3A_29 = vector.shape_cast %select_n3A : vector<80x128xf32> to vector<80x128x1xf32>
    %broadcast_in_dim3A_30 = vector.shape_cast %get3A_3 : vector<128xf32> to vector<1x1x128xf32>
    %mul3A_31 = vector.broadcast %broadcast_in_dim3A_29 : vector<80x128x1xf32> to vector<80x128x128xf32>
    %mul3A_32 = vector.broadcast %broadcast_in_dim3A_30 : vector<1x1x128xf32> to vector<80x128x128xf32>
    %mul3A_33 = arith.mulf %mul3A_31, %mul3A_32 : vector<80x128x128xf32>
    %add3A_34 = arith.addf %mul3A_18, %mul3A_33 : vector<80x128x128xf32>
    %reshape3A_35 = vector.shape_cast %add3A_34 : vector<80x128x128xf32> to vector<10240x128xf32>
    %get3A_36 = arith.constant 0 : index
    %get3A_37 = arith.constant 0 : index
    %get3A_38 = vector.load %arg4[%get3A_36, %get3A_37] : memref<128x8xf32, #tpu.memory_space<vmem>>, vector<128x8xf32>
    %get3A_39 = arith.constant 0 : index
    %get3A_40 = vector.load %arg5[%get3A_39] : memref<8xf32, #tpu.memory_space<vmem>>, vector<8xf32>
    %get3A_41 = arith.constant 0 : index
    %get3A_42 = arith.constant 0 : index
    %get3A_43 = vector.load %arg6[%get3A_41, %get3A_42] : memref<8x128xf32, #tpu.memory_space<vmem>>, vector<8x128xf32>
    %get3A_44 = arith.constant 0 : index
    %get3A_45 = arith.constant 0 : index
    %get3A_46 = vector.load %arg7[%get3A_44, %get3A_45] : memref<8x128xf32, #tpu.memory_space<vmem>>, vector<8x128xf32>
    %dot_general3A = arith.constant dense<0.000000e+00> : vector<10240x8xf32>
    %dot_general3A_47 = tpu.matmul %reshape3A_35, %get3A_38, %dot_general3A {dimension_numbers = #tpu.dot_dimension_numbers<[1], [0], [0], [1], [0, 0, 1, 1], [], []>, transpose_lhs_hint = false} : vector<10240x128xf32>, vector<128x8xf32>, vector<10240x8xf32> -> vector<10240x8xf32>
    %broadcast_in_dim3A_48 = vector.shape_cast %get3A_40 : vector<8xf32> to vector<1x8xf32>
    %add3A_49 = vector.broadcast %broadcast_in_dim3A_48 : vector<1x8xf32> to vector<10240x8xf32>
    %add3A_50 = arith.addf %dot_general3A_47, %add3A_49 : vector<10240x8xf32>
    %reduce_max3A = arith.constant dense<0xFF800000> : vector<10240xf32>
    %reduce_max3A_51 = vector.multi_reduction <maximumf>, %add3A_50, %reduce_max3A [1] : vector<10240x8xf32> to vector<10240xf32>
    %max3A = arith.constant 0xFF800000 : f32
    %max3A_52 = vector.broadcast %max3A : f32 to vector<10240xf32>
    %max3A_53 = arith.maximumf %max3A_52, %reduce_max3A_51 : vector<10240xf32>
    %broadcast_in_dim3A_54 = vector.shape_cast %max3A_53 : vector<10240xf32> to vector<10240x1xf32>
    %sub3A = vector.broadcast %broadcast_in_dim3A_54 : vector<10240x1xf32> to vector<10240x8xf32>
    %sub3A_55 = arith.subf %add3A_50, %sub3A : vector<10240x8xf32>
    %exp3A = math.exp %sub3A_55 : vector<10240x8xf32>
    %reduce_sum3A = arith.constant dense<0.000000e+00> : vector<10240xf32>
    %reduce_sum3A_56 = vector.multi_reduction <add>, %exp3A, %reduce_sum3A [1] : vector<10240x8xf32> to vector<10240xf32>
    %broadcast_in_dim3A_57 = vector.shape_cast %reduce_sum3A_56 : vector<10240xf32> to vector<10240x1xf32>
    %div3A = vector.broadcast %broadcast_in_dim3A_57 : vector<10240x1xf32> to vector<10240x8xf32>
    %div3A_58 = arith.divf %exp3A, %div3A : vector<10240x8xf32>
    %dot_general3A_59 = arith.constant dense<0.000000e+00> : vector<8x128xf32>
    %dot_general3A_60 = tpu.matmul %div3A_58, %reshape3A_35, %dot_general3A_59 {dimension_numbers = #tpu.dot_dimension_numbers<[0], [0], [1], [1], [0, 1, 1, 1], [], []>, transpose_lhs_hint = false} : vector<10240x8xf32>, vector<10240x128xf32>, vector<8x128xf32> -> vector<8x128xf32>
    %div3A_61 = arith.constant 1.000000e+04 : f32
    %div3A_62 = vector.broadcast %div3A_61 : f32 to vector<8x128xf32>
    %div3A_63 = arith.divf %dot_general3A_60, %div3A_62 : vector<8x128xf32>
    %mul3A_64 = arith.mulf %div3A_58, %div3A_58 : vector<10240x8xf32>
    %mul3A_65 = arith.mulf %reshape3A_35, %reshape3A_35 : vector<10240x128xf32>
    %dot_general3A_66 = arith.constant dense<0.000000e+00> : vector<8x128xf32>
    %dot_general3A_67 = tpu.matmul %mul3A_64, %mul3A_65, %dot_general3A_66 {dimension_numbers = #tpu.dot_dimension_numbers<[0], [0], [1], [1], [0, 1, 1, 1], [], []>, transpose_lhs_hint = false} : vector<10240x8xf32>, vector<10240x128xf32>, vector<8x128xf32> -> vector<8x128xf32>
    %div3A_68 = arith.constant 1.000000e+04 : f32
    %div3A_69 = vector.broadcast %div3A_68 : f32 to vector<8x128xf32>
    %div3A_70 = arith.divf %dot_general3A_67, %div3A_69 : vector<8x128xf32>
    %mul3A_71 = arith.mulf %div3A_63, %div3A_63 : vector<8x128xf32>
    %sub3A_72 = arith.subf %div3A_70, %mul3A_71 : vector<8x128xf32>
    %add3A_73 = arith.constant 9.99999974E-6 : f32
    %add3A_74 = vector.broadcast %add3A_73 : f32 to vector<8x128xf32>
    %add3A_75 = arith.addf %sub3A_72, %add3A_74 : vector<8x128xf32>
    %rsqrt3A = math.rsqrt %add3A_75 : vector<8x128xf32>
    %mul3A_76 = arith.mulf %get3A_43, %rsqrt3A : vector<8x128xf32>
    %mul3A_77 = arith.mulf %div3A_63, %mul3A_76 : vector<8x128xf32>
    %sub3A_78 = arith.subf %mul3A_77, %get3A_46 : vector<8x128xf32>
    %reduce_sum3A_79 = arith.constant dense<0.000000e+00> : vector<128xf32>
    %reduce_sum3A_80 = vector.multi_reduction <add>, %sub3A_78, %reduce_sum3A_79 [0] : vector<8x128xf32> to vector<128xf32>
    %broadcast_in_dim3A_81 = vector.shape_cast %reduce_sum3A_80 : vector<128xf32> to vector<1x128xf32>
    %dot_general3A_82 = arith.constant dense<0.000000e+00> : vector<10240x128xf32>
    %dot_general3A_83 = tpu.matmul %div3A_58, %mul3A_76, %dot_general3A_82 {dimension_numbers = #tpu.dot_dimension_numbers<[1], [0], [0], [1], [0, 0, 1, 1], [], []>, transpose_lhs_hint = false} : vector<10240x8xf32>, vector<8x128xf32>, vector<10240x128xf32> -> vector<10240x128xf32>
    %mul3A_84 = arith.mulf %reshape3A_35, %dot_general3A_83 : vector<10240x128xf32>
    %sub3A_85 = vector.broadcast %broadcast_in_dim3A_81 : vector<1x128xf32> to vector<10240x128xf32>
    %sub3A_86 = arith.subf %mul3A_84, %sub3A_85 : vector<10240x128xf32>
    %mul3A_87 = arith.constant 0.00999999977 : f32
    %mul3A_88 = vector.broadcast %mul3A_87 : f32 to vector<10240x128xf32>
    %mul3A_89 = arith.mulf %mul3A_88, %sub3A_86 : vector<10240x128xf32>
    %add3A_90 = arith.addf %reshape3A_35, %mul3A_89 : vector<10240x128xf32>
    %max3A_91 = arith.constant 0.000000e+00 : f32
    %max3A_92 = vector.broadcast %max3A_91 : f32 to vector<10240x128xf32>
    %max3A_93 = arith.maximumf %add3A_90, %max3A_92 : vector<10240x128xf32>
    %get3A_94 = arith.constant 0 : index
    %get3A_95 = arith.constant 0 : index
    %get3A_96 = vector.load %arg8[%get3A_94, %get3A_95] : memref<128x128xf32, #tpu.memory_space<vmem>>, vector<128x128xf32>
    %dot_general3A_97 = arith.constant dense<0.000000e+00> : vector<10240x128xf32>
    %dot_general3A_98 = tpu.matmul %max3A_93, %get3A_96, %dot_general3A_97 {dimension_numbers = #tpu.dot_dimension_numbers<[1], [0], [0], [1], [0, 0, 1, 1], [], []>, transpose_lhs_hint = false} : vector<10240x128xf32>, vector<128x128xf32>, vector<10240x128xf32> -> vector<10240x128xf32>
    %get3A_99 = arith.constant 0 : index
    %get3A_100 = vector.load %arg9[%get3A_99] : memref<128xf32, #tpu.memory_space<vmem>>, vector<128xf32>
    %broadcast_in_dim3A_101 = vector.shape_cast %get3A_100 : vector<128xf32> to vector<1x128xf32>
    %add3A_102 = vector.broadcast %broadcast_in_dim3A_101 : vector<1x128xf32> to vector<10240x128xf32>
    %add3A_103 = arith.addf %dot_general3A_98, %add3A_102 : vector<10240x128xf32>
    %get3A_104 = arith.constant 0 : index
    %get3A_105 = arith.constant 0 : index
    %get3A_106 = vector.load %arg10[%get3A_104, %get3A_105] : memref<128x128xf32, #tpu.memory_space<vmem>>, vector<128x128xf32>
    %dot_general3A_107 = arith.constant dense<0.000000e+00> : vector<10240x128xf32>
    %dot_general3A_108 = tpu.matmul %add3A_103, %get3A_106, %dot_general3A_107 {dimension_numbers = #tpu.dot_dimension_numbers<[1], [0], [0], [1], [0, 0, 1, 1], [], []>, transpose_lhs_hint = false} : vector<10240x128xf32>, vector<128x128xf32>, vector<10240x128xf32> -> vector<10240x128xf32>
    %get3A_109 = arith.constant 0 : index
    %get3A_110 = vector.load %arg11[%get3A_109] : memref<128xf32, #tpu.memory_space<vmem>>, vector<128xf32>
    %broadcast_in_dim3A_111 = vector.shape_cast %get3A_110 : vector<128xf32> to vector<1x128xf32>
    %add3A_112 = vector.broadcast %broadcast_in_dim3A_111 : vector<1x128xf32> to vector<10240x128xf32>
    %add3A_113 = arith.addf %dot_general3A_108, %add3A_112 : vector<10240x128xf32>
    %slice3A = vector.extract_strided_slice %add3A_113 {offsets = [0, 0], sizes = [10000, 128], strides = [1, 1]} : vector<10240x128xf32> to vector<10000x128xf32>
    %swap3A = arith.constant 0 : index
    %swap3A_114 = arith.constant 0 : index
    %swap3A_115 = vector.load %arg12[%swap3A, %swap3A_114] : memref<10000x128xf32, #tpu.memory_space<vmem>>, vector<10000x128xf32>
    tpu.vector_store %arg12[%swap3A, %swap3A_114], %slice3A {strides = array<i32>} : memref<10000x128xf32, #tpu.memory_space<vmem>>, vector<10000x128xf32>,
    return
  }
}

</mosaic_0001>

<sc_bundles>
// kernel: kernel.12.cloned.1.call-start
scs
__scs_entry_jumppad:
0x0: {  	(pc) =	sbr.rel $0x88, $3  }
0x1: {  	(tag) =	ssettag $0x0;
	lr =	simm.s32 $0x1  }
0x2: {  	[smem:$0x3F8D] =	sst lr;
	_ =	strace $0xD0000000  }
0x3: {  	_ = 	snop  }
0x4: {  	_ = 	snop  }
0x5: {  	_ = 	snop  }
0x6: {  	_ = 	snop  }
0x7: {  	_ = 	snop  }
__scs_overlays_trampoline_lowered:
0x8: {  	[smem:$0x3F9C] =	sst s0  }
0x9: {  	[smem:$0x3F9D] =	sst s1  }
0xa: {  	[smem:$0x3F9E] =	sst s2  }
0xb: {  	[smem:$0x3F9F] =	sst s3  }
0xc: {  	[smem:$0x3FA0] =	sst s4  }
0xd: {  	[smem:$0x3FA1] =	sst s5  }
0xe: {  	[smem:$0x3FA2] =	sst s6  }
0xf: {  	[smem:$0x3FA3] =	sst s7  }
0x10: {  	[smem:$0x3FA4] =	sst s8  }
0x11: {  	[smem:$0x3FA5] =	sst s9;
	s0 =	simm.s32 @!p0 $0x0  }
0x12: {  	s1 =	sld [smem:$0x3F8B];
	s0 =	simm.s32 @p0 $0x1  }
0x13: {  	[smem:$0x3FA6] =	sst s0;
	s0 =	simm.s32 @!p1 $0x0  }
0x14: {  	s2 =	sld [smem:$0x3F8A];
	s0 =	simm.s32 @p1 $0x1  }
0x15: {  	[smem:$0x3FA7] =	sst s0;
	s0 =	simm.s32 @!p2 $0x0  }
0x16: {  	s3 =	sld [smem:$0x3FDB];
	s0 =	simm.s32 @p2 $0x1  }
0x17: {  	s4 =	simm.s32 $0x1BF5;
	[smem:$0x3FA9] =	sst s0  }
0x18: {  	s0 =	sld [smem:$0x3F8C];
	_ =	swait.ge [sflag:s4], $0x0  }
0x19: {  	s7 =	sld [smem:$0x3F8D]  }
0x1a: {  	s8 =	sadd.s32 $0xFFFFE003, lr  }
0x1b: {  	s9 =	sadd.s32 $0xFFFFFEF7, lr;
	s5 =	simm.s32 $0xFFFFFFFF;
	p2 =	slt.u32 s8, $0xFFFFF086  }
0x1c: {  	p1 =	slt.u32 s9, $0xF7A;
	s5 =	simm.s32 @!p2 $0x0  }
0x1d: {  	s5 =	simm.s32 @p1 $0x1;
	p0 =	seq.s32 s7, s2  }
0x1e: {  	s7 =	smul.u32 @!p0 $0xF7A, s2;
	p2 =	seq.s32 @!p0 s5, $0x0  }
0x1f: {  	s9 =	smul.u32 $0xF7A, s1;
	s8 =	simm.s32 @!p0 $0x1BF5;
	p2 =	por !p2, p0  }
0x20: {  	[sflag:s8] =	ssyncset.s32 @!p0 $0xFFFFF086;
	s6 =	sadd.s32 @!p0 s3, s7;
	s7 =	simm.s32 @!p0 $0x108  }
0x21: {  	s3 =	sadd.s32 s3, s9;
	s6 =	sadd.s32 @!p0 $0x88, s6;
	s7 =	simm.s32 @p2 $0x1082  }
0x22: {  	[simem:s7], [sflag:s8] =	dma.local @!p0 [hbm:s6], $0xF7A  }
0x23: {  	s9 =	sor.u32 $0xD0000000, s2;
	s6 =	simm.s32 $0x108;
	_ =	swait.ge @!p0 [sflag:s8], $0x0  }
0x24: {  	s3 =	sadd.s32 $0x88, s3;
	s6 =	simm.s32 @!p1 $0x1082;
	[sflag:s4] =	ssyncset.s32 $0xFFFFF086  }
0x25: {  	[simem:s6], [sflag:s4] =	dma.local [hbm:s3], $0xF7A  }
0x26: {  	[smem:$0x3F8D] =	sst s1;
	(tag) =	ssettag s2;
	_ =	strace s9  }
0x27: {  	s1 =	sld [smem:$0x3F9D]  }
0x28: {  	s2 =	sld [smem:$0x3F9E]  }
0x29: {  	s4 =	sld [smem:$0x3FA0]  }
0x2a: {  	p0 =	seq.s32 s5, $0x0;
	s5 =	sld [smem:$0x3FA1]  }
0x2b: {  	s6 =	sld [smem:$0x3FA2]  }
0x2c: {  	s7 =	sld [smem:$0x3FA3]  }
0x2d: {  	s3 =	simm.s32 $0x108;
	s8 =	sld [smem:$0x3FA4]  }
0x2e: {  	s3 =	simm.s32 @!p0 $0x1082;
	s9 =	sld [smem:$0x3FA5]  }
0x2f: {  	lr =	sadd.s32 s0, s3;
	s0 =	sld [smem:$0x3F9C]  }
0x30: {  	s3 =	sld [smem:$0x3F9F]  }
0x31: {  	[smem:$0x3FA8] =	sst s10  }
0x32: {  	s10 =	sld [smem:$0x3FA6];
	_ =	sdelay $0x3  }
0x33: {  	p0 =	seq.s32 s10, $0x1;
	s10 =	sld [smem:$0x3FA8];
	_ =	sdelay $0x3  }
0x34: {  	[smem:$0x3FA8] =	sst s10  }
0x35: {  	s10 =	sld [smem:$0x3FA7];
	_ =	sdelay $0x3  }
0x36: {  	p1 =	seq.s32 s10, $0x1;
	s10 =	sld [smem:$0x3FA8];
	_ =	sdelay $0x3  }
0x37: {  	[smem:$0x3FA8] =	sst s10  }
0x38: {  	s10 =	sld [smem:$0x3FA9]  }
0x39: {  	_ = 	snop;
	(pc) =	sbr.ind lr, $3  }
0x3a: {  	_ = 	snop  }
0x3b: {  	_ = 	snop  }
0x3c: {  	p2 =	seq.s32 s10, $0x1;
	s10 =	sld [smem:$0x3FA8]  }
0x3d: {  	_ =	shalt  }
0x3e: {  	_ =	shalt  }
0x3f: {  	_ =	shalt  }
0x40: {  	_ =	shalt  }
0x41: {  	_ =	shalt  }
0x42: {  	_ =	shalt  }
0x43: {  	_ =	shalt  }
0x44: {  	_ =	shalt  }
0x45: {  	_ =	shalt  }
0x46: {  	_ =	shalt  }
0x47: {  	_ =	shalt  }
0x48: {  	_ =	shalt  }
0x49: {  	_ =	shalt  }
0x4a: {  	_ =	shalt  }
0x4b: {  	_ =	shalt  }
0x4c: {  	_ =	shalt  }
0x4d: {  	_ =	shalt  }
0x4e: {  	_ =	shalt  }
0x4f: {  	_ =	shalt  }
0x50: {  	_ =	shalt  }
0x51: {  	_ =	shalt  }
0x52: {  	_ =	shalt  }
0x53: {  	_ =	shalt  }
0x54: {  	_ =	shalt  }
0x55: {  	_ =	shalt  }
0x56: {  	_ =	shalt  }
0x57: {  	_ =	shalt  }
0x58: {  	_ =	shalt  }
0x59: {  	_ =	shalt  }
0x5a: {  	_ =	shalt  }
0x5b: {  	_ =	shalt  }
0x5c: {  	_ =	shalt  }
0x5d: {  	_ =	shalt  }
0x5e: {  	_ =	shalt  }
0x5f: {  	_ =	shalt  }
0x60: {  	_ =	shalt  }
0x61: {  	_ =	shalt  }
0x62: {  	_ =	shalt  }
0x63: {  	_ =	shalt  }
0x64: {  	_ =	shalt  }
0x65: {  	_ =	shalt  }
0x66: {  	_ =	shalt  }
0x67: {  	_ =	shalt  }
0x68: {  	_ =	shalt  }
0x69: {  	_ =	shalt  }
0x6a: {  	_ =	shalt  }
0x6b: {  	_ =	shalt  }
0x6c: {  	_ =	shalt  }
0x6d: {  	_ =	shalt  }
0x6e: {  	_ =	shalt  }
0x6f: {  	_ =	shalt  }
0x70: {  	_ =	shalt  }
0x71: {  	_ =	shalt  }
0x72: {  	_ =	shalt  }
0x73: {  	_ =	shalt  }
0x74: {  	_ =	shalt  }
0x75: {  	_ =	shalt  }
0x76: {  	_ =	shalt  }
0x77: {  	_ =	shalt  }
0x78: {  	_ =	shalt  }
0x79: {  	_ =	shalt  }
0x7a: {  	_ =	shalt  }
0x7b: {  	_ =	shalt  }
0x7c: {  	_ =	shalt  }
0x7d: {  	_ =	shalt  }
0x7e: {  	_ =	shalt  }
0x7f: {  	_ =	shalt  }
0x80: {  	_ =	shalt  }
0x81: {  	_ =	shalt  }
0x82: {  	_ =	shalt  }
0x83: {  	_ =	shalt  }
0x84: {  	_ =	shalt  }
0x85: {  	_ =	shalt  }
0x86: {  	_ =	shalt  }
0x87: {  	_ =	shalt  }
.Lfunc_end0:
.L_simem_size_0:
called_computation.1_lowered:
.L_overlay_start_0:
0x88: {  	s2 =	sld [smem:$0x3FD9]  }
0x89: {  	s3 =	sld [smem:$0x3FFE];
	_ =	sdelay $0x1  }
0x8a: {  	s1 =	srdreg.scid  }
0x8b: {  	s0 =	sand.u32 $0x1, s1  }
0x8c: {  	s16 =	sshll.u32 s0, $0xA;
	s2 =	sadd.s32 s3, s2  }
0x8d: {  	s2 =	sadd.s32 s2, s16  }
0x8e: {  	[smem:$0x3FB4] =	sst s2  }
0x8f: {  	_ = 	snop  }
0x90: {  	(tm) =	ssettm $0x1  }
0x91: {  	s17 =	sld [smem:$0x3FFB];
	_ =	sdelay $0x3  }
0x92: {  	_ =	strace s17  }
0x93: {  	s2 =	sld [smem:$0x3FFC];
	_ =	sdelay $0x3  }
0x94: {  	_ =	strace s2  }
0x95: {  	s2 =	sld [smem:$0x3FFD];
	_ =	sdelay $0x3  }
0x96: {  	_ =	strace s2  }
0x97: {  	_ =	strace $0x8FFFFFFF  }
0x98: {  	s18 =	sld [smem:$0x3FDB];
	_ =	sdelay $0x1  }
0x99: {  	s19 =	simm.s32 $_scs_section_size  }
0x9a: {  	s4 =	simm.s32 $_size__tile_overlayer_lowered;
	s5 =	simm.s32 $_tile_overlayer_lowered  }
0x9b: {  	s22 =	simm.s32 $0x1BFF;
	s21 =	sshll.u32 s5, $0x1;
	s2 =	sadd.s32 s19, s18  }
0x9c: {  	s6 =	simm.s32 $0x0;
	s20 =	sshll.u32 s4, $0x1;
	s4 =	sadd.s32 s21, s2  }
0x9d: {  	[timem:s6], [sflag:s22] =	dma.local [hbm:s4], s20  }
0x9e: {  	_ =	swait.ge [sflag:s22], s20  }
0x9f: {  	s3 =	ssub.s32 $0x0, s20;
	[sflag:s22] =	ssyncset.done $0x0  }
0xa0: {  	[sflag:s22] =	ssyncadd.s32 s3;
	_ =	sdelay $0x1  }
0xa1: {  	s23 =	simm.s32 $0x1B8B  }
0xa2: {  	_ =	swait.ge [sflag:s23], $0x1  }
0xa3: {  	[sflag:s23] =	ssyncset.done $0x0  }
0xa4: {  	s25 =	simm.s32 $0x1B8E;
	s24 =	sld [smem:$0x3FFE];
	[sflag:s23] =	ssyncadd.s32 $0xFFFFFFFF  }
0xa5: {  	s26 =	simm.s32 $execute0_lowered;
	[smem:$0x3FD2] =	sst s25  }
0xa6: {  	s4 =	sshll.u32 s26, $0x1;
	_ =	strace $0x80000049;
	[dreg:$0x1] =	wrdreg $0xFFFFFFFF  }
0xa7: {  	s28 =	simm.s32 $_size_execute0_lowered;
	s2 =	sadd.s32 s2, s4;
	[dreg:$0x0] =	wrdreg $0x0  }
0xa8: {  	s4 =	sshll.u32 s28, $0x1;
	[dreg:$0x2] =	wrdreg s2  }
0xa9: {  	[dreg:$0x3] =	wrdreg s4  }
0xaa: {  	[dreg:$0x4] =	wrdreg $0xC0  }
0xab: {  	_ =	task [dreg:s6], $0x5FFFF  }
0xac: {  	[dreg:$0x1] =	wrdreg $0xFFFFFFFF  }
0xad: {  	[dreg:$0x0] =	wrdreg $0x60  }
0xae: {  	[dreg:$0x2] =	wrdreg s24  }
0xaf: {  	[dreg:$0x3] =	wrdreg $0xA9800  }
0xb0: {  	[dreg:$0x4] =	wrdreg $0x9  }
0xb1: {  	_ =	task.clear_ibuf [dreg:s6], $0x5FFFF;
	_ =	strace $0x90000049  }
0xb2: {  	s29 =	simm.s32 $0x9;
	_ =	strace $0x8000004B  }
0xb3: {  	_ =	swait.ge [sflag:s29], $0x1  }
0xb4: {  	[sflag:s29] =	ssyncadd.s32 $0xFFFFFFFF  }
0xb5: {  	_ =	strace $0x9000004B  }
0xb6: {  	_ =	sfence  }
0xb7: {  	s30 =	sld [smem:$0x0];
	_ =	sdelay $0x2  }
0xb8: {  	s31 =	sshll.u32 s1, $0xD;
	s1 =	sshrl.u32 s1, $0x2  }
0xb9: {  	s3 =	sand.u32 $0x4000, s31;
	s1 =	sadd.s32 s1, s30  }
0xba: {  	s0 =	sor.u32 s3, s0;
	s1 =	sshll.u32 s1, $0x11  }
0xbb: {  	s0 =	sor.u32 s1, s0  }
0xbc: {  	s0 =	sadd.s32 $0x8F2B, s0  }
0xbd: {  	[sflag:s0] =	ssyncadd.remote.s32 $0x1  }
0xbe: {  	_ =	sfence.sel $0xFFFF  }
0xbf: {  	[dreg:$0x0] =	wrdreg $0xFFFFFFFF;
	(pc) =	sbr.abs _section_cstart, $3  }
0xc0: {  	[dreg:$0x1] =	wrdreg $0xFFFFFFFF  }
0xc1: {  	_ =	task.clear_ibuf [dreg:s6], $0x2FFFF;
	_ =	strace $0x9FFFFFFF  }
0xc2: {  	(tm) =	ssettm $0x7FFFFFFF  }
0xc3: {  	_ =	shalt  }
tec
execute0_lowered:
.L_overlay_start_1:
0x0: {  	(tag) =	ssettag $0x1  }
0x1: {  	s0 =	rddreg [dreg:$0x0]  }
0x2: {  	s1 =	rddreg [dreg:$0x1];
	s2 =	srdreg.scid  }
0x3: {  	s4 =	simm.s32 $0x0;
	s7 =	stileid.u32;
	s18 =	simm.s32 $0x2980  }
0x4: {  	s19 =	simm.s32 $0x5;
	s20 =	simm.s32 $0x80;
	s28 =	simm.s32 $0x3  }
0x5: {  	s29 =	simm.s32 $0x0;
	s2 =	sand.u32 $0x1, s2;
	s6 =	smul.u32 $0x14000, s7  }
0x6: {  	[smem:$0x7FF] =	sst s4;
	s4 =	sadd.s32 $0xE800, s0;
	s24 =	smul.u32 $0x50000, s7  }
0x7: {  	s3 =	sshll.u32 s2, $0x4;
	s5 =	smul.u32 $0x140000, s2;
	s2 =	ssub.s32 $0x2, s2  }
0x8: {  	_ =	strace $0x8000004A;
	s3 =	sor.u32 s7, s3;
	s25 =	sshrl.u32 s2, $0x1  }
0x9: {  	s26 =	sshrl.u32 s24, $0x2;
	s24 =	simm.s32 $0x2880;
	s3 =	smul.u32 $0x4E2, s3  }
0xa: {  	s5 =	sadd.s32 s6, s5;
	s2 =	ssub.s32 s2, s25;
	s25 =	simm.s32 $0x1  }
0xb: {  	s5 =	sshrl.u32 s5, $0x3;
	s30 =	smax.u32 s2, $0x1;
	s3 =	sadd.s32 s3, s0  }
0xc: {  	s0 =	sadd.s32 s5, s0;
	s5 =	sadd.s32 s26, s1;
	[dreg:$0x5] =	wrdreg s30  }
0xd: {  	s26 =	simm.s32 $0x4;
	s3 =	sadd.s32 $0x4A00, s3;
	s0 =	sadd.s32 $0x36800, s0  }
0xe: {  	s31 =	sadd.s32 $0x2000, s5;
	s10 =	sadd.s32 $0x4000, s5;
	s11 =	sadd.s32 $0x6000, s5  }
0xf: {  	s12 =	sadd.s32 $0x8000, s5;
	s13 =	sadd.s32 $0xA000, s5;
	[dreg:$0x3] =	wrdreg s3  }
0x10: {  	s14 =	sadd.s32 $0xC000, s5;
	s15 =	sadd.s32 $0xE000, s5;
	[dreg:$0x4] =	wrdreg s0  }
0x11: {  	v0 =	vimm.f32 $0.0e+00;
	s16 =	sadd.s32 $0x10000, s5;
	s17 =	sadd.s32 $0x12000, s5;
	[dreg:$0x6] =	wrdreg s31  }
.LBB2_1:
0x12: {  	s0 =	simm.s32 $0x0;
	s2 =	simm.s32 $0x200  }
.LBB2_2:
0x13: {  	p0 =	sne.s32 s2, $0xFE00;
	[tilespmem:s0+$0x29F0] =	vst v0  }
0x14: {  	[tilespmem:s0+$0x2980] =	vst v0  }
0x15: {  	[tilespmem:s0+$0x2990] =	vst v0  }
.Ltmp0:
0x16: {  	[tilespmem:s0+$0x29A0] =	vst v0;
	(pc) =	sbr.rel @p0 .LBB2_2-.Ltmp0, $4  }
0x17: {  	[tilespmem:s0+$0x29B0] =	vst v0  }
0x18: {  	[tilespmem:s0+$0x29C0] =	vst v0  }
0x19: {  	[tilespmem:s0+$0x29D0] =	vst v0  }
0x1a: {  	[tilespmem:s0+$0x29E0] =	vst v0;
	s0 =	sshra.s32 s2, $0x2;
	s2 =	sadd.s32 $0x200, s2  }
0x1b: {  	[tilespmem:s0+$0x29F0] =	vst v0  }
0x1c: {  	[tilespmem:s0+$0x2980] =	vst v0  }
0x1d: {  	[tilespmem:s0+$0x2990] =	vst v0  }
0x1e: {  	[tilespmem:s0+$0x29A0] =	vst v0  }
0x1f: {  	[tilespmem:s0+$0x29B0] =	vst v0  }
0x20: {  	[tilespmem:s0+$0x29C0] =	vst v0  }
0x21: {  	[tilespmem:s0+$0x29D0] =	vst v0  }
0x22: {  	[tilespmem:s0+$0x29E0] =	vst v0  }
0x23: {  	[spmem:s5] =	stream.linear.scatter [tilespmem:s18], [sflag:$0x5], $0x2000, $0x38;
	[tilespmem:$0x1E980] =	vst v63  }
0x24: {  	_ =	swait.ge [sflag:s19], $0x2000  }
0x25: {  	[sflag:s19] =	ssyncset.done $0x0  }
0x26: {  	s8 =	rddreg [dreg:$0x6];
	[sflag:s19] =	ssyncadd.s32 $0xFFFFE000  }
0x27: {  	[spmem:s8] =	stream.linear.scatter [tilespmem:s18], [sflag:$0x5], $0x2000, $0x38;
	[tilespmem:$0x1E980] =	vst v63  }
0x28: {  	_ =	swait.ge [sflag:s19], $0x2000  }
0x29: {  	[sflag:s19] =	ssyncset.done $0x0  }
0x2a: {  	[sflag:s19] =	ssyncadd.s32 $0xFFFFE000  }
0x2b: {  	[spmem:s10] =	stream.linear.scatter [tilespmem:s18], [sflag:$0x5], $0x2000, $0x38;
	[tilespmem:$0x1E980] =	vst v63  }
0x2c: {  	_ =	swait.ge [sflag:s19], $0x2000  }
0x2d: {  	[sflag:s19] =	ssyncset.done $0x0  }
0x2e: {  	[sflag:s19] =	ssyncadd.s32 $0xFFFFE000  }
0x2f: {  	[spmem:s11] =	stream.linear.scatter [tilespmem:s18], [sflag:$0x5], $0x2000, $0x38;
	[tilespmem:$0x1E980] =	vst v63  }
0x30: {  	_ =	swait.ge [sflag:s19], $0x2000  }
0x31: {  	[sflag:s19] =	ssyncset.done $0x0  }
0x32: {  	[sflag:s19] =	ssyncadd.s32 $0xFFFFE000  }
0x33: {  	[spmem:s12] =	stream.linear.scatter [tilespmem:s18], [sflag:$0x5], $0x2000, $0x38;
	[tilespmem:$0x1E980] =	vst v63  }
0x34: {  	_ =	swait.ge [sflag:s19], $0x2000  }
0x35: {  	[sflag:s19] =	ssyncset.done $0x0  }
0x36: {  	[sflag:s19] =	ssyncadd.s32 $0xFFFFE000  }
0x37: {  	[spmem:s13] =	stream.linear.scatter [tilespmem:s18], [sflag:$0x5], $0x2000, $0x38;
	[tilespmem:$0x1E980] =	vst v63  }
0x38: {  	_ =	swait.ge [sflag:s19], $0x2000  }
0x39: {  	[sflag:s19] =	ssyncset.done $0x0  }
0x3a: {  	[sflag:s19] =	ssyncadd.s32 $0xFFFFE000  }
0x3b: {  	[spmem:s14] =	stream.linear.scatter [tilespmem:s18], [sflag:$0x5], $0x2000, $0x38;
	[tilespmem:$0x1E980] =	vst v63  }
0x3c: {  	_ =	swait.ge [sflag:s19], $0x2000  }
0x3d: {  	[sflag:s19] =	ssyncset.done $0x0  }
0x3e: {  	[sflag:s19] =	ssyncadd.s32 $0xFFFFE000  }
0x3f: {  	[spmem:s15] =	stream.linear.scatter [tilespmem:s18], [sflag:$0x5], $0x2000, $0x38;
	[tilespmem:$0x1E980] =	vst v63  }
0x40: {  	_ =	swait.ge [sflag:s19], $0x2000  }
0x41: {  	[sflag:s19] =	ssyncset.done $0x0  }
0x42: {  	[sflag:s19] =	ssyncadd.s32 $0xFFFFE000  }
0x43: {  	[spmem:s16] =	stream.linear.scatter [tilespmem:s18], [sflag:$0x5], $0x2000, $0x38;
	[tilespmem:$0x1E980] =	vst v63  }
0x44: {  	_ =	swait.ge [sflag:s19], $0x2000  }
0x45: {  	[sflag:s19] =	ssyncset.done $0x0  }
0x46: {  	[sflag:s19] =	ssyncadd.s32 $0xFFFFE000  }
0x47: {  	[spmem:s17] =	stream.linear.scatter [tilespmem:s18], [sflag:$0x5], $0x2000, $0x38;
	[tilespmem:$0x1E980] =	vst v63  }
0x48: {  	_ =	swait.ge [sflag:s19], $0x2000  }
0x49: {  	[sflag:s19] =	ssyncset.done $0x0  }
0x4a: {  	s9 =	simm.s32 $0x0;
	s2 =	rddreg [dreg:$0x3];
	[sflag:s19] =	ssyncadd.s32 $0xFFFFE000  }
0x4b: {  	[tilespmem:s9], [sflag:$0x5] =	stream.linear.gather [hbm4b:s2+s9], $0x2710, $0x38;
	[tilespmem:$0x1E980] =	vst v63  }
0x4c: {  	_ =	swait.ge [sflag:s19], $0x2710  }
0x4d: {  	[sflag:s19] =	ssyncset.done $0x0  }
0x4e: {  	[sflag:s19] =	ssyncadd.s32 $0xFFFFD8F0  }
0x4f: {  	[bflag:$0x0] =	sbarrier.arrive $0xFFFF  }
0x50: {  	v1 =	vld [tilespmem:$0x0];
	_ =	sdelay $0x1  }
0x51: {  	v2 =	vld [tilespmem:$0x10];
	_ =	sdelay $0x1  }
0x52: {  	v3 =	vld [tilespmem:$0x20]  }
0x53: {  	v4 =	vand.u32 $0xFFFF, v1  }
0x54: {  	v59 =	vld [tilespmem:$0x30];
	v1 =	vshrl.u32 v1, $0x10;
	[tilespmem:$0x2780] =	vst v4  }
0x55: {  	[tilespmem:$0x2880] =	vst v1;
	v1 =	vand.u32 $0xFFFF, v2  }
0x56: {  	[tilespmem:$0x2790] =	vst v1;
	v1 =	vshrl.u32 v2, $0x10;
	v2 =	vld [tilespmem:$0x40]  }
0x57: {  	[tilespmem:$0x2890] =	vst v1;
	v1 =	vand.u32 $0xFFFF, v3  }
0x58: {  	[tilespmem:$0x27A0] =	vst v1;
	v1 =	vshrl.u32 v3, $0x10;
	v3 =	vld [tilespmem:$0x50]  }
0x59: {  	[tilespmem:$0x28A0] =	vst v1;
	v1 =	vand.u32 $0xFFFF, v59  }
0x5a: {  	v60 =	vld [tilespmem:$0x60];
	[tilespmem:$0x27B0] =	vst v1;
	v1 =	vshrl.u32 v59, $0x10  }
0x5b: {  	[tilespmem:$0x28B0] =	vst v1;
	v1 =	vand.u32 $0xFFFF, v2  }
0x5c: {  	[tilespmem:$0x27C0] =	vst v1;
	v1 =	vshrl.u32 v2, $0x10;
	v2 =	vld [tilespmem:$0x70]  }
0x5d: {  	[tilespmem:$0x28C0] =	vst v1;
	v1 =	vand.u32 $0xFFFF, v3  }
0x5e: {  	[tilespmem:$0x27D0] =	vst v1;
	v1 =	vshrl.u32 v3, $0x10  }
0x5f: {  	[tilespmem:$0x28D0] =	vst v1;
	v1 =	vand.u32 $0xFFFF, v60  }
0x60: {  	[tilespmem:$0x27E0] =	vst v1;
	v1 =	vshrl.u32 v60, $0x10  }
0x61: {  	[tilespmem:$0x28E0] =	vst v1;
	v1 =	vand.u32 $0xFFFF, v2  }
0x62: {  	[tilespmem:$0x27F0] =	vst v1;
	v1 =	vshrl.u32 v2, $0x10  }
0x63: {  	s21 =	simm.s32 $0x2780;
	[tilespmem:$0x28F0] =	vst v1  }
0x64: {  	[tilespmem:s18], [sflag:$0x1] =	stream.indirect.gather [hbm4b:s4+s20], $0x80, s21, s20, $0xb8;
	[tilespmem:$0x1E980] =	vst v63  }
0x65: {  	v1 =	vld [tilespmem:$0x80];
	_ =	sdelay $0x1  }
0x66: {  	v2 =	vld [tilespmem:$0x90];
	_ =	sdelay $0x1  }
0x67: {  	v3 =	vld [tilespmem:$0xA0]  }
0x68: {  	v61 =	vand.u32 $0xFFFF, v1  }
0x69: {  	v62 =	vld [tilespmem:$0xB0];
	v1 =	vshrl.u32 v1, $0x10;
	[tilespmem:$0x2800] =	vst v61  }
0x6a: {  	[tilespmem:$0x2900] =	vst v1;
	v1 =	vand.u32 $0xFFFF, v2  }
0x6b: {  	[tilespmem:$0x2810] =	vst v1;
	v1 =	vshrl.u32 v2, $0x10;
	v2 =	vld [tilespmem:$0xC0]  }
0x6c: {  	[tilespmem:$0x2910] =	vst v1;
	v1 =	vand.u32 $0xFFFF, v3  }
0x6d: {  	[tilespmem:$0x2820] =	vst v1;
	v1 =	vshrl.u32 v3, $0x10;
	v3 =	vld [tilespmem:$0xD0]  }
0x6e: {  	[tilespmem:$0x2920] =	vst v1;
	v1 =	vand.u32 $0xFFFF, v62  }
0x6f: {  	v63 =	vld [tilespmem:$0xE0];
	[tilespmem:$0x2830] =	vst v1;
	v1 =	vshrl.u32 v62, $0x10  }
0x70: {  	[tilespmem:$0x2930] =	vst v1;
	v1 =	vand.u32 $0xFFFF, v2  }
0x71: {  	[tilespmem:$0x2840] =	vst v1;
	v1 =	vshrl.u32 v2, $0x10;
	v2 =	vld [tilespmem:$0xF0]  }
0x72: {  	[tilespmem:$0x2940] =	vst v1;
	v1 =	vand.u32 $0xFFFF, v3  }
0x73: {  	[tilespmem:$0x2850] =	vst v1;
	v1 =	vshrl.u32 v3, $0x10  }
0x74: {  	[tilespmem:$0x2950] =	vst v1;
	v1 =	vand.u32 $0xFFFF, v63  }
0x75: {  	[tilespmem:$0x2860] =	vst v1;
	v1 =	vshrl.u32 v63, $0x10  }
0x76: {  	[tilespmem:$0x2960] =	vst v1;
	v1 =	vand.u32 $0xFFFF, v2  }
0x77: {  	[tilespmem:$0x2870] =	vst v1;
	v1 =	vshrl.u32 v2, $0x10  }
0x78: {  	s22 =	simm.s32 $0x2800;
	s23 =	simm.s32 $0x6980;
	s0 =	simm.s32 $0x1;
	[tilespmem:$0x2970] =	vst v1  }
0x79: {  	[tilespmem:s23], [sflag:$0x2] =	stream.indirect.gather [hbm4b:s4+s20], $0x80, s22, s20, $0xb8;
	[tilespmem:$0x1E980] =	vst v63  }
0x7a: {  	_ =	swait.ge [sflag:s0], $0x4000  }
0x7b: {  	p0 =	por $0x0, $0x0;
	[sflag:s0] =	ssyncset.done $0x0  }
0x7c: {  	s30 =	simm.s32 $0x100;
	s31 =	simm.s32 $0x100;
	[sflag:s0] =	ssyncadd.s32 $0xFFFFC000  }
0x7d: {  	[spmem:s1] =	stream.indirect.scatter.add.f32 [tilespmem:s18], [sflag:$0x3], $0x80, s24, s20, $0xb8;
	[tilespmem:$0x1E980] =	vst v63  }
.LBB2_4:
0x7e: {  	s2 =	sadd.s32 $0xFFFFFFFF, s0  }
0x7f: {  	s3 =	sand.u32 $0x80, s2  }
0x80: {  	s3 =	sshrl.u32 s3, $0x7  }
0x81: {  	s3 =	sadd.s32 s3, s2  }
0x82: {  	s3 =	sand.u32 $0xFE, s3  }
0x83: {  	s2 =	ssub.s32 s2, s3  }
0x84: {  	s2 =	sshll.u32 s2, $0x18  }
0x85: {  	s6 =	sadd.s32 $0x0, s30;
	s2 =	sshra.s32 s2, $0x18  }
0x86: {  	p1 =	sgt.u32 s6, $0x270F;
	s3 =	simm.s32 $0x1;
	s2 =	sadd.s32 $0x3, s2  }
0x87: {  	s6 =	simm.s32 $0x0;
	s3 =	simm.s32 @!p0 $0x0;
	_ =	swait.ge [sflag:s2], $0x4000  }
0x88: {  	v1 =	vlaneseq.u32 @p1;
	p1 =	por p1, p1;
	s3 =	sshll.u32 s3, $0x7;
	[sflag:s2] =	ssyncset.done $0x0  }
0x89: {  	v2 =	vor.u32 @p1 s6, v1;
	s7 =	sadd.s32 $0x2780, s3;
	[sflag:s2] =	ssyncadd.s32 $0xFFFFC000  }
0x8a: {  	[tilespmem:s7+$0x0] =	vst @p1 v2  }
0x8b: {  	v2 =	vld @!p1 [tilespmem:s31+$0x0];
	_ =	sdelay $0x3  }
0x8c: {  	s23 =	sadd.s32 $0x10, s30;
	v1 =	vor.u32 @p1 $0x2710, v1  }
0x8d: {  	p2 =	sgt.u32 s23, $0x270F;
	v3 =	vadd.s32 @p1 s6, v1;
	v4 =	vand.u32 @!p1 $0xFFFF, v2;
	v2 =	vshrl.u32 @!p1 v2, $0x10  }
0x8e: {  	s23 =	simm.s32 $0x10;
	v1 =	vlaneseq.u32 @p2;
	s21 =	sadd.s32 $0x2880, s3;
	[tilespmem:s7+$0x0] =	vst @!p1 v4;
	v2 =	vpsel p1, v3, v2;
	p1 =	por p2, p2  }
0x8f: {  	s2 =	sadd.s32 $0x10, s7;
	v3 =	vor.u32 @p1 s23, v1;
	[tilespmem:s21+$0x0] =	vst v2  }
0x90: {  	s6 =	sadd.s32 $0x10, s31;
	s3 =	sadd.s32 $0x1, s0;
	[tilespmem:s2+$0x0] =	vst @p1 v3  }
0x91: {  	s22 =	sand.u32 $0x1, s3;
	s7 =	simm.s32 $0x20;
	v2 =	vld @!p1 [tilespmem:s6+$0x0]  }
.LBB2_5:
0x92: {  	_ =	sdelay $0x1  }
0x93: {  	s8 =	sadd.s32 s7, s30;
	s9 =	smov.u32 s7;
	s7 =	sadd.s32 $0x10, s7  }
0x94: {  	v1 =	vor.u32 @p1 $0x2710, v1;
	p2 =	sne.s32 s7, $0x80  }
.Ltmp1:
0x95: {  	p3 =	sgt.u32 s8, $0x270F;
	v3 =	vadd.s32 @p1 s23, v1;
	s23 =	smov.u32 s9;
	v4 =	vand.u32 @!p1 $0xFFFF, v2;
	v2 =	vshrl.u32 @!p1 v2, $0x10;
	(pc) =	sbr.rel @p2 .LBB2_5-.Ltmp1, $4  }
0x96: {  	s21 =	sadd.s32 $0x10, s21;
	v1 =	vlaneseq.u32 @p3;
	[tilespmem:s2+$0x0] =	vst @!p1 v4;
	v2 =	vpsel p1, v3, v2;
	p1 =	por p3, p3  }
0x97: {  	s2 =	sadd.s32 $0x10, s2;
	v3 =	vor.u32 @p1 s23, v1;
	[tilespmem:s21+$0x0] =	vst v2  }
0x98: {  	s6 =	sadd.s32 $0x10, s6;
	[tilespmem:s2+$0x0] =	vst @p1 v3  }
0x99: {  	v2 =	vld @!p1 [tilespmem:s6+$0x0]  }
0x9a: {  	_ =	sdelay $0x2  }
0x9b: {  	v1 =	vor.u32 @p1 $0x2710, v1;
	s6 =	sshll.u32 s22, $0xE  }
0x9c: {  	s7 =	sshll.u32 s22, $0x7;
	s8 =	sadd.s32 $0x1, s22;
	s0 =	sand.u32 $0x1, s0;
	v1 =	vadd.s32 @p1 s23, v1;
	v3 =	vand.u32 @!p1 $0xFFFF, v2;
	v2 =	vshrl.u32 @!p1 v2, $0x10  }
0x9d: {  	p0 =	por !p0, !p0;
	s23 =	sadd.s32 $0x10, s21;
	s6 =	sor.u32 $0x2980, s6;
	[tilespmem:s2+$0x0] =	vst @!p1 v3;
	v1 =	vpsel p1, v1, v2  }
0x9e: {  	s7 =	sadd.s32 $0x2780, s7;
	s9 =	sadd.s32 $0x1, s0;
	p1 =	sne.s32 s3, $0x4E;
	[tilespmem:s23+$0x0] =	vst v1  }
0x9f: {  	[tilespmem:s6], [sflag:s8] =	stream.indirect.gather [hbm4b:s4+s20], $0x80, s7, s20, $0xb8;
	[tilespmem:$0x1E980] =	vst v63  }
.Ltmp2:
0xa0: {  	s21 =	sshll.u32 s0, $0xE;
	_ =	swait.ge [sflag:s9], $0x4000;
	(pc) =	sbr.rel @p1 .LBB2_4-.Ltmp2, $4  }
0xa1: {  	s22 =	sshll.u32 s0, $0x7;
	s0 =	sadd.s32 $0x3, s0;
	[sflag:s9] =	ssyncset.done $0x0  }
0xa2: {  	s23 =	sadd.s32 $0x2880, s22;
	s6 =	sor.u32 $0x2980, s21;
	[sflag:s9] =	ssyncadd.s32 $0xFFFFC000  }
0xa3: {  	[spmem:s1] =	stream.indirect.scatter.add.f32 [tilespmem:s6], [sflag:s0], $0x80, s23, s20, $0xb8;
	[tilespmem:$0x1E980] =	vst v63  }
0xa4: {  	s31 =	sadd.s32 $0x80, s31;
	s30 =	sadd.s32 $0x80, s30;
	s0 =	smov.u32 s3  }
0xa5: {  	_ =	swait.ge [sflag:s25], $0x4000  }
0xa6: {  	[sflag:s25] =	ssyncset.done $0x0  }
0xa7: {  	[sflag:s25] =	ssyncadd.s32 $0xFFFFC000  }
0xa8: {  	[spmem:s1] =	stream.indirect.scatter.add.f32 [tilespmem:s18], [sflag:$0x3], $0x80, s24, s20, $0xb8;
	[tilespmem:$0x1E980] =	vst v63  }
0xa9: {  	_ =	swait.ge [sflag:s26], $0x4000  }
0xaa: {  	[sflag:s26] =	ssyncset.done $0x0  }
0xab: {  	[sflag:s26] =	ssyncadd.s32 $0xFFFFC000  }
0xac: {  	_ =	swait.ge [sflag:s28], $0x4000  }
0xad: {  	[sflag:s28] =	ssyncset.done $0x0  }
0xae: {  	s0 =	stileid.u32;
	[sflag:s28] =	ssyncadd.s32 $0xFFFFC000  }
0xaf: {  	s0 =	sshll.u32 s0, $0x6;
	[bflag:$0x0] =	sbarrier.arrive $0xFFFF  }
0xb0: {  	s2 =	sshrl.u32 s5, $0x3;
	s0 =	sor.u32 $0x1C05, s0;
	s3 =	rddreg [dreg:$0x4]  }
0xb1: {  	[hbm:s3], [sflag:s0] =	dma.local [spmem:s2], $0x2800  }
0xb2: {  	_ =	swait.ge [sflag:s19], $0x2800  }
0xb3: {  	s29 =	sadd.s32 $0x1, s29;
	s31 =	rddreg [dreg:$0x5]  }
0xb4: {  	p0 =	sne.s32 s29, s31  }
.Ltmp3:
0xb5: {  	_ = 	snop;
	(pc) =	sbr.rel @p0 .LBB2_1-.Ltmp3, $3  }
0xb6: {  	_ =	sdelay $0x1  }
0xb7: {  	[sflag:s19] =	ssyncset.done $0x0  }
0xb8: {  	[sflag:s19] =	ssyncadd.s32 $0xFFFFD800  }
0xb9: {  	_ =	sfence.sel $0x180000  }
0xba: {  	[bflag:$0x0] =	sbarrier.arrive $0xFFFF  }
0xbb: {  	_ =	strace $0x9000004A  }
0xbc: {  	s0 =	stileid.u32;
	[bflag:$0x2] =	sbarrier.arrive $0xFFFF  }
0xbd: {  	p0 =	sne.s32 s0, $0x0;
	s0 =	rddreg [dreg:$0x2]  }
0xbe: {  	s0 =	sadd.s32 @!p0 $0x100000, s0  }
0xbf: {  	[sflag:s0] =	ssyncadd.tile.s32 @!p0 $0x1;
	_ =	shalt  }
.Lfunc_end2:
_tile_overlayer_lowered:
.L_overlay_start_2:
0xc0: {  	(tag) =	ssettag $0x2  }
0xc1: {  	s0 =	rddreg [dreg:$0x0];
	s2 =	stileid.u32  }
0xc2: {  	s1 =	rddreg [dreg:$0x1];
	p0 =	sne.s32 s2, $0x0  }
0xc3: {  	s3 =	rddreg [dreg:$0x2];
	[bflag:$0x3] =	sbarrier.arrive $0xFFFF;
	s2 =	simm.s32 @!p0 $0x1C05  }
0xc4: {  	[timem:s3], [sflag:s2] =	dma.local @!p0 [hbm:s0], s1  }
0xc5: {  	s0 =	simm.s32 @!p0 $0x5  }
0xc6: {  	_ =	swait.ge @!p0 [sflag:s0], s1  }
0xc7: {  	s1 =	ssub.s32 @!p0 $0x0, s1;
	[sflag:s0] =	ssyncset.done @!p0 $0x0  }
0xc8: {  	[sflag:s0] =	ssyncadd.s32 @!p0 s1  }
0xc9: {  	[bflag:$0x3] =	sbarrier.arrive $0xFFFF  }
0xca: {  	_ =	shalt  }

// kernel: kernel.15.cloned.1.call-start
scs
__scs_entry_jumppad:
0x0: {  	(pc) =	sbr.rel $0x88, $3  }
0x1: {  	(tag) =	ssettag $0x0;
	lr =	simm.s32 $0x1  }
0x2: {  	[smem:$0x3F8D] =	sst lr;
	_ =	strace $0xD0000000  }
0x3: {  	_ = 	snop  }
0x4: {  	_ = 	snop  }
0x5: {  	_ = 	snop  }
0x6: {  	_ = 	snop  }
0x7: {  	_ = 	snop  }
__scs_overlays_trampoline_lowered:
0x8: {  	[smem:$0x3F9C] =	sst s0  }
0x9: {  	[smem:$0x3F9D] =	sst s1  }
0xa: {  	[smem:$0x3F9E] =	sst s2  }
0xb: {  	[smem:$0x3F9F] =	sst s3  }
0xc: {  	[smem:$0x3FA0] =	sst s4  }
0xd: {  	[smem:$0x3FA1] =	sst s5  }
0xe: {  	[smem:$0x3FA2] =	sst s6  }
0xf: {  	[smem:$0x3FA3] =	sst s7  }
0x10: {  	[smem:$0x3FA4] =	sst s8  }
0x11: {  	[smem:$0x3FA5] =	sst s9;
	s0 =	simm.s32 @!p0 $0x0  }
0x12: {  	s1 =	sld [smem:$0x3F8B];
	s0 =	simm.s32 @p0 $0x1  }
0x13: {  	[smem:$0x3FA6] =	sst s0;
	s0 =	simm.s32 @!p1 $0x0  }
0x14: {  	s2 =	sld [smem:$0x3F8A];
	s0 =	simm.s32 @p1 $0x1  }
0x15: {  	[smem:$0x3FA7] =	sst s0;
	s0 =	simm.s32 @!p2 $0x0  }
0x16: {  	s3 =	sld [smem:$0x3FDB];
	s0 =	simm.s32 @p2 $0x1  }
0x17: {  	s4 =	simm.s32 $0x1BF5;
	[smem:$0x3FA9] =	sst s0  }
0x18: {  	s0 =	sld [smem:$0x3F8C];
	_ =	swait.ge [sflag:s4], $0x0  }
0x19: {  	s7 =	sld [smem:$0x3F8D]  }
0x1a: {  	s8 =	sadd.s32 $0xFFFFE003, lr  }
0x1b: {  	s9 =	sadd.s32 $0xFFFFFEF7, lr;
	s5 =	simm.s32 $0xFFFFFFFF;
	p2 =	slt.u32 s8, $0xFFFFF086  }
0x1c: {  	p1 =	slt.u32 s9, $0xF7A;
	s5 =	simm.s32 @!p2 $0x0  }
0x1d: {  	s5 =	simm.s32 @p1 $0x1;
	p0 =	seq.s32 s7, s2  }
0x1e: {  	s7 =	smul.u32 @!p0 $0xF7A, s2;
	p2 =	seq.s32 @!p0 s5, $0x0  }
0x1f: {  	s9 =	smul.u32 $0xF7A, s1;
	s8 =	simm.s32 @!p0 $0x1BF5;
	p2 =	por !p2, p0  }
0x20: {  	[sflag:s8] =	ssyncset.s32 @!p0 $0xFFFFF086;
	s6 =	sadd.s32 @!p0 s3, s7;
	s7 =	simm.s32 @!p0 $0x108  }
0x21: {  	s3 =	sadd.s32 s3, s9;
	s6 =	sadd.s32 @!p0 $0x88, s6;
	s7 =	simm.s32 @p2 $0x1082  }
0x22: {  	[simem:s7], [sflag:s8] =	dma.local @!p0 [hbm:s6], $0xF7A  }
0x23: {  	s9 =	sor.u32 $0xD0000000, s2;
	s6 =	simm.s32 $0x108;
	_ =	swait.ge @!p0 [sflag:s8], $0x0  }
0x24: {  	s3 =	sadd.s32 $0x88, s3;
	s6 =	simm.s32 @!p1 $0x1082;
	[sflag:s4] =	ssyncset.s32 $0xFFFFF086  }
0x25: {  	[simem:s6], [sflag:s4] =	dma.local [hbm:s3], $0xF7A  }
0x26: {  	[smem:$0x3F8D] =	sst s1;
	(tag) =	ssettag s2;
	_ =	strace s9  }
0x27: {  	s1 =	sld [smem:$0x3F9D]  }
0x28: {  	s2 =	sld [smem:$0x3F9E]  }
0x29: {  	s4 =	sld [smem:$0x3FA0]  }
0x2a: {  	p0 =	seq.s32 s5, $0x0;
	s5 =	sld [smem:$0x3FA1]  }
0x2b: {  	s6 =	sld [smem:$0x3FA2]  }
0x2c: {  	s7 =	sld [smem:$0x3FA3]  }
0x2d: {  	s3 =	simm.s32 $0x108;
	s8 =	sld [smem:$0x3FA4]  }
0x2e: {  	s3 =	simm.s32 @!p0 $0x1082;
	s9 =	sld [smem:$0x3FA5]  }
0x2f: {  	lr =	sadd.s32 s0, s3;
	s0 =	sld [smem:$0x3F9C]  }
0x30: {  	s3 =	sld [smem:$0x3F9F]  }
0x31: {  	[smem:$0x3FA8] =	sst s10  }
0x32: {  	s10 =	sld [smem:$0x3FA6];
	_ =	sdelay $0x3  }
0x33: {  	p0 =	seq.s32 s10, $0x1;
	s10 =	sld [smem:$0x3FA8];
	_ =	sdelay $0x3  }
0x34: {  	[smem:$0x3FA8] =	sst s10  }
0x35: {  	s10 =	sld [smem:$0x3FA7];
	_ =	sdelay $0x3  }
0x36: {  	p1 =	seq.s32 s10, $0x1;
	s10 =	sld [smem:$0x3FA8];
	_ =	sdelay $0x3  }
0x37: {  	[smem:$0x3FA8] =	sst s10  }
0x38: {  	s10 =	sld [smem:$0x3FA9]  }
0x39: {  	_ = 	snop;
	(pc) =	sbr.ind lr, $3  }
0x3a: {  	_ = 	snop  }
0x3b: {  	_ = 	snop  }
0x3c: {  	p2 =	seq.s32 s10, $0x1;
	s10 =	sld [smem:$0x3FA8]  }
0x3d: {  	_ =	shalt  }
0x3e: {  	_ =	shalt  }
0x3f: {  	_ =	shalt  }
0x40: {  	_ =	shalt  }
0x41: {  	_ =	shalt  }
0x42: {  	_ =	shalt  }
0x43: {  	_ =	shalt  }
0x44: {  	_ =	shalt  }
0x45: {  	_ =	shalt  }
0x46: {  	_ =	shalt  }
0x47: {  	_ =	shalt  }
0x48: {  	_ =	shalt  }
0x49: {  	_ =	shalt  }
0x4a: {  	_ =	shalt  }
0x4b: {  	_ =	shalt  }
0x4c: {  	_ =	shalt  }
0x4d: {  	_ =	shalt  }
0x4e: {  	_ =	shalt  }
0x4f: {  	_ =	shalt  }
0x50: {  	_ =	shalt  }
0x51: {  	_ =	shalt  }
0x52: {  	_ =	shalt  }
0x53: {  	_ =	shalt  }
0x54: {  	_ =	shalt  }
0x55: {  	_ =	shalt  }
0x56: {  	_ =	shalt  }
0x57: {  	_ =	shalt  }
0x58: {  	_ =	shalt  }
0x59: {  	_ =	shalt  }
0x5a: {  	_ =	shalt  }
0x5b: {  	_ =	shalt  }
0x5c: {  	_ =	shalt  }
0x5d: {  	_ =	shalt  }
0x5e: {  	_ =	shalt  }
0x5f: {  	_ =	shalt  }
0x60: {  	_ =	shalt  }
0x61: {  	_ =	shalt  }
0x62: {  	_ =	shalt  }
0x63: {  	_ =	shalt  }
0x64: {  	_ =	shalt  }
0x65: {  	_ =	shalt  }
0x66: {  	_ =	shalt  }
0x67: {  	_ =	shalt  }
0x68: {  	_ =	shalt  }
0x69: {  	_ =	shalt  }
0x6a: {  	_ =	shalt  }
0x6b: {  	_ =	shalt  }
0x6c: {  	_ =	shalt  }
0x6d: {  	_ =	shalt  }
0x6e: {  	_ =	shalt  }
0x6f: {  	_ =	shalt  }
0x70: {  	_ =	shalt  }
0x71: {  	_ =	shalt  }
0x72: {  	_ =	shalt  }
0x73: {  	_ =	shalt  }
0x74: {  	_ =	shalt  }
0x75: {  	_ =	shalt  }
0x76: {  	_ =	shalt  }
0x77: {  	_ =	shalt  }
0x78: {  	_ =	shalt  }
0x79: {  	_ =	shalt  }
0x7a: {  	_ =	shalt  }
0x7b: {  	_ =	shalt  }
0x7c: {  	_ =	shalt  }
0x7d: {  	_ =	shalt  }
0x7e: {  	_ =	shalt  }
0x7f: {  	_ =	shalt  }
0x80: {  	_ =	shalt  }
0x81: {  	_ =	shalt  }
0x82: {  	_ =	shalt  }
0x83: {  	_ =	shalt  }
0x84: {  	_ =	shalt  }
0x85: {  	_ =	shalt  }
0x86: {  	_ =	shalt  }
0x87: {  	_ =	shalt  }
.Lfunc_end0:
.L_simem_size_0:
called_computation.2_lowered:
.L_overlay_start_0:
0x88: {  	s2 =	sld [smem:$0x3FD9]  }
0x89: {  	s3 =	sld [smem:$0x3FFE];
	_ =	sdelay $0x1  }
0x8a: {  	s1 =	srdreg.scid  }
0x8b: {  	s0 =	sand.u32 $0x1, s1  }
0x8c: {  	s16 =	sshll.u32 s0, $0xA;
	s2 =	sadd.s32 s3, s2  }
0x8d: {  	s2 =	sadd.s32 s2, s16  }
0x8e: {  	[smem:$0x3FB4] =	sst s2  }
0x8f: {  	_ = 	snop  }
0x90: {  	(tm) =	ssettm $0x1  }
0x91: {  	s17 =	sld [smem:$0x3FFB];
	_ =	sdelay $0x3  }
0x92: {  	_ =	strace s17  }
0x93: {  	s2 =	sld [smem:$0x3FFC];
	_ =	sdelay $0x3  }
0x94: {  	_ =	strace s2  }
0x95: {  	s2 =	sld [smem:$0x3FFD];
	_ =	sdelay $0x3  }
0x96: {  	_ =	strace s2  }
0x97: {  	_ =	strace $0x8FFFFFFF  }
0x98: {  	s18 =	sld [smem:$0x3FDB];
	_ =	sdelay $0x1  }
0x99: {  	s19 =	simm.s32 $_scs_section_size  }
0x9a: {  	s4 =	simm.s32 $_size__tile_overlayer_lowered;
	s5 =	simm.s32 $_tile_overlayer_lowered  }
0x9b: {  	s22 =	simm.s32 $0x1BFF;
	s21 =	sshll.u32 s5, $0x1;
	s2 =	sadd.s32 s19, s18  }
0x9c: {  	s6 =	simm.s32 $0x0;
	s20 =	sshll.u32 s4, $0x1;
	s4 =	sadd.s32 s21, s2  }
0x9d: {  	[timem:s6], [sflag:s22] =	dma.local [hbm:s4], s20  }
0x9e: {  	_ =	swait.ge [sflag:s22], s20  }
0x9f: {  	s3 =	ssub.s32 $0x0, s20;
	[sflag:s22] =	ssyncset.done $0x0  }
0xa0: {  	[sflag:s22] =	ssyncadd.s32 s3;
	_ =	sdelay $0x1  }
0xa1: {  	s23 =	simm.s32 $0x1B8B  }
0xa2: {  	_ =	swait.ge [sflag:s23], $0x1  }
0xa3: {  	[sflag:s23] =	ssyncset.done $0x0  }
0xa4: {  	s25 =	simm.s32 $0x1B8E;
	s24 =	sld [smem:$0x3FFE];
	[sflag:s23] =	ssyncadd.s32 $0xFFFFFFFF  }
0xa5: {  	s26 =	simm.s32 $execute0_lowered;
	[smem:$0x3FD2] =	sst s25  }
0xa6: {  	s4 =	sshll.u32 s26, $0x1;
	_ =	strace $0x8000004C;
	[dreg:$0x1] =	wrdreg $0xFFFFFFFF  }
0xa7: {  	s28 =	simm.s32 $_size_execute0_lowered;
	s2 =	sadd.s32 s2, s4;
	[dreg:$0x0] =	wrdreg $0x0  }
0xa8: {  	s4 =	sshll.u32 s28, $0x1;
	[dreg:$0x2] =	wrdreg s2  }
0xa9: {  	[dreg:$0x3] =	wrdreg s4  }
0xaa: {  	[dreg:$0x4] =	wrdreg $0xC0  }
0xab: {  	_ =	task [dreg:s6], $0x5FFFF  }
0xac: {  	[dreg:$0x1] =	wrdreg $0xFFFFFFFF  }
0xad: {  	[dreg:$0x0] =	wrdreg $0x60  }
0xae: {  	[dreg:$0x2] =	wrdreg s24  }
0xaf: {  	[dreg:$0x3] =	wrdreg $0xA9800  }
0xb0: {  	[dreg:$0x4] =	wrdreg $0x9  }
0xb1: {  	_ =	task.clear_ibuf [dreg:s6], $0x5FFFF;
	_ =	strace $0x9000004C  }
0xb2: {  	s29 =	simm.s32 $0x9;
	_ =	strace $0x8000004E  }
0xb3: {  	_ =	swait.ge [sflag:s29], $0x1  }
0xb4: {  	[sflag:s29] =	ssyncadd.s32 $0xFFFFFFFF  }
0xb5: {  	_ =	strace $0x9000004E  }
0xb6: {  	_ =	sfence  }
0xb7: {  	s30 =	sld [smem:$0x0];
	_ =	sdelay $0x2  }
0xb8: {  	s31 =	sshll.u32 s1, $0xD;
	s1 =	sshrl.u32 s1, $0x2  }
0xb9: {  	s3 =	sand.u32 $0x4000, s31;
	s1 =	sadd.s32 s1, s30  }
0xba: {  	s0 =	sor.u32 s3, s0;
	s1 =	sshll.u32 s1, $0x11  }
0xbb: {  	s0 =	sor.u32 s1, s0  }
0xbc: {  	s0 =	sadd.s32 $0x8F2B, s0  }
0xbd: {  	[sflag:s0] =	ssyncadd.remote.s32 $0x1  }
0xbe: {  	_ =	sfence.sel $0xFFFF  }
0xbf: {  	[dreg:$0x0] =	wrdreg $0xFFFFFFFF;
	(pc) =	sbr.abs _section_cstart, $3  }
0xc0: {  	[dreg:$0x1] =	wrdreg $0xFFFFFFFF  }
0xc1: {  	_ =	task.clear_ibuf [dreg:s6], $0x2FFFF;
	_ =	strace $0x9FFFFFFF  }
0xc2: {  	(tm) =	ssettm $0x7FFFFFFF  }
0xc3: {  	_ =	shalt  }
tec
execute0_lowered:
.L_overlay_start_1:
0x0: {  	(tag) =	ssettag $0x1  }
0x1: {  	s0 =	rddreg [dreg:$0x0]  }
0x2: {  	s1 =	rddreg [dreg:$0x1];
	s2 =	srdreg.scid  }
0x3: {  	s4 =	simm.s32 $0x0;
	s7 =	stileid.u32;
	s18 =	simm.s32 $0x2980  }
0x4: {  	s19 =	simm.s32 $0x5;
	s20 =	simm.s32 $0x80;
	s28 =	simm.s32 $0x3  }
0x5: {  	s29 =	simm.s32 $0x0;
	s2 =	sand.u32 $0x1, s2;
	s6 =	smul.u32 $0x14000, s7  }
0x6: {  	[smem:$0x7FF] =	sst s4;
	s4 =	sadd.s32 $0xE800, s0;
	s24 =	smul.u32 $0x50000, s7  }
0x7: {  	s3 =	sshll.u32 s2, $0x4;
	s5 =	smul.u32 $0x140000, s2;
	s2 =	ssub.s32 $0x2, s2  }
0x8: {  	_ =	strace $0x8000004D;
	s3 =	sor.u32 s7, s3;
	s25 =	sshrl.u32 s2, $0x1  }
0x9: {  	s26 =	sshrl.u32 s24, $0x2;
	s24 =	simm.s32 $0x2880;
	s3 =	smul.u32 $0x4E2, s3  }
0xa: {  	s5 =	sadd.s32 s6, s5;
	s2 =	ssub.s32 s2, s25;
	s25 =	simm.s32 $0x1  }
0xb: {  	s5 =	sshrl.u32 s5, $0x3;
	s30 =	smax.u32 s2, $0x1;
	s3 =	sadd.s32 s3, s0  }
0xc: {  	s0 =	sadd.s32 s5, s0;
	s5 =	sadd.s32 s26, s1;
	[dreg:$0x5] =	wrdreg s30  }
0xd: {  	s26 =	simm.s32 $0x4;
	s3 =	sadd.s32 $0x4A00, s3;
	s0 =	sadd.s32 $0x36800, s0  }
0xe: {  	s31 =	sadd.s32 $0x2000, s5;
	s10 =	sadd.s32 $0x4000, s5;
	s11 =	sadd.s32 $0x6000, s5  }
0xf: {  	s12 =	sadd.s32 $0x8000, s5;
	s13 =	sadd.s32 $0xA000, s5;
	[dreg:$0x3] =	wrdreg s3  }
0x10: {  	s14 =	sadd.s32 $0xC000, s5;
	s15 =	sadd.s32 $0xE000, s5;
	[dreg:$0x4] =	wrdreg s0  }
0x11: {  	v0 =	vimm.f32 $0.0e+00;
	s16 =	sadd.s32 $0x10000, s5;
	s17 =	sadd.s32 $0x12000, s5;
	[dreg:$0x6] =	wrdreg s31  }
.LBB2_1:
0x12: {  	s0 =	simm.s32 $0x0;
	s2 =	simm.s32 $0x200  }
.LBB2_2:
0x13: {  	p0 =	sne.s32 s2, $0xFE00;
	[tilespmem:s0+$0x29F0] =	vst v0  }
0x14: {  	[tilespmem:s0+$0x2980] =	vst v0  }
0x15: {  	[tilespmem:s0+$0x2990] =	vst v0  }
.Ltmp0:
0x16: {  	[tilespmem:s0+$0x29A0] =	vst v0;
	(pc) =	sbr.rel @p0 .LBB2_2-.Ltmp0, $4  }
0x17: {  	[tilespmem:s0+$0x29B0] =	vst v0  }
0x18: {  	[tilespmem:s0+$0x29C0] =	vst v0  }
0x19: {  	[tilespmem:s0+$0x29D0] =	vst v0  }
0x1a: {  	[tilespmem:s0+$0x29E0] =	vst v0;
	s0 =	sshra.s32 s2, $0x2;
	s2 =	sadd.s32 $0x200, s2  }
0x1b: {  	[tilespmem:s0+$0x29F0] =	vst v0  }
0x1c: {  	[tilespmem:s0+$0x2980] =	vst v0  }
0x1d: {  	[tilespmem:s0+$0x2990] =	vst v0  }
0x1e: {  	[tilespmem:s0+$0x29A0] =	vst v0  }
0x1f: {  	[tilespmem:s0+$0x29B0] =	vst v0  }
0x20: {  	[tilespmem:s0+$0x29C0] =	vst v0  }
0x21: {  	[tilespmem:s0+$0x29D0] =	vst v0  }
0x22: {  	[tilespmem:s0+$0x29E0] =	vst v0  }
0x23: {  	[spmem:s5] =	stream.linear.scatter [tilespmem:s18], [sflag:$0x5], $0x2000, $0x38;
	[tilespmem:$0x1E980] =	vst v63  }
0x24: {  	_ =	swait.ge [sflag:s19], $0x2000  }
0x25: {  	[sflag:s19] =	ssyncset.done $0x0  }
0x26: {  	s8 =	rddreg [dreg:$0x6];
	[sflag:s19] =	ssyncadd.s32 $0xFFFFE000  }
0x27: {  	[spmem:s8] =	stream.linear.scatter [tilespmem:s18], [sflag:$0x5], $0x2000, $0x38;
	[tilespmem:$0x1E980] =	vst v63  }
0x28: {  	_ =	swait.ge [sflag:s19], $0x2000  }
0x29: {  	[sflag:s19] =	ssyncset.done $0x0  }
0x2a: {  	[sflag:s19] =	ssyncadd.s32 $0xFFFFE000  }
0x2b: {  	[spmem:s10] =	stream.linear.scatter [tilespmem:s18], [sflag:$0x5], $0x2000, $0x38;
	[tilespmem:$0x1E980] =	vst v63  }
0x2c: {  	_ =	swait.ge [sflag:s19], $0x2000  }
0x2d: {  	[sflag:s19] =	ssyncset.done $0x0  }
0x2e: {  	[sflag:s19] =	ssyncadd.s32 $0xFFFFE000  }
0x2f: {  	[spmem:s11] =	stream.linear.scatter [tilespmem:s18], [sflag:$0x5], $0x2000, $0x38;
	[tilespmem:$0x1E980] =	vst v63  }
0x30: {  	_ =	swait.ge [sflag:s19], $0x2000  }
0x31: {  	[sflag:s19] =	ssyncset.done $0x0  }
0x32: {  	[sflag:s19] =	ssyncadd.s32 $0xFFFFE000  }
0x33: {  	[spmem:s12] =	stream.linear.scatter [tilespmem:s18], [sflag:$0x5], $0x2000, $0x38;
	[tilespmem:$0x1E980] =	vst v63  }
0x34: {  	_ =	swait.ge [sflag:s19], $0x2000  }
0x35: {  	[sflag:s19] =	ssyncset.done $0x0  }
0x36: {  	[sflag:s19] =	ssyncadd.s32 $0xFFFFE000  }
0x37: {  	[spmem:s13] =	stream.linear.scatter [tilespmem:s18], [sflag:$0x5], $0x2000, $0x38;
	[tilespmem:$0x1E980] =	vst v63  }
0x38: {  	_ =	swait.ge [sflag:s19], $0x2000  }
0x39: {  	[sflag:s19] =	ssyncset.done $0x0  }
0x3a: {  	[sflag:s19] =	ssyncadd.s32 $0xFFFFE000  }
0x3b: {  	[spmem:s14] =	stream.linear.scatter [tilespmem:s18], [sflag:$0x5], $0x2000, $0x38;
	[tilespmem:$0x1E980] =	vst v63  }
0x3c: {  	_ =	swait.ge [sflag:s19], $0x2000  }
0x3d: {  	[sflag:s19] =	ssyncset.done $0x0  }
0x3e: {  	[sflag:s19] =	ssyncadd.s32 $0xFFFFE000  }
0x3f: {  	[spmem:s15] =	stream.linear.scatter [tilespmem:s18], [sflag:$0x5], $0x2000, $0x38;
	[tilespmem:$0x1E980] =	vst v63  }
0x40: {  	_ =	swait.ge [sflag:s19], $0x2000  }
0x41: {  	[sflag:s19] =	ssyncset.done $0x0  }
0x42: {  	[sflag:s19] =	ssyncadd.s32 $0xFFFFE000  }
0x43: {  	[spmem:s16] =	stream.linear.scatter [tilespmem:s18], [sflag:$0x5], $0x2000, $0x38;
	[tilespmem:$0x1E980] =	vst v63  }
0x44: {  	_ =	swait.ge [sflag:s19], $0x2000  }
0x45: {  	[sflag:s19] =	ssyncset.done $0x0  }
0x46: {  	[sflag:s19] =	ssyncadd.s32 $0xFFFFE000  }
0x47: {  	[spmem:s17] =	stream.linear.scatter [tilespmem:s18], [sflag:$0x5], $0x2000, $0x38;
	[tilespmem:$0x1E980] =	vst v63  }
0x48: {  	_ =	swait.ge [sflag:s19], $0x2000  }
0x49: {  	[sflag:s19] =	ssyncset.done $0x0  }
0x4a: {  	s9 =	simm.s32 $0x0;
	s2 =	rddreg [dreg:$0x3];
	[sflag:s19] =	ssyncadd.s32 $0xFFFFE000  }
0x4b: {  	[tilespmem:s9], [sflag:$0x5] =	stream.linear.gather [hbm4b:s2+s9], $0x2710, $0x38;
	[tilespmem:$0x1E980] =	vst v63  }
0x4c: {  	_ =	swait.ge [sflag:s19], $0x2710  }
0x4d: {  	[sflag:s19] =	ssyncset.done $0x0  }
0x4e: {  	[sflag:s19] =	ssyncadd.s32 $0xFFFFD8F0  }
0x4f: {  	[bflag:$0x0] =	sbarrier.arrive $0xFFFF  }
0x50: {  	v1 =	vld [tilespmem:$0x0];
	_ =	sdelay $0x1  }
0x51: {  	v2 =	vld [tilespmem:$0x10];
	_ =	sdelay $0x1  }
0x52: {  	v3 =	vld [tilespmem:$0x20]  }
0x53: {  	v4 =	vand.u32 $0xFFFF, v1  }
0x54: {  	v59 =	vld [tilespmem:$0x30];
	v1 =	vshrl.u32 v1, $0x10;
	[tilespmem:$0x2780] =	vst v4  }
0x55: {  	[tilespmem:$0x2880] =	vst v1;
	v1 =	vand.u32 $0xFFFF, v2  }
0x56: {  	[tilespmem:$0x2790] =	vst v1;
	v1 =	vshrl.u32 v2, $0x10;
	v2 =	vld [tilespmem:$0x40]  }
0x57: {  	[tilespmem:$0x2890] =	vst v1;
	v1 =	vand.u32 $0xFFFF, v3  }
0x58: {  	[tilespmem:$0x27A0] =	vst v1;
	v1 =	vshrl.u32 v3, $0x10;
	v3 =	vld [tilespmem:$0x50]  }
0x59: {  	[tilespmem:$0x28A0] =	vst v1;
	v1 =	vand.u32 $0xFFFF, v59  }
0x5a: {  	v60 =	vld [tilespmem:$0x60];
	[tilespmem:$0x27B0] =	vst v1;
	v1 =	vshrl.u32 v59, $0x10  }
0x5b: {  	[tilespmem:$0x28B0] =	vst v1;
	v1 =	vand.u32 $0xFFFF, v2  }
0x5c: {  	[tilespmem:$0x27C0] =	vst v1;
	v1 =	vshrl.u32 v2, $0x10;
	v2 =	vld [tilespmem:$0x70]  }
0x5d: {  	[tilespmem:$0x28C0] =	vst v1;
	v1 =	vand.u32 $0xFFFF, v3  }
0x5e: {  	[tilespmem:$0x27D0] =	vst v1;
	v1 =	vshrl.u32 v3, $0x10  }
0x5f: {  	[tilespmem:$0x28D0] =	vst v1;
	v1 =	vand.u32 $0xFFFF, v60  }
0x60: {  	[tilespmem:$0x27E0] =	vst v1;
	v1 =	vshrl.u32 v60, $0x10  }
0x61: {  	[tilespmem:$0x28E0] =	vst v1;
	v1 =	vand.u32 $0xFFFF, v2  }
0x62: {  	[tilespmem:$0x27F0] =	vst v1;
	v1 =	vshrl.u32 v2, $0x10  }
0x63: {  	s21 =	simm.s32 $0x2780;
	[tilespmem:$0x28F0] =	vst v1  }
0x64: {  	[tilespmem:s18], [sflag:$0x1] =	stream.indirect.gather [hbm4b:s4+s20], $0x80, s21, s20, $0xb8;
	[tilespmem:$0x1E980] =	vst v63  }
0x65: {  	v1 =	vld [tilespmem:$0x80];
	_ =	sdelay $0x1  }
0x66: {  	v2 =	vld [tilespmem:$0x90];
	_ =	sdelay $0x1  }
0x67: {  	v3 =	vld [tilespmem:$0xA0]  }
0x68: {  	v61 =	vand.u32 $0xFFFF, v1  }
0x69: {  	v62 =	vld [tilespmem:$0xB0];
	v1 =	vshrl.u32 v1, $0x10;
	[tilespmem:$0x2800] =	vst v61  }
0x6a: {  	[tilespmem:$0x2900] =	vst v1;
	v1 =	vand.u32 $0xFFFF, v2  }
0x6b: {  	[tilespmem:$0x2810] =	vst v1;
	v1 =	vshrl.u32 v2, $0x10;
	v2 =	vld [tilespmem:$0xC0]  }
0x6c: {  	[tilespmem:$0x2910] =	vst v1;
	v1 =	vand.u32 $0xFFFF, v3  }
0x6d: {  	[tilespmem:$0x2820] =	vst v1;
	v1 =	vshrl.u32 v3, $0x10;
	v3 =	vld [tilespmem:$0xD0]  }
0x6e: {  	[tilespmem:$0x2920] =	vst v1;
	v1 =	vand.u32 $0xFFFF, v62  }
0x6f: {  	v63 =	vld [tilespmem:$0xE0];
	[tilespmem:$0x2830] =	vst v1;
	v1 =	vshrl.u32 v62, $0x10  }
0x70: {  	[tilespmem:$0x2930] =	vst v1;
	v1 =	vand.u32 $0xFFFF, v2  }
0x71: {  	[tilespmem:$0x2840] =	vst v1;
	v1 =	vshrl.u32 v2, $0x10;
	v2 =	vld [tilespmem:$0xF0]  }
0x72: {  	[tilespmem:$0x2940] =	vst v1;
	v1 =	vand.u32 $0xFFFF, v3  }
0x73: {  	[tilespmem:$0x2850] =	vst v1;
	v1 =	vshrl.u32 v3, $0x10  }
0x74: {  	[tilespmem:$0x2950] =	vst v1;
	v1 =	vand.u32 $0xFFFF, v63  }
0x75: {  	[tilespmem:$0x2860] =	vst v1;
	v1 =	vshrl.u32 v63, $0x10  }
0x76: {  	[tilespmem:$0x2960] =	vst v1;
	v1 =	vand.u32 $0xFFFF, v2  }
0x77: {  	[tilespmem:$0x2870] =	vst v1;
	v1 =	vshrl.u32 v2, $0x10  }
0x78: {  	s22 =	simm.s32 $0x2800;
	s23 =	simm.s32 $0x6980;
	s0 =	simm.s32 $0x1;
	[tilespmem:$0x2970] =	vst v1  }
0x79: {  	[tilespmem:s23], [sflag:$0x2] =	stream.indirect.gather [hbm4b:s4+s20], $0x80, s22, s20, $0xb8;
	[tilespmem:$0x1E980] =	vst v63  }
0x7a: {  	_ =	swait.ge [sflag:s0], $0x4000  }
0x7b: {  	p0 =	por $0x0, $0x0;
	[sflag:s0] =	ssyncset.done $0x0  }
0x7c: {  	s30 =	simm.s32 $0x100;
	s31 =	simm.s32 $0x100;
	[sflag:s0] =	ssyncadd.s32 $0xFFFFC000  }
0x7d: {  	[spmem:s1] =	stream.indirect.scatter.add.f32 [tilespmem:s18], [sflag:$0x3], $0x80, s24, s20, $0xb8;
	[tilespmem:$0x1E980] =	vst v63  }
.LBB2_4:
0x7e: {  	s2 =	sadd.s32 $0xFFFFFFFF, s0  }
0x7f: {  	s3 =	sand.u32 $0x80, s2  }
0x80: {  	s3 =	sshrl.u32 s3, $0x7  }
0x81: {  	s3 =	sadd.s32 s3, s2  }
0x82: {  	s3 =	sand.u32 $0xFE, s3  }
0x83: {  	s2 =	ssub.s32 s2, s3  }
0x84: {  	s2 =	sshll.u32 s2, $0x18  }
0x85: {  	s6 =	sadd.s32 $0x0, s30;
	s2 =	sshra.s32 s2, $0x18  }
0x86: {  	p1 =	sgt.u32 s6, $0x270F;
	s3 =	simm.s32 $0x1;
	s2 =	sadd.s32 $0x3, s2  }
0x87: {  	s6 =	simm.s32 $0x0;
	s3 =	simm.s32 @!p0 $0x0;
	_ =	swait.ge [sflag:s2], $0x4000  }
0x88: {  	v1 =	vlaneseq.u32 @p1;
	p1 =	por p1, p1;
	s3 =	sshll.u32 s3, $0x7;
	[sflag:s2] =	ssyncset.done $0x0  }
0x89: {  	v2 =	vor.u32 @p1 s6, v1;
	s7 =	sadd.s32 $0x2780, s3;
	[sflag:s2] =	ssyncadd.s32 $0xFFFFC000  }
0x8a: {  	[tilespmem:s7+$0x0] =	vst @p1 v2  }
0x8b: {  	v2 =	vld @!p1 [tilespmem:s31+$0x0];
	_ =	sdelay $0x3  }
0x8c: {  	s23 =	sadd.s32 $0x10, s30;
	v1 =	vor.u32 @p1 $0x2710, v1  }
0x8d: {  	p2 =	sgt.u32 s23, $0x270F;
	v3 =	vadd.s32 @p1 s6, v1;
	v4 =	vand.u32 @!p1 $0xFFFF, v2;
	v2 =	vshrl.u32 @!p1 v2, $0x10  }
0x8e: {  	s23 =	simm.s32 $0x10;
	v1 =	vlaneseq.u32 @p2;
	s21 =	sadd.s32 $0x2880, s3;
	[tilespmem:s7+$0x0] =	vst @!p1 v4;
	v2 =	vpsel p1, v3, v2;
	p1 =	por p2, p2  }
0x8f: {  	s2 =	sadd.s32 $0x10, s7;
	v3 =	vor.u32 @p1 s23, v1;
	[tilespmem:s21+$0x0] =	vst v2  }
0x90: {  	s6 =	sadd.s32 $0x10, s31;
	s3 =	sadd.s32 $0x1, s0;
	[tilespmem:s2+$0x0] =	vst @p1 v3  }
0x91: {  	s22 =	sand.u32 $0x1, s3;
	s7 =	simm.s32 $0x20;
	v2 =	vld @!p1 [tilespmem:s6+$0x0]  }
.LBB2_5:
0x92: {  	_ =	sdelay $0x1  }
0x93: {  	s8 =	sadd.s32 s7, s30;
	s9 =	smov.u32 s7;
	s7 =	sadd.s32 $0x10, s7  }
0x94: {  	v1 =	vor.u32 @p1 $0x2710, v1;
	p2 =	sne.s32 s7, $0x80  }
.Ltmp1:
0x95: {  	p3 =	sgt.u32 s8, $0x270F;
	v3 =	vadd.s32 @p1 s23, v1;
	s23 =	smov.u32 s9;
	v4 =	vand.u32 @!p1 $0xFFFF, v2;
	v2 =	vshrl.u32 @!p1 v2, $0x10;
	(pc) =	sbr.rel @p2 .LBB2_5-.Ltmp1, $4  }
0x96: {  	s21 =	sadd.s32 $0x10, s21;
	v1 =	vlaneseq.u32 @p3;
	[tilespmem:s2+$0x0] =	vst @!p1 v4;
	v2 =	vpsel p1, v3, v2;
	p1 =	por p3, p3  }
0x97: {  	s2 =	sadd.s32 $0x10, s2;
	v3 =	vor.u32 @p1 s23, v1;
	[tilespmem:s21+$0x0] =	vst v2  }
0x98: {  	s6 =	sadd.s32 $0x10, s6;
	[tilespmem:s2+$0x0] =	vst @p1 v3  }
0x99: {  	v2 =	vld @!p1 [tilespmem:s6+$0x0]  }
0x9a: {  	_ =	sdelay $0x2  }
0x9b: {  	v1 =	vor.u32 @p1 $0x2710, v1;
	s6 =	sshll.u32 s22, $0xE  }
0x9c: {  	s7 =	sshll.u32 s22, $0x7;
	s8 =	sadd.s32 $0x1, s22;
	s0 =	sand.u32 $0x1, s0;
	v1 =	vadd.s32 @p1 s23, v1;
	v3 =	vand.u32 @!p1 $0xFFFF, v2;
	v2 =	vshrl.u32 @!p1 v2, $0x10  }
0x9d: {  	p0 =	por !p0, !p0;
	s23 =	sadd.s32 $0x10, s21;
	s6 =	sor.u32 $0x2980, s6;
	[tilespmem:s2+$0x0] =	vst @!p1 v3;
	v1 =	vpsel p1, v1, v2  }
0x9e: {  	s7 =	sadd.s32 $0x2780, s7;
	s9 =	sadd.s32 $0x1, s0;
	p1 =	sne.s32 s3, $0x4E;
	[tilespmem:s23+$0x0] =	vst v1  }
0x9f: {  	[tilespmem:s6], [sflag:s8] =	stream.indirect.gather [hbm4b:s4+s20], $0x80, s7, s20, $0xb8;
	[tilespmem:$0x1E980] =	vst v63  }
.Ltmp2:
0xa0: {  	s21 =	sshll.u32 s0, $0xE;
	_ =	swait.ge [sflag:s9], $0x4000;
	(pc) =	sbr.rel @p1 .LBB2_4-.Ltmp2, $4  }
0xa1: {  	s22 =	sshll.u32 s0, $0x7;
	s0 =	sadd.s32 $0x3, s0;
	[sflag:s9] =	ssyncset.done $0x0  }
0xa2: {  	s23 =	sadd.s32 $0x2880, s22;
	s6 =	sor.u32 $0x2980, s21;
	[sflag:s9] =	ssyncadd.s32 $0xFFFFC000  }
0xa3: {  	[spmem:s1] =	stream.indirect.scatter.add.f32 [tilespmem:s6], [sflag:s0], $0x80, s23, s20, $0xb8;
	[tilespmem:$0x1E980] =	vst v63  }
0xa4: {  	s31 =	sadd.s32 $0x80, s31;
	s30 =	sadd.s32 $0x80, s30;
	s0 =	smov.u32 s3  }
0xa5: {  	_ =	swait.ge [sflag:s25], $0x4000  }
0xa6: {  	[sflag:s25] =	ssyncset.done $0x0  }
0xa7: {  	[sflag:s25] =	ssyncadd.s32 $0xFFFFC000  }
0xa8: {  	[spmem:s1] =	stream.indirect.scatter.add.f32 [tilespmem:s18], [sflag:$0x3], $0x80, s24, s20, $0xb8;
	[tilespmem:$0x1E980] =	vst v63  }
0xa9: {  	_ =	swait.ge [sflag:s26], $0x4000  }
0xaa: {  	[sflag:s26] =	ssyncset.done $0x0  }
0xab: {  	[sflag:s26] =	ssyncadd.s32 $0xFFFFC000  }
0xac: {  	_ =	swait.ge [sflag:s28], $0x4000  }
0xad: {  	[sflag:s28] =	ssyncset.done $0x0  }
0xae: {  	s0 =	stileid.u32;
	[sflag:s28] =	ssyncadd.s32 $0xFFFFC000  }
0xaf: {  	s0 =	sshll.u32 s0, $0x6;
	[bflag:$0x0] =	sbarrier.arrive $0xFFFF  }
0xb0: {  	s2 =	sshrl.u32 s5, $0x3;
	s0 =	sor.u32 $0x1C05, s0;
	s3 =	rddreg [dreg:$0x4]  }
0xb1: {  	[hbm:s3], [sflag:s0] =	dma.local [spmem:s2], $0x2800  }
0xb2: {  	_ =	swait.ge [sflag:s19], $0x2800  }
0xb3: {  	s29 =	sadd.s32 $0x1, s29;
	s31 =	rddreg [dreg:$0x5]  }
0xb4: {  	p0 =	sne.s32 s29, s31  }
.Ltmp3:
0xb5: {  	_ = 	snop;
	(pc) =	sbr.rel @p0 .LBB2_1-.Ltmp3, $3  }
0xb6: {  	_ =	sdelay $0x1  }
0xb7: {  	[sflag:s19] =	ssyncset.done $0x0  }
0xb8: {  	[sflag:s19] =	ssyncadd.s32 $0xFFFFD800  }
0xb9: {  	_ =	sfence.sel $0x180000  }
0xba: {  	[bflag:$0x0] =	sbarrier.arrive $0xFFFF  }
0xbb: {  	_ =	strace $0x9000004D  }
0xbc: {  	s0 =	stileid.u32;
	[bflag:$0x2] =	sbarrier.arrive $0xFFFF  }
0xbd: {  	p0 =	sne.s32 s0, $0x0;
	s0 =	rddreg [dreg:$0x2]  }
0xbe: {  	s0 =	sadd.s32 @!p0 $0x100000, s0  }
0xbf: {  	[sflag:s0] =	ssyncadd.tile.s32 @!p0 $0x1;
	_ =	shalt  }
.Lfunc_end2:
_tile_overlayer_lowered:
.L_overlay_start_2:
0xc0: {  	(tag) =	ssettag $0x2  }
0xc1: {  	s0 =	rddreg [dreg:$0x0];
	s2 =	stileid.u32  }
0xc2: {  	s1 =	rddreg [dreg:$0x1];
	p0 =	sne.s32 s2, $0x0  }
0xc3: {  	s3 =	rddreg [dreg:$0x2];
	[bflag:$0x3] =	sbarrier.arrive $0xFFFF;
	s2 =	simm.s32 @!p0 $0x1C05  }
0xc4: {  	[timem:s3], [sflag:s2] =	dma.local @!p0 [hbm:s0], s1  }
0xc5: {  	s0 =	simm.s32 @!p0 $0x5  }
0xc6: {  	_ =	swait.ge @!p0 [sflag:s0], s1  }
0xc7: {  	s1 =	ssub.s32 @!p0 $0x0, s1;
	[sflag:s0] =	ssyncset.done @!p0 $0x0  }
0xc8: {  	[sflag:s0] =	ssyncadd.s32 @!p0 s1  }
0xc9: {  	[bflag:$0x3] =	sbarrier.arrive $0xFFFF  }
0xca: {  	_ =	shalt  }

// kernel: kernel.9.cloned.1.call-start
scs
__scs_entry_jumppad:
0x0: {  	(pc) =	sbr.rel $0x88, $3  }
0x1: {  	(tag) =	ssettag $0x0;
	lr =	simm.s32 $0x1  }
0x2: {  	[smem:$0x3F8D] =	sst lr;
	_ =	strace $0xD0000000  }
0x3: {  	_ = 	snop  }
0x4: {  	_ = 	snop  }
0x5: {  	_ = 	snop  }
0x6: {  	_ = 	snop  }
0x7: {  	_ = 	snop  }
__scs_overlays_trampoline_lowered:
0x8: {  	[smem:$0x3F9C] =	sst s0  }
0x9: {  	[smem:$0x3F9D] =	sst s1  }
0xa: {  	[smem:$0x3F9E] =	sst s2  }
0xb: {  	[smem:$0x3F9F] =	sst s3  }
0xc: {  	[smem:$0x3FA0] =	sst s4  }
0xd: {  	[smem:$0x3FA1] =	sst s5  }
0xe: {  	[smem:$0x3FA2] =	sst s6  }
0xf: {  	[smem:$0x3FA3] =	sst s7  }
0x10: {  	[smem:$0x3FA4] =	sst s8  }
0x11: {  	[smem:$0x3FA5] =	sst s9;
	s0 =	simm.s32 @!p0 $0x0  }
0x12: {  	s1 =	sld [smem:$0x3F8B];
	s0 =	simm.s32 @p0 $0x1  }
0x13: {  	[smem:$0x3FA6] =	sst s0;
	s0 =	simm.s32 @!p1 $0x0  }
0x14: {  	s2 =	sld [smem:$0x3F8A];
	s0 =	simm.s32 @p1 $0x1  }
0x15: {  	[smem:$0x3FA7] =	sst s0;
	s0 =	simm.s32 @!p2 $0x0  }
0x16: {  	s3 =	sld [smem:$0x3FDB];
	s0 =	simm.s32 @p2 $0x1  }
0x17: {  	s4 =	simm.s32 $0x1BF5;
	[smem:$0x3FA9] =	sst s0  }
0x18: {  	s0 =	sld [smem:$0x3F8C];
	_ =	swait.ge [sflag:s4], $0x0  }
0x19: {  	s7 =	sld [smem:$0x3F8D]  }
0x1a: {  	s8 =	sadd.s32 $0xFFFFE003, lr  }
0x1b: {  	s9 =	sadd.s32 $0xFFFFFEF7, lr;
	s5 =	simm.s32 $0xFFFFFFFF;
	p2 =	slt.u32 s8, $0xFFFFF086  }
0x1c: {  	p1 =	slt.u32 s9, $0xF7A;
	s5 =	simm.s32 @!p2 $0x0  }
0x1d: {  	s5 =	simm.s32 @p1 $0x1;
	p0 =	seq.s32 s7, s2  }
0x1e: {  	s7 =	smul.u32 @!p0 $0xF7A, s2;
	p2 =	seq.s32 @!p0 s5, $0x0  }
0x1f: {  	s9 =	smul.u32 $0xF7A, s1;
	s8 =	simm.s32 @!p0 $0x1BF5;
	p2 =	por !p2, p0  }
0x20: {  	[sflag:s8] =	ssyncset.s32 @!p0 $0xFFFFF086;
	s6 =	sadd.s32 @!p0 s3, s7;
	s7 =	simm.s32 @!p0 $0x108  }
0x21: {  	s3 =	sadd.s32 s3, s9;
	s6 =	sadd.s32 @!p0 $0x88, s6;
	s7 =	simm.s32 @p2 $0x1082  }
0x22: {  	[simem:s7], [sflag:s8] =	dma.local @!p0 [hbm:s6], $0xF7A  }
0x23: {  	s9 =	sor.u32 $0xD0000000, s2;
	s6 =	simm.s32 $0x108;
	_ =	swait.ge @!p0 [sflag:s8], $0x0  }
0x24: {  	s3 =	sadd.s32 $0x88, s3;
	s6 =	simm.s32 @!p1 $0x1082;
	[sflag:s4] =	ssyncset.s32 $0xFFFFF086  }
0x25: {  	[simem:s6], [sflag:s4] =	dma.local [hbm:s3], $0xF7A  }
0x26: {  	[smem:$0x3F8D] =	sst s1;
	(tag) =	ssettag s2;
	_ =	strace s9  }
0x27: {  	s1 =	sld [smem:$0x3F9D]  }
0x28: {  	s2 =	sld [smem:$0x3F9E]  }
0x29: {  	s4 =	sld [smem:$0x3FA0]  }
0x2a: {  	p0 =	seq.s32 s5, $0x0;
	s5 =	sld [smem:$0x3FA1]  }
0x2b: {  	s6 =	sld [smem:$0x3FA2]  }
0x2c: {  	s7 =	sld [smem:$0x3FA3]  }
0x2d: {  	s3 =	simm.s32 $0x108;
	s8 =	sld [smem:$0x3FA4]  }
0x2e: {  	s3 =	simm.s32 @!p0 $0x1082;
	s9 =	sld [smem:$0x3FA5]  }
0x2f: {  	lr =	sadd.s32 s0, s3;
	s0 =	sld [smem:$0x3F9C]  }
0x30: {  	s3 =	sld [smem:$0x3F9F]  }
0x31: {  	[smem:$0x3FA8] =	sst s10  }
0x32: {  	s10 =	sld [smem:$0x3FA6];
	_ =	sdelay $0x3  }
0x33: {  	p0 =	seq.s32 s10, $0x1;
	s10 =	sld [smem:$0x3FA8];
	_ =	sdelay $0x3  }
0x34: {  	[smem:$0x3FA8] =	sst s10  }
0x35: {  	s10 =	sld [smem:$0x3FA7];
	_ =	sdelay $0x3  }
0x36: {  	p1 =	seq.s32 s10, $0x1;
	s10 =	sld [smem:$0x3FA8];
	_ =	sdelay $0x3  }
0x37: {  	[smem:$0x3FA8] =	sst s10  }
0x38: {  	s10 =	sld [smem:$0x3FA9]  }
0x39: {  	_ = 	snop;
	(pc) =	sbr.ind lr, $3  }
0x3a: {  	_ = 	snop  }
0x3b: {  	_ = 	snop  }
0x3c: {  	p2 =	seq.s32 s10, $0x1;
	s10 =	sld [smem:$0x3FA8]  }
0x3d: {  	_ =	shalt  }
0x3e: {  	_ =	shalt  }
0x3f: {  	_ =	shalt  }
0x40: {  	_ =	shalt  }
0x41: {  	_ =	shalt  }
0x42: {  	_ =	shalt  }
0x43: {  	_ =	shalt  }
0x44: {  	_ =	shalt  }
0x45: {  	_ =	shalt  }
0x46: {  	_ =	shalt  }
0x47: {  	_ =	shalt  }
0x48: {  	_ =	shalt  }
0x49: {  	_ =	shalt  }
0x4a: {  	_ =	shalt  }
0x4b: {  	_ =	shalt  }
0x4c: {  	_ =	shalt  }
0x4d: {  	_ =	shalt  }
0x4e: {  	_ =	shalt  }
0x4f: {  	_ =	shalt  }
0x50: {  	_ =	shalt  }
0x51: {  	_ =	shalt  }
0x52: {  	_ =	shalt  }
0x53: {  	_ =	shalt  }
0x54: {  	_ =	shalt  }
0x55: {  	_ =	shalt  }
0x56: {  	_ =	shalt  }
0x57: {  	_ =	shalt  }
0x58: {  	_ =	shalt  }
0x59: {  	_ =	shalt  }
0x5a: {  	_ =	shalt  }
0x5b: {  	_ =	shalt  }
0x5c: {  	_ =	shalt  }
0x5d: {  	_ =	shalt  }
0x5e: {  	_ =	shalt  }
0x5f: {  	_ =	shalt  }
0x60: {  	_ =	shalt  }
0x61: {  	_ =	shalt  }
0x62: {  	_ =	shalt  }
0x63: {  	_ =	shalt  }
0x64: {  	_ =	shalt  }
0x65: {  	_ =	shalt  }
0x66: {  	_ =	shalt  }
0x67: {  	_ =	shalt  }
0x68: {  	_ =	shalt  }
0x69: {  	_ =	shalt  }
0x6a: {  	_ =	shalt  }
0x6b: {  	_ =	shalt  }
0x6c: {  	_ =	shalt  }
0x6d: {  	_ =	shalt  }
0x6e: {  	_ =	shalt  }
0x6f: {  	_ =	shalt  }
0x70: {  	_ =	shalt  }
0x71: {  	_ =	shalt  }
0x72: {  	_ =	shalt  }
0x73: {  	_ =	shalt  }
0x74: {  	_ =	shalt  }
0x75: {  	_ =	shalt  }
0x76: {  	_ =	shalt  }
0x77: {  	_ =	shalt  }
0x78: {  	_ =	shalt  }
0x79: {  	_ =	shalt  }
0x7a: {  	_ =	shalt  }
0x7b: {  	_ =	shalt  }
0x7c: {  	_ =	shalt  }
0x7d: {  	_ =	shalt  }
0x7e: {  	_ =	shalt  }
0x7f: {  	_ =	shalt  }
0x80: {  	_ =	shalt  }
0x81: {  	_ =	shalt  }
0x82: {  	_ =	shalt  }
0x83: {  	_ =	shalt  }
0x84: {  	_ =	shalt  }
0x85: {  	_ =	shalt  }
0x86: {  	_ =	shalt  }
0x87: {  	_ =	shalt  }
.Lfunc_end0:
.L_simem_size_0:
called_computation_lowered:
.L_overlay_start_0:
0x88: {  	s2 =	sld [smem:$0x3FD9]  }
0x89: {  	s3 =	sld [smem:$0x3FFE];
	_ =	sdelay $0x1  }
0x8a: {  	s1 =	srdreg.scid  }
0x8b: {  	s0 =	sand.u32 $0x1, s1  }
0x8c: {  	s17 =	sshll.u32 s0, $0xA;
	s2 =	sadd.s32 s3, s2  }
0x8d: {  	s2 =	sadd.s32 s2, s17  }
0x8e: {  	[smem:$0x3FB4] =	sst s2  }
0x8f: {  	_ = 	snop  }
0x90: {  	s2 =	sld [smem:$0x3FD0];
	(tm) =	ssettm $0x1  }
0x91: {  	s18 =	sld [smem:$0x3FFB];
	_ =	sdelay $0x3  }
0x92: {  	_ =	strace s18  }
0x93: {  	s3 =	sld [smem:$0x3FFC];
	_ =	sdelay $0x3  }
0x94: {  	_ =	strace s3  }
0x95: {  	s3 =	sld [smem:$0x3FFD];
	_ =	sdelay $0x3  }
0x96: {  	_ =	strace s3  }
0x97: {  	_ =	strace $0x8FFFFFFF  }
0x98: {  	s19 =	sld [smem:$0x3FDB];
	_ =	sdelay $0x1  }
0x99: {  	s4 =	simm.s32 $_scs_section_size  }
0x9a: {  	s5 =	simm.s32 $_size__tile_overlayer_lowered;
	s6 =	simm.s32 $_tile_overlayer_lowered  }
0x9b: {  	s22 =	simm.s32 $0x1BFF;
	s21 =	sshll.u32 s6, $0x1;
	s3 =	sadd.s32 s4, s19  }
0x9c: {  	s7 =	simm.s32 $0x0;
	s20 =	sshll.u32 s5, $0x1;
	s5 =	sadd.s32 s21, s3  }
0x9d: {  	[timem:s7], [sflag:s22] =	dma.local [hbm:s5], s20  }
0x9e: {  	_ =	swait.ge [sflag:s22], s20  }
0x9f: {  	s4 =	ssub.s32 $0x0, s20;
	[sflag:s22] =	ssyncset.done $0x0  }
0xa0: {  	[sflag:s22] =	ssyncadd.s32 s4;
	_ =	sdelay $0x1  }
0xa1: {  	s23 =	simm.s32 $0x1B8B  }
0xa2: {  	_ =	swait.ge [sflag:s23], $0x1  }
0xa3: {  	[sflag:s23] =	ssyncset.done $0x0  }
0xa4: {  	s25 =	simm.s32 $0x1B8E;
	s24 =	sld [smem:$0x3FFE];
	[sflag:s23] =	ssyncadd.s32 $0xFFFFFFFF  }
0xa5: {  	s26 =	simm.s32 $execute0_lowered;
	[smem:$0x3FD2] =	sst s25  }
0xa6: {  	s5 =	sshll.u32 s26, $0x1;
	_ =	strace $0x80000046;
	[dreg:$0x1] =	wrdreg $0xFFFFFFFF  }
0xa7: {  	s28 =	simm.s32 $_size_execute0_lowered;
	s3 =	sadd.s32 s3, s5;
	[dreg:$0x0] =	wrdreg $0x0  }
0xa8: {  	s5 =	sshll.u32 s28, $0x1;
	[dreg:$0x2] =	wrdreg s3  }
0xa9: {  	[dreg:$0x3] =	wrdreg s5  }
0xaa: {  	[dreg:$0x4] =	wrdreg $0xC0  }
0xab: {  	_ =	task [dreg:s7], $0x5FFFF  }
0xac: {  	[dreg:$0x1] =	wrdreg $0xFFFFFFFF  }
0xad: {  	[dreg:$0x0] =	wrdreg $0x60  }
0xae: {  	[dreg:$0x2] =	wrdreg s2  }
0xaf: {  	[dreg:$0x3] =	wrdreg s24  }
0xb0: {  	[dreg:$0x4] =	wrdreg $0x2B000  }
0xb1: {  	[dreg:$0x5] =	wrdreg $0x9  }
0xb2: {  	_ =	task.clear_ibuf [dreg:s7], $0x6FFFF;
	_ =	strace $0x90000046  }
0xb3: {  	s29 =	simm.s32 $0x9;
	_ =	strace $0x80000048  }
0xb4: {  	_ =	swait.ge [sflag:s29], $0x1  }
0xb5: {  	[sflag:s29] =	ssyncadd.s32 $0xFFFFFFFF  }
0xb6: {  	_ =	strace $0x90000048  }
0xb7: {  	_ =	sfence  }
0xb8: {  	s30 =	sld [smem:$0x0];
	_ =	sdelay $0x2  }
0xb9: {  	s31 =	sshll.u32 s1, $0xD;
	s1 =	sshrl.u32 s1, $0x2  }
0xba: {  	s3 =	sand.u32 $0x4000, s31;
	s1 =	sadd.s32 s1, s30  }
0xbb: {  	s0 =	sor.u32 s3, s0;
	s1 =	sshll.u32 s1, $0x11  }
0xbc: {  	s0 =	sor.u32 s1, s0  }
0xbd: {  	s0 =	sadd.s32 $0x8F2B, s0  }
0xbe: {  	[sflag:s0] =	ssyncadd.remote.s32 $0x1  }
0xbf: {  	_ =	sfence.sel $0xFFFF  }
0xc0: {  	[dreg:$0x0] =	wrdreg $0xFFFFFFFF;
	(pc) =	sbr.abs _section_cstart, $3  }
0xc1: {  	[dreg:$0x1] =	wrdreg $0xFFFFFFFF  }
0xc2: {  	_ =	task.clear_ibuf [dreg:s7], $0x2FFFF;
	_ =	strace $0x9FFFFFFF  }
0xc3: {  	(tm) =	ssettm $0x7FFFFFFF  }
tec
execute0_lowered:
.L_overlay_start_1:
0x0: {  	(tag) =	ssettag $0x1  }
0x1: {  	s4 =	rddreg [dreg:$0x0]  }
0x2: {  	s5 =	rddreg [dreg:$0x1]  }
0x3: {  	s2 =	rddreg [dreg:$0x2]  }
0x4: {  	s3 =	srdreg.scid;
	s0 =	rddreg [dreg:$0x3]  }
0x5: {  	s1 =	stileid.u32;
	s11 =	simm.s32 $0x2780;
	s12 =	simm.s32 $0x2800  }
0x6: {  	s15 =	simm.s32 $0x10;
	s16 =	simm.s32 $0x0;
	s6 =	sand.u32 $0x1, s3  }
0x7: {  	s3 =	simm.s32 $0x0;
	s8 =	sshrl.u32 s1, $0x3;
	s30 =	smul.u32 $0xA00, s1  }
0x8: {  	s9 =	sshll.u32 s1, $0x7;
	s13 =	sshll.u32 s1, $0x6;
	s7 =	smul.u32 $0x2800, s6  }
0x9: {  	[smem:$0x7FF] =	sst s3;
	s8 =	smul.u32 $0x1400, s8;
	s26 =	sand.u32 $0x380, s9  }
0xa: {  	s28 =	sshll.u32 s6, $0x4;
	s6 =	ssub.s32 $0x2, s6;
	s13 =	sor.u32 $0x1C01, s13  }
0xb: {  	_ =	strace $0x80000047;
	s29 =	sor.u32 s1, s28;
	s7 =	sadd.s32 s7, s8  }
0xc: {  	s31 =	sshrl.u32 s6, $0x1;
	s8 =	smul.u32 $0x4E2, s29;
	s7 =	sor.u32 s26, s7  }
0xd: {  	s9 =	sshrl.u32 s30, $0x2;
	s10 =	ssub.s32 s6, s31;
	s7 =	sshrl.u32 s7, $0x3  }
0xe: {  	s4 =	sadd.s32 s4, s8;
	s8 =	simm.s32 $0x1;
	s7 =	sadd.s32 s7, s5  }
0xf: {  	s5 =	sadd.s32 s9, s2;
	s9 =	simm.s32 $0x2880;
	s6 =	sadd.s32 $0x4000, s7  }
0x10: {  	v0 =	vimm.f32 $1.000000000e+00;
	v1 =	vimm.f32 $0.0e+00;
	s7 =	smax.u32 s10, $0x1;
	s10 =	simm.s32 $0x80;
	s14 =	sshrl.u32 s5, $0x3  }
.LBB2_1:
0x11: {  	[tilespmem:$0x2800] =	vst v0  }
0x12: {  	[tilespmem:$0x2810] =	vst v0  }
0x13: {  	[tilespmem:$0x2820] =	vst v0  }
0x14: {  	[tilespmem:$0x2830] =	vst v0  }
0x15: {  	[tilespmem:$0x2840] =	vst v0  }
0x16: {  	[tilespmem:$0x2850] =	vst v0  }
0x17: {  	[tilespmem:$0x2860] =	vst v0  }
0x18: {  	[tilespmem:$0x2870] =	vst v0  }
0x19: {  	[tilespmem:$0x2880] =	vst v1  }
0x1a: {  	[tilespmem:$0x2890] =	vst v1  }
0x1b: {  	[tilespmem:$0x28A0] =	vst v1  }
0x1c: {  	[tilespmem:$0x28B0] =	vst v1  }
0x1d: {  	[tilespmem:$0x28C0] =	vst v1  }
0x1e: {  	[tilespmem:$0x28D0] =	vst v1  }
0x1f: {  	[tilespmem:$0x28E0] =	vst v1  }
0x20: {  	[tilespmem:$0x28F0] =	vst v1  }
0x21: {  	[tilespmem:$0x2900] =	vst v1  }
0x22: {  	[tilespmem:$0x2910] =	vst v1  }
0x23: {  	[tilespmem:$0x2920] =	vst v1  }
0x24: {  	[tilespmem:$0x2930] =	vst v1  }
0x25: {  	[tilespmem:$0x2940] =	vst v1  }
0x26: {  	[tilespmem:$0x2950] =	vst v1  }
0x27: {  	[tilespmem:$0x2960] =	vst v1  }
0x28: {  	[tilespmem:$0x2970] =	vst v1  }
0x29: {  	[tilespmem:$0x2980] =	vst v1  }
0x2a: {  	[tilespmem:$0x2990] =	vst v1  }
0x2b: {  	[tilespmem:$0x29A0] =	vst v1  }
0x2c: {  	[tilespmem:$0x29B0] =	vst v1  }
0x2d: {  	[tilespmem:$0x29C0] =	vst v1  }
0x2e: {  	[tilespmem:$0x29D0] =	vst v1  }
0x2f: {  	[tilespmem:$0x29E0] =	vst v1  }
0x30: {  	[tilespmem:$0x29F0] =	vst v1  }
0x31: {  	[tilespmem:$0x2A00] =	vst v1  }
0x32: {  	[tilespmem:$0x2A10] =	vst v1  }
0x33: {  	[tilespmem:$0x2A20] =	vst v1  }
0x34: {  	[tilespmem:$0x2A30] =	vst v1  }
0x35: {  	[tilespmem:$0x2A40] =	vst v1  }
0x36: {  	[tilespmem:$0x2A50] =	vst v1  }
0x37: {  	[tilespmem:$0x2A60] =	vst v1  }
0x38: {  	[tilespmem:$0x2A70] =	vst v1  }
0x39: {  	[tilespmem:$0x2A80] =	vst v1  }
0x3a: {  	[tilespmem:$0x2A90] =	vst v1  }
0x3b: {  	[tilespmem:$0x2AA0] =	vst v1  }
0x3c: {  	[tilespmem:$0x2AB0] =	vst v1  }
0x3d: {  	[tilespmem:$0x2AC0] =	vst v1  }
0x3e: {  	[tilespmem:$0x2AD0] =	vst v1  }
0x3f: {  	[tilespmem:$0x2AE0] =	vst v1  }
0x40: {  	[tilespmem:$0x2AF0] =	vst v1  }
0x41: {  	[tilespmem:s3], [sflag:$0x1] =	stream.linear.gather [hbm4b:s4+s3], $0x2710, $0x38;
	[tilespmem:$0x2D80] =	vst v63  }
0x42: {  	_ =	swait.ge [sflag:s8], $0x2710  }
0x43: {  	[sflag:s8] =	ssyncset.done $0x0  }
0x44: {  	[sflag:s8] =	ssyncadd.s32 $0xFFFFD8F0  }
0x45: {  	[spmem:s5] =	stream.linear.scatter [tilespmem:s9], [sflag:$0x1], $0x280, $0x38;
	[tilespmem:$0x2D80] =	vst v63  }
0x46: {  	_ =	swait.ge [sflag:s8], $0x280  }
0x47: {  	[sflag:s8] =	ssyncset.done $0x0  }
0x48: {  	s17 =	simm.s32 $0x0;
	[sflag:s8] =	ssyncadd.s32 $0xFFFFFD80  }
0x49: {  	s18 =	simm.s32 $0x0;
	s19 =	simm.s32 $0x0;
	[bflag:$0x0] =	sbarrier.arrive $0xFFFF  }
.LBB2_2:
0x4a: {  	s20 =	sadd.s32 $0x0, s17  }
0x4b: {  	p0 =	sgt.u32 s20, $0x270F  }
0x4c: {  	v2 =	vld @!p0 [tilespmem:s18+$0x0];
	_ =	sdelay $0x2  }
0x4d: {  	s20 =	simm.s32 @p0 $0x2710;
	v3 =	vlaneseq.u32 @p0  }
0x4e: {  	v3 =	vor.u32 @p0 s20, v3  }
0x4f: {  	s21 =	sadd.s32 $0x10, s17;
	s20 =	simm.s32 $0x2780;
	v2 =	vpsel p0, v3, v2  }
0x50: {  	p0 =	sgt.u32 s21, $0x270F;
	s21 =	sadd.s32 $0x10, s18;
	[tilespmem:s20+$0x0] =	vst v2  }
0x51: {  	v2 =	vld @!p0 [tilespmem:s21+$0x0];
	_ =	sdelay $0x1  }
0x52: {  	s23 =	simm.s32 @p0 $0x2720;
	v3 =	vlaneseq.u32 @p0  }
0x53: {  	s22 =	simm.s32 $0x20;
	v3 =	vor.u32 @p0 s23, v3  }
.LBB2_3:
0x54: {  	s23 =	sadd.s32 s22, s17  }
0x55: {  	v2 =	vpsel p0, v3, v2;
	s20 =	sadd.s32 $0x10, s20;
	s24 =	smov.u32 s22;
	s22 =	sadd.s32 $0x10, s22  }
0x56: {  	s21 =	sadd.s32 $0x10, s21;
	p0 =	sgt.u32 s23, $0x270F;
	p1 =	sne.s32 s22, $0x80;
	[tilespmem:s20+$0x0] =	vst v2  }
.Ltmp0:
0x57: {  	v2 =	vld @!p0 [tilespmem:s21+$0x0];
	(pc) =	sbr.rel @p1 .LBB2_3-.Ltmp0, $3  }
0x58: {  	_ =	sdelay $0x1  }
0x59: {  	s23 =	sadd.s32 @p0 $0x2710, s24;
	v3 =	vlaneseq.u32 @p0  }
0x5a: {  	v3 =	vor.u32 @p0 s23, v3  }
0x5b: {  	s19 =	sadd.s32 $0x1, s19  }
0x5c: {  	v2 =	vpsel p0, v3, v2;
	s20 =	sadd.s32 $0x10, s20;
	p0 =	sne.s32 s19, $0x4F  }
.Ltmp1:
0x5d: {  	[tilespmem:s20+$0x0] =	vst v2;
	(pc) =	sbr.rel @p0 .LBB2_2-.Ltmp1, $4  }
0x5e: {  	[spmem:s2] =	stream.indirect.scatter.add.f32 [tilespmem:s12], [sflag:$0x1], $0x1, s11, s10, $0xb8;
	[tilespmem:$0x2D80] =	vst v63  }
0x5f: {  	_ =	swait.ge [sflag:s8], $0x80  }
0x60: {  	[sflag:s8] =	ssyncset.done $0x0  }
0x61: {  	s18 =	sadd.s32 $0x80, s18;
	s17 =	sadd.s32 $0x80, s17;
	[sflag:s8] =	ssyncadd.s32 $0xFFFFFF80  }
0x62: {  	s16 =	sadd.s32 $0x1, s16  }
0x63: {  	p0 =	sne.s32 s16, s7  }
.Ltmp2:
0x64: {  	[bflag:$0x0] =	sbarrier.arrive $0xFFFF;
	(pc) =	sbr.rel @p0 .LBB2_1-.Ltmp2, $4  }
0x65: {  	[hbm:s6@s10], [sflag:s13] =	dma.strided [spmem:s14@s15], $0x50, s8, $0x10   }
0x66: {  	_ =	swait.ge [sflag:s8], $0x50  }
0x67: {  	[sflag:s8] =	ssyncset.done $0x0  }
0x68: {  	[sflag:s8] =	ssyncadd.s32 $0xFFFFFFB0  }
0x69: {  	_ =	sfence.sel $0x180000  }
0x6a: {  	[bflag:$0x0] =	sbarrier.arrive $0xFFFF  }
0x6b: {  	p0 =	sne.s32 s1, $0x0;
	_ =	strace $0x90000047  }
0x6c: {  	s0 =	sadd.s32 @!p0 $0x100000, s0;
	[bflag:$0x2] =	sbarrier.arrive $0xFFFF  }
0x6d: {  	[sflag:s0] =	ssyncadd.tile.s32 @!p0 $0x1;
	_ =	shalt  }
.Lfunc_end2:
_tile_overlayer_lowered:
.L_overlay_start_2:
0x6e: {  	(tag) =	ssettag $0x2  }
0x6f: {  	s0 =	rddreg [dreg:$0x0];
	s2 =	stileid.u32  }
0x70: {  	s1 =	rddreg [dreg:$0x1];
	p0 =	sne.s32 s2, $0x0  }
0x71: {  	s3 =	rddreg [dreg:$0x2];
	[bflag:$0x3] =	sbarrier.arrive $0xFFFF;
	s2 =	simm.s32 @!p0 $0x1C01  }
0x72: {  	[timem:s3], [sflag:s2] =	dma.local @!p0 [hbm:s0], s1  }
0x73: {  	s0 =	simm.s32 @!p0 $0x1  }
0x74: {  	_ =	swait.ge @!p0 [sflag:s0], s1  }
0x75: {  	s1 =	ssub.s32 @!p0 $0x0, s1;
	[sflag:s0] =	ssyncset.done @!p0 $0x0  }
0x76: {  	[sflag:s0] =	ssyncadd.s32 @!p0 s1  }
0x77: {  	[bflag:$0x3] =	sbarrier.arrive $0xFFFF  }
0x78: {  	_ =	shalt  }

</sc_bundles>
